<compile_context>
chip_gen: v7x
topology: tpu7x:2x2x1
jax: 0.10.2.dev20260603
libtpu: 0.0.44.dev20260713+nightly
codegen_flags: <defaults>
</compile_context>

<pallas_src>
import functools

import jax
import jax.numpy as jnp
from jax import lax
from jax.experimental import pallas as pl
from jax.experimental.pallas import tpu as pltpu
from jax.experimental.pallas import tpu_sc as plsc

N = 10000
N_PAD = 10240
IN_DIM = 128
HID = 64
OUT = 16
E = 320000
NC = 2
NS = 16
NW = NC * NS
CHUNK = 128
E_PER_W = E // NW
K = 8
CHUNKS = 80
E_PAD_W = CHUNKS * CHUNK
ROWS_PER_TILE = N_PAD // NS

_mesh = plsc.VectorSubcoreMesh(core_axis_name="c", subcore_axis_name="s")


@functools.partial(
    pl.kernel,
    out_type=jax.ShapeDtypeStruct((NC, N_PAD), jnp.float32),
    mesh=_mesh,
    scratch_types=[
        pltpu.VMEM((CHUNKS, CHUNK), jnp.int32),
        pltpu.VMEM((CHUNK,), jnp.float32),
        pltpu.VMEM_SHARED((N_PAD,), jnp.float32),
        pltpu.SemaphoreType.DMA,
    ],
)
def _sc_degree(dst_hbm, zeros_hbm, out_hbm, dst_v, ones_v, acc, sem):
    c = lax.axis_index("c")
    s = lax.axis_index("s")
    wid = c * NS + s
    r0 = s * ROWS_PER_TILE
    pltpu.sync_copy(zeros_hbm.at[pl.ds(r0, ROWS_PER_TILE)],
                    acc.at[pl.ds(r0, ROWS_PER_TILE)])
    pltpu.sync_copy(dst_hbm.at[wid], dst_v)
    for i in range(CHUNK // 16):
        ones_v[pl.ds(i * 16, 16)] = jnp.full((16,), 1.0, jnp.float32)
    plsc.subcore_barrier()

    def body(r, carry):
        ds = [pltpu.async_copy(ones_v, acc.at[dst_v.at[r * K + k]], sem,
                               add=True)
              for k in range(K)]
        for d in ds:
            d.wait()
        return carry

    lax.fori_loop(0, CHUNKS // K, body, 0)
    plsc.subcore_barrier()
    pltpu.sync_copy(acc.at[pl.ds(r0, ROWS_PER_TILE)],
                    out_hbm.at[c, pl.ds(r0, ROWS_PER_TILE)])


def _make_agg(D, table_in_spmem, K=K):
    @functools.partial(
        pl.kernel,
        out_type=jax.ShapeDtypeStruct((NC, N_PAD, D), jnp.float32),
        mesh=_mesh,
        scratch_types=[
            pltpu.VMEM((CHUNKS, CHUNK), jnp.int32),
            pltpu.VMEM((CHUNKS, CHUNK), jnp.int32),
            pltpu.VMEM((K, CHUNK, D), jnp.float32),
            pltpu.VMEM_SHARED((N_PAD, D), jnp.float32),
            pltpu.VMEM_SHARED((N_PAD, D) if table_in_spmem else (8,),
                              jnp.float32),
            pltpu.SemaphoreType.DMA,
            pltpu.SemaphoreType.DMA,
        ],
        compiler_params=pltpu.CompilerParams(use_tc_tiling_on_sc=False),
    )
    def agg(h_hbm, src_hbm, dst_hbm, zeros_hbm, out_hbm,
            src_v, dst_v, rows_v, acc, table, gsem, ssem):
        c = lax.axis_index("c")
        s = lax.axis_index("s")
        wid = c * NS + s
        r0 = s * ROWS_PER_TILE
        pltpu.sync_copy(zeros_hbm.at[pl.ds(r0, ROWS_PER_TILE)],
                        acc.at[pl.ds(r0, ROWS_PER_TILE)])
        if table_in_spmem:
            pltpu.sync_copy(h_hbm.at[pl.ds(r0, ROWS_PER_TILE)],
                            table.at[pl.ds(r0, ROWS_PER_TILE)])
            gsrc = table
        else:
            gsrc = h_hbm
        pltpu.sync_copy(src_hbm.at[wid], src_v)
        pltpu.sync_copy(dst_hbm.at[wid], dst_v)
        plsc.subcore_barrier()

        def body(r, carry):
            gds = [pltpu.async_copy(gsrc.at[src_v.at[r * K + k]],
                                    rows_v.at[k], gsem)
                   for k in range(K)]
            sds = []
            for k in range(K):
                gds[k].wait()
                sds.append(pltpu.async_copy(rows_v.at[k],
                                            acc.at[dst_v.at[r * K + k]],
                                            ssem, add=True))
            for d in sds:
                d.wait()
            return carry

        lax.fori_loop(0, CHUNKS // K, body, 0)
        plsc.subcore_barrier()
        pltpu.sync_copy(acc.at[pl.ds(r0, ROWS_PER_TILE)],
                        out_hbm.at[c, pl.ds(r0, ROWS_PER_TILE)])

    return agg


_agg_hid = _make_agg(HID, table_in_spmem=True, K=2)
_agg_out = _make_agg(OUT, table_in_spmem=True)


_BR = 1024


def _dinv_col(deg_ref):
    deg = deg_ref[:, 0:1] + deg_ref[:, 1:2] + 1.0
    return lax.rsqrt(deg)


def _tc1a_body(x_ref, w_ref, o_ref):
    o_ref[...] = jnp.dot(x_ref[...], w_ref[...],
                         preferred_element_type=jnp.float32)


def _tc1a(xp, W1):
    return pl.pallas_call(
        _tc1a_body,
        grid=(N_PAD // _BR,),
        in_specs=[
            pl.BlockSpec((_BR, IN_DIM), lambda i: (i, 0)),
            pl.BlockSpec((IN_DIM, HID), lambda i: (0, 0)),
        ],
        out_specs=pl.BlockSpec((_BR, HID), lambda i: (i, 0)),
        out_shape=jax.ShapeDtypeStruct((N_PAD, HID), jnp.float32),
    )(xp, W1)


def _tc1b_body(deg_ref, h_ref, o_ref):
    o_ref[...] = h_ref[...] * _dinv_col(deg_ref)


def _tc1b(degt, h1):
    return pl.pallas_call(
        _tc1b_body,
        grid=(N_PAD // _BR,),
        in_specs=[
            pl.BlockSpec((_BR, 2), lambda i: (i, 0)),
            pl.BlockSpec((_BR, HID), lambda i: (i, 0)),
        ],
        out_specs=pl.BlockSpec((_BR, HID), lambda i: (i, 0)),
        out_shape=jax.ShapeDtypeStruct((N_PAD, HID), jnp.float32),
    )(degt, h1)


def _tc2_body(p_ref, h_ref, deg_ref, b_ref, w_ref, o_ref):
    dinv = _dinv_col(deg_ref)
    agg = p_ref[0] + p_ref[1] + h_ref[...]
    z = jnp.maximum(agg * dinv + b_ref[...], 0.0)
    h2 = jnp.dot(z, w_ref[...], preferred_element_type=jnp.float32)
    o_ref[...] = h2 * dinv


def _tc2(p1, h1s, degt, b1, W2):
    return pl.pallas_call(
        _tc2_body,
        grid=(N_PAD // _BR,),
        in_specs=[
            pl.BlockSpec((NC, _BR, HID), lambda i: (0, i, 0)),
            pl.BlockSpec((_BR, HID), lambda i: (i, 0)),
            pl.BlockSpec((_BR, 2), lambda i: (i, 0)),
            pl.BlockSpec((1, HID), lambda i: (0, 0)),
            pl.BlockSpec((HID, OUT), lambda i: (0, 0)),
        ],
        out_specs=pl.BlockSpec((_BR, OUT), lambda i: (i, 0)),
        out_shape=jax.ShapeDtypeStruct((N_PAD, OUT), jnp.float32),
    )(p1, h1s, degt, b1, W2)


def _tc3_body(p_ref, h_ref, deg_ref, b_ref, o_ref):
    dinv = _dinv_col(deg_ref)
    o = (p_ref[0] + p_ref[1] + h_ref[...]) * dinv + b_ref[...]
    m = jnp.max(o, axis=1, keepdims=True)
    lse = jnp.log(jnp.sum(jnp.exp(o - m), axis=1, keepdims=True)) + m
    o_ref[...] = o - lse


def _tc3(p2, h2s, degt, b2):
    return pl.pallas_call(
        _tc3_body,
        grid=(N_PAD // _BR,),
        in_specs=[
            pl.BlockSpec((NC, _BR, OUT), lambda i: (0, i, 0)),
            pl.BlockSpec((_BR, OUT), lambda i: (i, 0)),
            pl.BlockSpec((_BR, 2), lambda i: (i, 0)),
            pl.BlockSpec((1, OUT), lambda i: (0, 0)),
        ],
        out_specs=pl.BlockSpec((_BR, OUT), lambda i: (i, 0)),
        out_shape=jax.ShapeDtypeStruct((N_PAD, OUT), jnp.float32),
    )(p2, h2s, degt, b2)


def _edge_layout(a):
    a = a.reshape(NW, E_PER_W)
    a = jnp.pad(a, ((0, 0), (0, E_PAD_W - E_PER_W)),
                constant_values=N_PAD - 1)
    return a.reshape(NW, CHUNKS, CHUNK)


@jax.jit
def kernel(x, edge_index, W1, b1, W2, b2):
    ei = edge_index.astype(jnp.int32)
    src3 = _edge_layout(ei[0])
    dst3 = _edge_layout(ei[1])
    xp = jnp.pad(x, ((0, N_PAD - N), (0, 0)))
    z1 = jnp.zeros((N_PAD,), jnp.float32)
    zh = jnp.zeros((N_PAD, HID), jnp.float32)
    zo = jnp.zeros((N_PAD, OUT), jnp.float32)

    degp = _sc_degree(dst3, z1)
    h1 = _tc1a(xp, W1)
    degt = degp.T
    h1s = _tc1b(degt, h1)
    p1 = _agg_hid(h1s, src3, dst3, zh)
    h2s = _tc2(p1, h1s, degt, b1.reshape(1, HID), W2)
    p2 = _agg_out(h2s, src3, dst3, zo)
    o = _tc3(p2, h2s, degt, b2.reshape(1, OUT))
    return o[:N]

# --- scband reference (transcript-rebuilt; emitter-appended) ---
"""Pipeline reference for scband-gcn-24653112279562 (READ-ONLY COPY).

The authoritative reference and input builder live on the scoring server;
editing this copy changes nothing except your own understanding.
"""

import jax, jax.numpy as jnp
import numpy as np

N_NODES = 10000
IN_DIM = 128
HID_DIM = 64
OUT_DIM = 16
N_EDGES = 320000


def gcn_conv(x, edge_index, W, b, num_nodes):
    src = edge_index[0]
    dst = edge_index[1]
    # add self loops (PyG GCNConv default add_self_loops=True)
    loop = jnp.arange(num_nodes, dtype=edge_index.dtype)
    src = jnp.concatenate([src, loop])
    dst = jnp.concatenate([dst, loop])
    # linear transform
    h = x @ W
    # symmetric normalization D^{-1/2} A_hat D^{-1/2}
    deg = jnp.zeros((num_nodes,), dtype=x.dtype).at[dst].add(jnp.ones_like(dst, dtype=x.dtype))
    dinv = jnp.where(deg > 0, deg ** -0.5, 0.0)
    norm = dinv[src] * dinv[dst]
    msg = h[src] * norm[:, None]
    out = jnp.zeros((num_nodes, W.shape[1]), dtype=x.dtype).at[dst].add(msg)
    return out + b


def setup_inputs(seed: int = 0) -> dict:
    key = jax.random.key(seed)
    k1, k2, k3, k4 = jax.random.split(key, 4)
    x = jax.random.normal(k1, (N_NODES, IN_DIM), dtype=jnp.float32)
    edge_index = jax.random.randint(k2, (2, N_EDGES), 0, N_NODES, dtype=jnp.int64)
    # GCNConv weights (glorot-style scale)
    W1 = jax.random.normal(k3, (IN_DIM, HID_DIM), dtype=jnp.float32) * (1.0 / np.sqrt(IN_DIM))
    b1 = jnp.zeros((HID_DIM,), dtype=jnp.float32)
    W2 = jax.random.normal(k4, (HID_DIM, OUT_DIM), dtype=jnp.float32) * (1.0 / np.sqrt(HID_DIM))
    b2 = jnp.zeros((OUT_DIM,), dtype=jnp.float32)
    return {"x": x, "edge_index": edge_index, "W1": W1, "b1": b1, "W2": W2, "b2": b2}


def reference(x, edge_index, W1, b1, W2, b2):
    h = gcn_conv(x, edge_index, W1, b1, N_NODES)
    h = jax.nn.relu(h)
    # dropout(0.5) is identity in eval mode
    h = gcn_conv(h, edge_index, W2, b2, N_NODES)
    return jax.nn.log_softmax(h, axis=1)

if __name__ == "__main__":
    import jax
    _d = setup_inputs()
    print(jax.jit(kernel)(*tuple(_d.values())))

</pallas_src>

<mosaic_0001>
#map = affine_map<(d0, d1) -> (0, 0)>
#map1 = affine_map<(d0, d1) -> (0, 0, 0)>
module attributes {stable_mosaic.version = 14 : i64} {
  func.func @agg(%arg0: i32, %arg1: i32, %arg2: memref<10240x64xf32, #tpu.memory_space<hbm>>, %arg3: memref<32x80x128xi32, #tpu.memory_space<hbm>>, %arg4: memref<32x80x128xi32, #tpu.memory_space<hbm>>, %arg5: memref<10240x64xf32, #tpu.memory_space<hbm>>, %arg6: memref<2x10240x64xf32, #tpu.memory_space<hbm>>, %arg7: memref<80x128xi32, #tpu.memory_space<vmem>>, %arg8: memref<80x128xi32, #tpu.memory_space<vmem>>, %arg9: memref<2x128x64xf32, #tpu.memory_space<vmem>>, %arg10: memref<10240x64xf32, #tpu.memory_space<vmem_shared>>, %arg11: memref<10240x64xf32, #tpu.memory_space<vmem_shared>>, %arg12: memref<!tpu.dma_semaphore, #tpu.memory_space<semaphore_mem>>, %arg13: memref<!tpu.dma_semaphore, #tpu.memory_space<semaphore_mem>>) attributes {dimension_semantics = [#tpu.dimension_semantics<core_parallel>, #tpu.dimension_semantics<subcore_parallel>], iteration_bounds = array<i64: 2, 16>, scalar_prefetch = 0 : i64, scratch_operands = 7 : i64, tpu.core_type = #tpu.core_type<sc_vector_subcore>, window_params = [{transform_indices = #map}, {transform_indices = #map1}, {transform_indices = #map1}, {transform_indices = #map}, {transform_indices = #map1}]} {
    %mul3A = arith.constant 16 : i32
    %mul3A_0 = arith.muli %arg0, %mul3A : i32
    %add3A = arith.addi %mul3A_0, %arg1 : i32
    %mul3A_1 = arith.constant 640 : i32
    %mul3A_2 = arith.muli %arg1, %mul3A_1 : i32
    "tpu.region"() ({
      %run_scoped3A = tpu.sem_alloc : memref<!tpu.dma_semaphore, #tpu.memory_space<semaphore_mem>>
      %dma_start3A = arith.constant 0 : i32
      %dma_start3A_9 = tpu.memref_slice %arg10[%mul3A_2, %dma_start3A] : memref<10240x64xf32, #tpu.memory_space<vmem_shared>> -> memref<640x64xf32, #tpu.memory_space<vmem_shared>>
      %dma_start3A_10 = arith.constant 0 : i32
      %dma_start3A_11 = tpu.memref_slice %arg5[%mul3A_2, %dma_start3A_10] : memref<10240x64xf32, #tpu.memory_space<hbm>> -> memref<640x64xf32, #tpu.memory_space<hbm>>
      tpu.enqueue_dma source(%dma_start3A_11 : memref<640x64xf32, #tpu.memory_space<hbm>>) target(%dma_start3A_9 : memref<640x64xf32, #tpu.memory_space<vmem_shared>>) target_semaphore(%run_scoped3A : memref<!tpu.dma_semaphore, #tpu.memory_space<semaphore_mem>>)
      %dma_wait3A = arith.constant 0 : i32
      %dma_wait3A_12 = tpu.memref_slice %arg10[%mul3A_2, %dma_wait3A] : memref<10240x64xf32, #tpu.memory_space<vmem_shared>> -> memref<640x64xf32, #tpu.memory_space<vmem_shared>>
      %dma_wait3A_13 = arith.constant 0 : i32
      %dma_wait3A_14 = tpu.memref_slice %arg5[%mul3A_2, %dma_wait3A_13] : memref<10240x64xf32, #tpu.memory_space<hbm>> -> memref<640x64xf32, #tpu.memory_space<hbm>>
      tpu.wait_dma2 semaphore(%run_scoped3A : memref<!tpu.dma_semaphore, #tpu.memory_space<semaphore_mem>>) src(%dma_wait3A_14 : memref<640x64xf32, #tpu.memory_space<hbm>>) dst(%dma_wait3A_12 : memref<640x64xf32, #tpu.memory_space<vmem_shared>>)
      tpu.yield
    }) : () -> ()
    "tpu.region"() ({
      %run_scoped3A = tpu.sem_alloc : memref<!tpu.dma_semaphore, #tpu.memory_space<semaphore_mem>>
      %dma_start3A = arith.constant 0 : i32
      %dma_start3A_9 = tpu.memref_slice %arg11[%mul3A_2, %dma_start3A] : memref<10240x64xf32, #tpu.memory_space<vmem_shared>> -> memref<640x64xf32, #tpu.memory_space<vmem_shared>>
      %dma_start3A_10 = arith.constant 0 : i32
      %dma_start3A_11 = tpu.memref_slice %arg2[%mul3A_2, %dma_start3A_10] : memref<10240x64xf32, #tpu.memory_space<hbm>> -> memref<640x64xf32, #tpu.memory_space<hbm>>
      tpu.enqueue_dma source(%dma_start3A_11 : memref<640x64xf32, #tpu.memory_space<hbm>>) target(%dma_start3A_9 : memref<640x64xf32, #tpu.memory_space<vmem_shared>>) target_semaphore(%run_scoped3A : memref<!tpu.dma_semaphore, #tpu.memory_space<semaphore_mem>>)
      %dma_wait3A = arith.constant 0 : i32
      %dma_wait3A_12 = tpu.memref_slice %arg11[%mul3A_2, %dma_wait3A] : memref<10240x64xf32, #tpu.memory_space<vmem_shared>> -> memref<640x64xf32, #tpu.memory_space<vmem_shared>>
      %dma_wait3A_13 = arith.constant 0 : i32
      %dma_wait3A_14 = tpu.memref_slice %arg2[%mul3A_2, %dma_wait3A_13] : memref<10240x64xf32, #tpu.memory_space<hbm>> -> memref<640x64xf32, #tpu.memory_space<hbm>>
      tpu.wait_dma2 semaphore(%run_scoped3A : memref<!tpu.dma_semaphore, #tpu.memory_space<semaphore_mem>>) src(%dma_wait3A_14 : memref<640x64xf32, #tpu.memory_space<hbm>>) dst(%dma_wait3A_12 : memref<640x64xf32, #tpu.memory_space<vmem_shared>>)
      tpu.yield
    }) : () -> ()
    "tpu.region"() ({
      %run_scoped3A = tpu.sem_alloc : memref<!tpu.dma_semaphore, #tpu.memory_space<semaphore_mem>>
      %dma_start3A = arith.constant 0 : i32
      %dma_start3A_9 = arith.constant 0 : i32
      %dma_start3A_10 = tpu.memref_slice %arg3[%add3A, %dma_start3A, %dma_start3A_9] : memref<32x80x128xi32, #tpu.memory_space<hbm>> -> memref<1x80x128xi32, #tpu.memory_space<hbm>>
      %dma_start3A_11 = tpu.memref_squeeze %dma_start3A_10 : memref<1x80x128xi32, #tpu.memory_space<hbm>> -> memref<80x128xi32, #tpu.memory_space<hbm>>
      %dma_start3A_12 = arith.constant 0 : i32
      %dma_start3A_13 = arith.constant 0 : i32
      %dma_start3A_14 = tpu.memref_slice %arg3[%add3A, %dma_start3A_12, %dma_start3A_13] : memref<32x80x128xi32, #tpu.memory_space<hbm>> -> memref<1x80x128xi32, #tpu.memory_space<hbm>>
      %dma_start3A_15 = tpu.memref_squeeze %dma_start3A_14 : memref<1x80x128xi32, #tpu.memory_space<hbm>> -> memref<80x128xi32, #tpu.memory_space<hbm>>
      tpu.enqueue_dma source(%dma_start3A_15 : memref<80x128xi32, #tpu.memory_space<hbm>>) target(%arg7 : memref<80x128xi32, #tpu.memory_space<vmem>>) target_semaphore(%run_scoped3A : memref<!tpu.dma_semaphore, #tpu.memory_space<semaphore_mem>>)
      %dma_wait3A = arith.constant 0 : i32
      %dma_wait3A_16 = arith.constant 0 : i32
      %dma_wait3A_17 = tpu.memref_slice %arg3[%add3A, %dma_wait3A, %dma_wait3A_16] : memref<32x80x128xi32, #tpu.memory_space<hbm>> -> memref<1x80x128xi32, #tpu.memory_space<hbm>>
      %dma_wait3A_18 = tpu.memref_squeeze %dma_wait3A_17 : memref<1x80x128xi32, #tpu.memory_space<hbm>> -> memref<80x128xi32, #tpu.memory_space<hbm>>
      %dma_wait3A_19 = arith.constant 0 : i32
      %dma_wait3A_20 = arith.constant 0 : i32
      %dma_wait3A_21 = tpu.memref_slice %arg3[%add3A, %dma_wait3A_19, %dma_wait3A_20] : memref<32x80x128xi32, #tpu.memory_space<hbm>> -> memref<1x80x128xi32, #tpu.memory_space<hbm>>
      %dma_wait3A_22 = tpu.memref_squeeze %dma_wait3A_21 : memref<1x80x128xi32, #tpu.memory_space<hbm>> -> memref<80x128xi32, #tpu.memory_space<hbm>>
      tpu.wait_dma2 semaphore(%run_scoped3A : memref<!tpu.dma_semaphore, #tpu.memory_space<semaphore_mem>>) src(%dma_wait3A_22 : memref<80x128xi32, #tpu.memory_space<hbm>>) dst(%arg7 : memref<80x128xi32, #tpu.memory_space<vmem>>)
      tpu.yield
    }) : () -> ()
    "tpu.region"() ({
      %run_scoped3A = tpu.sem_alloc : memref<!tpu.dma_semaphore, #tpu.memory_space<semaphore_mem>>
      %dma_start3A = arith.constant 0 : i32
      %dma_start3A_9 = arith.constant 0 : i32
      %dma_start3A_10 = tpu.memref_slice %arg4[%add3A, %dma_start3A, %dma_start3A_9] : memref<32x80x128xi32, #tpu.memory_space<hbm>> -> memref<1x80x128xi32, #tpu.memory_space<hbm>>
      %dma_start3A_11 = tpu.memref_squeeze %dma_start3A_10 : memref<1x80x128xi32, #tpu.memory_space<hbm>> -> memref<80x128xi32, #tpu.memory_space<hbm>>
      %dma_start3A_12 = arith.constant 0 : i32
      %dma_start3A_13 = arith.constant 0 : i32
      %dma_start3A_14 = tpu.memref_slice %arg4[%add3A, %dma_start3A_12, %dma_start3A_13] : memref<32x80x128xi32, #tpu.memory_space<hbm>> -> memref<1x80x128xi32, #tpu.memory_space<hbm>>
      %dma_start3A_15 = tpu.memref_squeeze %dma_start3A_14 : memref<1x80x128xi32, #tpu.memory_space<hbm>> -> memref<80x128xi32, #tpu.memory_space<hbm>>
      tpu.enqueue_dma source(%dma_start3A_15 : memref<80x128xi32, #tpu.memory_space<hbm>>) target(%arg8 : memref<80x128xi32, #tpu.memory_space<vmem>>) target_semaphore(%run_scoped3A : memref<!tpu.dma_semaphore, #tpu.memory_space<semaphore_mem>>)
      %dma_wait3A = arith.constant 0 : i32
      %dma_wait3A_16 = arith.constant 0 : i32
      %dma_wait3A_17 = tpu.memref_slice %arg4[%add3A, %dma_wait3A, %dma_wait3A_16] : memref<32x80x128xi32, #tpu.memory_space<hbm>> -> memref<1x80x128xi32, #tpu.memory_space<hbm>>
      %dma_wait3A_18 = tpu.memref_squeeze %dma_wait3A_17 : memref<1x80x128xi32, #tpu.memory_space<hbm>> -> memref<80x128xi32, #tpu.memory_space<hbm>>
      %dma_wait3A_19 = arith.constant 0 : i32
      %dma_wait3A_20 = arith.constant 0 : i32
      %dma_wait3A_21 = tpu.memref_slice %arg4[%add3A, %dma_wait3A_19, %dma_wait3A_20] : memref<32x80x128xi32, #tpu.memory_space<hbm>> -> memref<1x80x128xi32, #tpu.memory_space<hbm>>
      %dma_wait3A_22 = tpu.memref_squeeze %dma_wait3A_21 : memref<1x80x128xi32, #tpu.memory_space<hbm>> -> memref<80x128xi32, #tpu.memory_space<hbm>>
      tpu.wait_dma2 semaphore(%run_scoped3A : memref<!tpu.dma_semaphore, #tpu.memory_space<semaphore_mem>>) src(%dma_wait3A_22 : memref<80x128xi32, #tpu.memory_space<hbm>>) dst(%arg8 : memref<80x128xi32, #tpu.memory_space<vmem>>)
      tpu.yield
    }) : () -> ()
    %barrier3A = arith.constant 0 : index
    tpu.barrier barrier_id(%barrier3A)
    %scan3A = arith.constant 0 : i32
    %scan3A_3 = arith.constant 0 : i32
    %scan3A_4 = arith.constant 40 : i32
    %scan3A_5 = arith.addi %scan3A_3, %scan3A_4 : i32
    %scan3A_6 = arith.constant 1 : i32
    scf.for %scan3A_9 = %scan3A_3 to %scan3A_5 step %scan3A_6  : i32 {
      %mul3A_10 = arith.constant 2 : i32
      %mul3A_11 = arith.muli %scan3A_9, %mul3A_10 : i32
      %add3A_12 = arith.constant 0 : i32
      %add3A_13 = arith.addi %mul3A_11, %add3A_12 : i32
      %dma_start3A = arith.constant 0 : i32
      %dma_start3A_14 = arith.constant 0 : i32
      %dma_start3A_15 = arith.constant 0 : i32
      %dma_start3A_16 = tpu.memref_slice %arg9[%dma_start3A, %dma_start3A_14, %dma_start3A_15] : memref<2x128x64xf32, #tpu.memory_space<vmem>> -> memref<1x128x64xf32, #tpu.memory_space<vmem>>
      %dma_start3A_17 = tpu.memref_squeeze %dma_start3A_16 : memref<1x128x64xf32, #tpu.memory_space<vmem>> -> memref<128x64xf32, #tpu.memory_space<vmem>>
      %dma_start3A_18 = arith.constant 0 : i32
      %dma_start3A_19 = tpu.memref_slice %arg7[%add3A_13, %dma_start3A_18] : memref<80x128xi32, #tpu.memory_space<vmem>> -> memref<1x128xi32, #tpu.memory_space<vmem>>
      %dma_start3A_20 = tpu.memref_squeeze %dma_start3A_19 : memref<1x128xi32, #tpu.memory_space<vmem>> -> memref<128xi32, #tpu.memory_space<vmem>>
      %dma_start3A_21 = arith.constant 0 : i32
      %dma_start3A_22 = arith.constant 0 : i32
      %dma_start3A_23 = tpu.memref_slice %arg11[%dma_start3A_21, %dma_start3A_22] : memref<10240x64xf32, #tpu.memory_space<vmem_shared>> -> memref<10240x64xf32, #tpu.memory_space<vmem_shared>>
      tpu.enqueue_indirect_dma source(%dma_start3A_23 : memref<10240x64xf32, #tpu.memory_space<vmem_shared>>) target(%dma_start3A_17 : memref<128x64xf32, #tpu.memory_space<vmem>>) offsets(%dma_start3A_20 : memref<128xi32, #tpu.memory_space<vmem>>) semaphore(%arg12 : memref<!tpu.dma_semaphore, #tpu.memory_space<semaphore_mem>>)
      %mul3A_24 = arith.constant 2 : i32
      %mul3A_25 = arith.muli %scan3A_9, %mul3A_24 : i32
      %add3A_26 = arith.constant 1 : i32
      %add3A_27 = arith.addi %mul3A_25, %add3A_26 : i32
      %dma_start3A_28 = arith.constant 1 : i32
      %dma_start3A_29 = arith.constant 0 : i32
      %dma_start3A_30 = arith.constant 0 : i32
      %dma_start3A_31 = tpu.memref_slice %arg9[%dma_start3A_28, %dma_start3A_29, %dma_start3A_30] : memref<2x128x64xf32, #tpu.memory_space<vmem>> -> memref<1x128x64xf32, #tpu.memory_space<vmem>>
      %dma_start3A_32 = tpu.memref_squeeze %dma_start3A_31 : memref<1x128x64xf32, #tpu.memory_space<vmem>> -> memref<128x64xf32, #tpu.memory_space<vmem>>
      %dma_start3A_33 = arith.constant 0 : i32
      %dma_start3A_34 = tpu.memref_slice %arg7[%add3A_27, %dma_start3A_33] : memref<80x128xi32, #tpu.memory_space<vmem>> -> memref<1x128xi32, #tpu.memory_space<vmem>>
      %dma_start3A_35 = tpu.memref_squeeze %dma_start3A_34 : memref<1x128xi32, #tpu.memory_space<vmem>> -> memref<128xi32, #tpu.memory_space<vmem>>
      %dma_start3A_36 = arith.constant 0 : i32
      %dma_start3A_37 = arith.constant 0 : i32
      %dma_start3A_38 = tpu.memref_slice %arg11[%dma_start3A_36, %dma_start3A_37] : memref<10240x64xf32, #tpu.memory_space<vmem_shared>> -> memref<10240x64xf32, #tpu.memory_space<vmem_shared>>
      tpu.enqueue_indirect_dma source(%dma_start3A_38 : memref<10240x64xf32, #tpu.memory_space<vmem_shared>>) target(%dma_start3A_32 : memref<128x64xf32, #tpu.memory_space<vmem>>) offsets(%dma_start3A_35 : memref<128xi32, #tpu.memory_space<vmem>>) semaphore(%arg12 : memref<!tpu.dma_semaphore, #tpu.memory_space<semaphore_mem>>)
      %dma_wait3A = arith.constant 0 : i32
      %dma_wait3A_39 = arith.constant 0 : i32
      %dma_wait3A_40 = arith.constant 0 : i32
      %dma_wait3A_41 = tpu.memref_slice %arg9[%dma_wait3A, %dma_wait3A_39, %dma_wait3A_40] : memref<2x128x64xf32, #tpu.memory_space<vmem>> -> memref<1x128x64xf32, #tpu.memory_space<vmem>>
      %dma_wait3A_42 = tpu.memref_squeeze %dma_wait3A_41 : memref<1x128x64xf32, #tpu.memory_space<vmem>> -> memref<128x64xf32, #tpu.memory_space<vmem>>
      %dma_wait3A_43 = arith.constant 0 : i32
      %dma_wait3A_44 = tpu.memref_slice %arg7[%add3A_13, %dma_wait3A_43] : memref<80x128xi32, #tpu.memory_space<vmem>> -> memref<1x128xi32, #tpu.memory_space<vmem>>
      %dma_wait3A_45 = tpu.memref_squeeze %dma_wait3A_44 : memref<1x128xi32, #tpu.memory_space<vmem>> -> memref<128xi32, #tpu.memory_space<vmem>>
      %dma_wait3A_46 = arith.constant 0 : i32
      %dma_wait3A_47 = arith.constant 0 : i32
      %dma_wait3A_48 = tpu.memref_slice %arg11[%dma_wait3A_46, %dma_wait3A_47] : memref<10240x64xf32, #tpu.memory_space<vmem_shared>> -> memref<10240x64xf32, #tpu.memory_space<vmem_shared>>
      tpu.wait_indirect_dma semaphore(%arg12 : memref<!tpu.dma_semaphore, #tpu.memory_space<semaphore_mem>>) src(%dma_wait3A_48 : memref<10240x64xf32, #tpu.memory_space<vmem_shared>>) dst(%dma_wait3A_42 : memref<128x64xf32, #tpu.memory_space<vmem>>)
      %mul3A_49 = arith.constant 2 : i32
      %mul3A_50 = arith.muli %scan3A_9, %mul3A_49 : i32
      %add3A_51 = arith.constant 0 : i32
      %add3A_52 = arith.addi %mul3A_50, %add3A_51 : i32
      %dma_start3A_53 = arith.constant 0 : i32
      %dma_start3A_54 = arith.constant 0 : i32
      %dma_start3A_55 = arith.constant 0 : i32
      %dma_start3A_56 = tpu.memref_slice %arg9[%dma_start3A_53, %dma_start3A_54, %dma_start3A_55] : memref<2x128x64xf32, #tpu.memory_space<vmem>> -> memref<1x128x64xf32, #tpu.memory_space<vmem>>
      %dma_start3A_57 = tpu.memref_squeeze %dma_start3A_56 : memref<1x128x64xf32, #tpu.memory_space<vmem>> -> memref<128x64xf32, #tpu.memory_space<vmem>>
      %dma_start3A_58 = arith.constant 0 : i32
      %dma_start3A_59 = tpu.memref_slice %arg8[%add3A_52, %dma_start3A_58] : memref<80x128xi32, #tpu.memory_space<vmem>> -> memref<1x128xi32, #tpu.memory_space<vmem>>
      %dma_start3A_60 = tpu.memref_squeeze %dma_start3A_59 : memref<1x128xi32, #tpu.memory_space<vmem>> -> memref<128xi32, #tpu.memory_space<vmem>>
      %dma_start3A_61 = arith.constant 0 : i32
      %dma_start3A_62 = arith.constant 0 : i32
      %dma_start3A_63 = tpu.memref_slice %arg10[%dma_start3A_61, %dma_start3A_62] : memref<10240x64xf32, #tpu.memory_space<vmem_shared>> -> memref<10240x64xf32, #tpu.memory_space<vmem_shared>>
      tpu.enqueue_indirect_dma source(%dma_start3A_57 : memref<128x64xf32, #tpu.memory_space<vmem>>) target(%dma_start3A_63 : memref<10240x64xf32, #tpu.memory_space<vmem_shared>>) offsets(%dma_start3A_60 : memref<128xi32, #tpu.memory_space<vmem>>) semaphore(%arg13 : memref<!tpu.dma_semaphore, #tpu.memory_space<semaphore_mem>>) {add = true}
      %dma_wait3A_64 = arith.constant 1 : i32
      %dma_wait3A_65 = arith.constant 0 : i32
      %dma_wait3A_66 = arith.constant 0 : i32
      %dma_wait3A_67 = tpu.memref_slice %arg9[%dma_wait3A_64, %dma_wait3A_65, %dma_wait3A_66] : memref<2x128x64xf32, #tpu.memory_space<vmem>> -> memref<1x128x64xf32, #tpu.memory_space<vmem>>
      %dma_wait3A_68 = tpu.memref_squeeze %dma_wait3A_67 : memref<1x128x64xf32, #tpu.memory_space<vmem>> -> memref<128x64xf32, #tpu.memory_space<vmem>>
      %dma_wait3A_69 = arith.constant 0 : i32
      %dma_wait3A_70 = tpu.memref_slice %arg7[%add3A_27, %dma_wait3A_69] : memref<80x128xi32, #tpu.memory_space<vmem>> -> memref<1x128xi32, #tpu.memory_space<vmem>>
      %dma_wait3A_71 = tpu.memref_squeeze %dma_wait3A_70 : memref<1x128xi32, #tpu.memory_space<vmem>> -> memref<128xi32, #tpu.memory_space<vmem>>
      %dma_wait3A_72 = arith.constant 0 : i32
      %dma_wait3A_73 = arith.constant 0 : i32
      %dma_wait3A_74 = tpu.memref_slice %arg11[%dma_wait3A_72, %dma_wait3A_73] : memref<10240x64xf32, #tpu.memory_space<vmem_shared>> -> memref<10240x64xf32, #tpu.memory_space<vmem_shared>>
      tpu.wait_indirect_dma semaphore(%arg12 : memref<!tpu.dma_semaphore, #tpu.memory_space<semaphore_mem>>) src(%dma_wait3A_74 : memref<10240x64xf32, #tpu.memory_space<vmem_shared>>) dst(%dma_wait3A_68 : memref<128x64xf32, #tpu.memory_space<vmem>>)
      %mul3A_75 = arith.constant 2 : i32
      %mul3A_76 = arith.muli %scan3A_9, %mul3A_75 : i32
      %add3A_77 = arith.constant 1 : i32
      %add3A_78 = arith.addi %mul3A_76, %add3A_77 : i32
      %dma_start3A_79 = arith.constant 1 : i32
      %dma_start3A_80 = arith.constant 0 : i32
      %dma_start3A_81 = arith.constant 0 : i32
      %dma_start3A_82 = tpu.memref_slice %arg9[%dma_start3A_79, %dma_start3A_80, %dma_start3A_81] : memref<2x128x64xf32, #tpu.memory_space<vmem>> -> memref<1x128x64xf32, #tpu.memory_space<vmem>>
      %dma_start3A_83 = tpu.memref_squeeze %dma_start3A_82 : memref<1x128x64xf32, #tpu.memory_space<vmem>> -> memref<128x64xf32, #tpu.memory_space<vmem>>
      %dma_start3A_84 = arith.constant 0 : i32
      %dma_start3A_85 = tpu.memref_slice %arg8[%add3A_78, %dma_start3A_84] : memref<80x128xi32, #tpu.memory_space<vmem>> -> memref<1x128xi32, #tpu.memory_space<vmem>>
      %dma_start3A_86 = tpu.memref_squeeze %dma_start3A_85 : memref<1x128xi32, #tpu.memory_space<vmem>> -> memref<128xi32, #tpu.memory_space<vmem>>
      %dma_start3A_87 = arith.constant 0 : i32
      %dma_start3A_88 = arith.constant 0 : i32
      %dma_start3A_89 = tpu.memref_slice %arg10[%dma_start3A_87, %dma_start3A_88] : memref<10240x64xf32, #tpu.memory_space<vmem_shared>> -> memref<10240x64xf32, #tpu.memory_space<vmem_shared>>
      tpu.enqueue_indirect_dma source(%dma_start3A_83 : memref<128x64xf32, #tpu.memory_space<vmem>>) target(%dma_start3A_89 : memref<10240x64xf32, #tpu.memory_space<vmem_shared>>) offsets(%dma_start3A_86 : memref<128xi32, #tpu.memory_space<vmem>>) semaphore(%arg13 : memref<!tpu.dma_semaphore, #tpu.memory_space<semaphore_mem>>) {add = true}
      %dma_wait3A_90 = arith.constant 0 : i32
      %dma_wait3A_91 = arith.constant 0 : i32
      %dma_wait3A_92 = arith.constant 0 : i32
      %dma_wait3A_93 = tpu.memref_slice %arg9[%dma_wait3A_90, %dma_wait3A_91, %dma_wait3A_92] : memref<2x128x64xf32, #tpu.memory_space<vmem>> -> memref<1x128x64xf32, #tpu.memory_space<vmem>>
      %dma_wait3A_94 = tpu.memref_squeeze %dma_wait3A_93 : memref<1x128x64xf32, #tpu.memory_space<vmem>> -> memref<128x64xf32, #tpu.memory_space<vmem>>
      %dma_wait3A_95 = arith.constant 0 : i32
      %dma_wait3A_96 = tpu.memref_slice %arg8[%add3A_52, %dma_wait3A_95] : memref<80x128xi32, #tpu.memory_space<vmem>> -> memref<1x128xi32, #tpu.memory_space<vmem>>
      %dma_wait3A_97 = tpu.memref_squeeze %dma_wait3A_96 : memref<1x128xi32, #tpu.memory_space<vmem>> -> memref<128xi32, #tpu.memory_space<vmem>>
      %dma_wait3A_98 = arith.constant 0 : i32
      %dma_wait3A_99 = arith.constant 0 : i32
      %dma_wait3A_100 = tpu.memref_slice %arg10[%dma_wait3A_98, %dma_wait3A_99] : memref<10240x64xf32, #tpu.memory_space<vmem_shared>> -> memref<10240x64xf32, #tpu.memory_space<vmem_shared>>
      tpu.wait_indirect_dma semaphore(%arg13 : memref<!tpu.dma_semaphore, #tpu.memory_space<semaphore_mem>>) src(%dma_wait3A_94 : memref<128x64xf32, #tpu.memory_space<vmem>>) dst(%dma_wait3A_100 : memref<10240x64xf32, #tpu.memory_space<vmem_shared>>)
      %dma_wait3A_101 = arith.constant 1 : i32
      %dma_wait3A_102 = arith.constant 0 : i32
      %dma_wait3A_103 = arith.constant 0 : i32
      %dma_wait3A_104 = tpu.memref_slice %arg9[%dma_wait3A_101, %dma_wait3A_102, %dma_wait3A_103] : memref<2x128x64xf32, #tpu.memory_space<vmem>> -> memref<1x128x64xf32, #tpu.memory_space<vmem>>
      %dma_wait3A_105 = tpu.memref_squeeze %dma_wait3A_104 : memref<1x128x64xf32, #tpu.memory_space<vmem>> -> memref<128x64xf32, #tpu.memory_space<vmem>>
      %dma_wait3A_106 = arith.constant 0 : i32
      %dma_wait3A_107 = tpu.memref_slice %arg8[%add3A_78, %dma_wait3A_106] : memref<80x128xi32, #tpu.memory_space<vmem>> -> memref<1x128xi32, #tpu.memory_space<vmem>>
      %dma_wait3A_108 = tpu.memref_squeeze %dma_wait3A_107 : memref<1x128xi32, #tpu.memory_space<vmem>> -> memref<128xi32, #tpu.memory_space<vmem>>
      %dma_wait3A_109 = arith.constant 0 : i32
      %dma_wait3A_110 = arith.constant 0 : i32
      %dma_wait3A_111 = tpu.memref_slice %arg10[%dma_wait3A_109, %dma_wait3A_110] : memref<10240x64xf32, #tpu.memory_space<vmem_shared>> -> memref<10240x64xf32, #tpu.memory_space<vmem_shared>>
      tpu.wait_indirect_dma semaphore(%arg13 : memref<!tpu.dma_semaphore, #tpu.memory_space<semaphore_mem>>) src(%dma_wait3A_105 : memref<128x64xf32, #tpu.memory_space<vmem>>) dst(%dma_wait3A_111 : memref<10240x64xf32, #tpu.memory_space<vmem_shared>>)
    }
    %scan3A_7 = arith.constant 40 : i32
    %barrier3A_8 = arith.constant 0 : index
    tpu.barrier barrier_id(%barrier3A_8)
    "tpu.region"() ({
      %run_scoped3A = tpu.sem_alloc : memref<!tpu.dma_semaphore, #tpu.memory_space<semaphore_mem>>
      %dma_start3A = arith.constant 0 : i32
      %dma_start3A_9 = tpu.memref_slice %arg6[%arg0, %mul3A_2, %dma_start3A] : memref<2x10240x64xf32, #tpu.memory_space<hbm>> -> memref<1x640x64xf32, #tpu.memory_space<hbm>>
      %dma_start3A_10 = tpu.memref_squeeze %dma_start3A_9 : memref<1x640x64xf32, #tpu.memory_space<hbm>> -> memref<640x64xf32, #tpu.memory_space<hbm>>
      %dma_start3A_11 = arith.constant 0 : i32
      %dma_start3A_12 = tpu.memref_slice %arg10[%mul3A_2, %dma_start3A_11] : memref<10240x64xf32, #tpu.memory_space<vmem_shared>> -> memref<640x64xf32, #tpu.memory_space<vmem_shared>>
      tpu.enqueue_dma source(%dma_start3A_12 : memref<640x64xf32, #tpu.memory_space<vmem_shared>>) target(%dma_start3A_10 : memref<640x64xf32, #tpu.memory_space<hbm>>) target_semaphore(%run_scoped3A : memref<!tpu.dma_semaphore, #tpu.memory_space<semaphore_mem>>)
      %dma_wait3A = arith.constant 0 : i32
      %dma_wait3A_13 = tpu.memref_slice %arg6[%arg0, %mul3A_2, %dma_wait3A] : memref<2x10240x64xf32, #tpu.memory_space<hbm>> -> memref<1x640x64xf32, #tpu.memory_space<hbm>>
      %dma_wait3A_14 = tpu.memref_squeeze %dma_wait3A_13 : memref<1x640x64xf32, #tpu.memory_space<hbm>> -> memref<640x64xf32, #tpu.memory_space<hbm>>
      %dma_wait3A_15 = arith.constant 0 : i32
      %dma_wait3A_16 = tpu.memref_slice %arg10[%mul3A_2, %dma_wait3A_15] : memref<10240x64xf32, #tpu.memory_space<vmem_shared>> -> memref<640x64xf32, #tpu.memory_space<vmem_shared>>
      tpu.wait_dma2 semaphore(%run_scoped3A : memref<!tpu.dma_semaphore, #tpu.memory_space<semaphore_mem>>) src(%dma_wait3A_16 : memref<640x64xf32, #tpu.memory_space<vmem_shared>>) dst(%dma_wait3A_14 : memref<640x64xf32, #tpu.memory_space<hbm>>)
      tpu.yield
    }) : () -> ()
    return
  }
}

#map = affine_map<(d0, d1) -> (0, 0, 0)>
#map1 = affine_map<(d0, d1) -> (0)>
#map2 = affine_map<(d0, d1) -> (0, 0)>
module attributes {stable_mosaic.version = 14 : i64} {
  func.func @_sc_degree(%arg0: i32, %arg1: i32, %arg2: memref<32x80x128xi32, #tpu.memory_space<hbm>>, %arg3: memref<10240xf32, #tpu.memory_space<hbm>>, %arg4: memref<2x10240xf32, #tpu.memory_space<hbm>>, %arg5: memref<80x128xi32, #tpu.memory_space<vmem>>, %arg6: memref<128xf32, #tpu.memory_space<vmem>>, %arg7: memref<10240xf32, #tpu.memory_space<vmem_shared>>, %arg8: memref<!tpu.dma_semaphore, #tpu.memory_space<semaphore_mem>>) attributes {dimension_semantics = [#tpu.dimension_semantics<core_parallel>, #tpu.dimension_semantics<subcore_parallel>], iteration_bounds = array<i64: 2, 16>, scalar_prefetch = 0 : i64, scratch_operands = 4 : i64, tpu.core_type = #tpu.core_type<sc_vector_subcore>, window_params = [{transform_indices = #map}, {transform_indices = #map1}, {transform_indices = #map2}]} {
    %mul3A = arith.constant 16 : i32
    %mul3A_0 = arith.muli %arg0, %mul3A : i32
    %add3A = arith.addi %mul3A_0, %arg1 : i32
    %mul3A_1 = arith.constant 640 : i32
    %mul3A_2 = arith.muli %arg1, %mul3A_1 : i32
    "tpu.region"() ({
      %run_scoped3A = tpu.sem_alloc : memref<!tpu.dma_semaphore, #tpu.memory_space<semaphore_mem>>
      %dma_start3A = tpu.memref_slice %arg7[%mul3A_2] : memref<10240xf32, #tpu.memory_space<vmem_shared>> -> memref<640xf32, #tpu.memory_space<vmem_shared>>
      %dma_start3A_55 = tpu.memref_slice %arg3[%mul3A_2] : memref<10240xf32, #tpu.memory_space<hbm>> -> memref<640xf32, #tpu.memory_space<hbm>>
      tpu.enqueue_dma source(%dma_start3A_55 : memref<640xf32, #tpu.memory_space<hbm>>) target(%dma_start3A : memref<640xf32, #tpu.memory_space<vmem_shared>>) target_semaphore(%run_scoped3A : memref<!tpu.dma_semaphore, #tpu.memory_space<semaphore_mem>>)
      %dma_wait3A = tpu.memref_slice %arg7[%mul3A_2] : memref<10240xf32, #tpu.memory_space<vmem_shared>> -> memref<640xf32, #tpu.memory_space<vmem_shared>>
      %dma_wait3A_56 = tpu.memref_slice %arg3[%mul3A_2] : memref<10240xf32, #tpu.memory_space<hbm>> -> memref<640xf32, #tpu.memory_space<hbm>>
      tpu.wait_dma2 semaphore(%run_scoped3A : memref<!tpu.dma_semaphore, #tpu.memory_space<semaphore_mem>>) src(%dma_wait3A_56 : memref<640xf32, #tpu.memory_space<hbm>>) dst(%dma_wait3A : memref<640xf32, #tpu.memory_space<vmem_shared>>)
      tpu.yield
    }) : () -> ()
    "tpu.region"() ({
      %run_scoped3A = tpu.sem_alloc : memref<!tpu.dma_semaphore, #tpu.memory_space<semaphore_mem>>
      %dma_start3A = arith.constant 0 : i32
      %dma_start3A_55 = arith.constant 0 : i32
      %dma_start3A_56 = tpu.memref_slice %arg2[%add3A, %dma_start3A, %dma_start3A_55] : memref<32x80x128xi32, #tpu.memory_space<hbm>> -> memref<1x80x128xi32, #tpu.memory_space<hbm>>
      %dma_start3A_57 = tpu.memref_squeeze %dma_start3A_56 : memref<1x80x128xi32, #tpu.memory_space<hbm>> -> memref<80x128xi32, #tpu.memory_space<hbm>>
      %dma_start3A_58 = arith.constant 0 : i32
      %dma_start3A_59 = arith.constant 0 : i32
      %dma_start3A_60 = tpu.memref_slice %arg2[%add3A, %dma_start3A_58, %dma_start3A_59] : memref<32x80x128xi32, #tpu.memory_space<hbm>> -> memref<1x80x128xi32, #tpu.memory_space<hbm>>
      %dma_start3A_61 = tpu.memref_squeeze %dma_start3A_60 : memref<1x80x128xi32, #tpu.memory_space<hbm>> -> memref<80x128xi32, #tpu.memory_space<hbm>>
      tpu.enqueue_dma source(%dma_start3A_61 : memref<80x128xi32, #tpu.memory_space<hbm>>) target(%arg5 : memref<80x128xi32, #tpu.memory_space<vmem>>) target_semaphore(%run_scoped3A : memref<!tpu.dma_semaphore, #tpu.memory_space<semaphore_mem>>)
      %dma_wait3A = arith.constant 0 : i32
      %dma_wait3A_62 = arith.constant 0 : i32
      %dma_wait3A_63 = tpu.memref_slice %arg2[%add3A, %dma_wait3A, %dma_wait3A_62] : memref<32x80x128xi32, #tpu.memory_space<hbm>> -> memref<1x80x128xi32, #tpu.memory_space<hbm>>
      %dma_wait3A_64 = tpu.memref_squeeze %dma_wait3A_63 : memref<1x80x128xi32, #tpu.memory_space<hbm>> -> memref<80x128xi32, #tpu.memory_space<hbm>>
      %dma_wait3A_65 = arith.constant 0 : i32
      %dma_wait3A_66 = arith.constant 0 : i32
      %dma_wait3A_67 = tpu.memref_slice %arg2[%add3A, %dma_wait3A_65, %dma_wait3A_66] : memref<32x80x128xi32, #tpu.memory_space<hbm>> -> memref<1x80x128xi32, #tpu.memory_space<hbm>>
      %dma_wait3A_68 = tpu.memref_squeeze %dma_wait3A_67 : memref<1x80x128xi32, #tpu.memory_space<hbm>> -> memref<80x128xi32, #tpu.memory_space<hbm>>
      tpu.wait_dma2 semaphore(%run_scoped3A : memref<!tpu.dma_semaphore, #tpu.memory_space<semaphore_mem>>) src(%dma_wait3A_68 : memref<80x128xi32, #tpu.memory_space<hbm>>) dst(%arg5 : memref<80x128xi32, #tpu.memory_space<vmem>>)
      tpu.yield
    }) : () -> ()
    %broadcast_in_dim3A = arith.constant 1.000000e+00 : f32
    %broadcast_in_dim3A_3 = vector.broadcast %broadcast_in_dim3A : f32 to vector<16xf32>
    %swap3A = arith.constant 0 : index
    %swap3A_4 = tpu.vector_load %arg6[%swap3A] {strides = array<i32>} : memref<128xf32, #tpu.memory_space<vmem>>, vector<16xf32>,
    %swap3A_5 = vector.shape_cast %swap3A_4 : vector<16xf32> to vector<16xf32>
    %swap3A_6 = vector.shape_cast %broadcast_in_dim3A_3 : vector<16xf32> to vector<16xf32>
    tpu.vector_store %arg6[%swap3A], %swap3A_6 {strides = array<i32>} : memref<128xf32, #tpu.memory_space<vmem>>, vector<16xf32>,
    %broadcast_in_dim3A_7 = arith.constant 1.000000e+00 : f32
    %broadcast_in_dim3A_8 = vector.broadcast %broadcast_in_dim3A_7 : f32 to vector<16xf32>
    %swap3A_9 = arith.constant 16 : index
    %swap3A_10 = tpu.vector_load %arg6[%swap3A_9] {strides = array<i32>} : memref<128xf32, #tpu.memory_space<vmem>>, vector<16xf32>,
    %swap3A_11 = vector.shape_cast %swap3A_10 : vector<16xf32> to vector<16xf32>
    %swap3A_12 = vector.shape_cast %broadcast_in_dim3A_8 : vector<16xf32> to vector<16xf32>
    tpu.vector_store %arg6[%swap3A_9], %swap3A_12 {strides = array<i32>} : memref<128xf32, #tpu.memory_space<vmem>>, vector<16xf32>,
    %broadcast_in_dim3A_13 = arith.constant 1.000000e+00 : f32
    %broadcast_in_dim3A_14 = vector.broadcast %broadcast_in_dim3A_13 : f32 to vector<16xf32>
    %swap3A_15 = arith.constant 32 : index
    %swap3A_16 = tpu.vector_load %arg6[%swap3A_15] {strides = array<i32>} : memref<128xf32, #tpu.memory_space<vmem>>, vector<16xf32>,
    %swap3A_17 = vector.shape_cast %swap3A_16 : vector<16xf32> to vector<16xf32>
    %swap3A_18 = vector.shape_cast %broadcast_in_dim3A_14 : vector<16xf32> to vector<16xf32>
    tpu.vector_store %arg6[%swap3A_15], %swap3A_18 {strides = array<i32>} : memref<128xf32, #tpu.memory_space<vmem>>, vector<16xf32>,
    %broadcast_in_dim3A_19 = arith.constant 1.000000e+00 : f32
    %broadcast_in_dim3A_20 = vector.broadcast %broadcast_in_dim3A_19 : f32 to vector<16xf32>
    %swap3A_21 = arith.constant 48 : index
    %swap3A_22 = tpu.vector_load %arg6[%swap3A_21] {strides = array<i32>} : memref<128xf32, #tpu.memory_space<vmem>>, vector<16xf32>,
    %swap3A_23 = vector.shape_cast %swap3A_22 : vector<16xf32> to vector<16xf32>
    %swap3A_24 = vector.shape_cast %broadcast_in_dim3A_20 : vector<16xf32> to vector<16xf32>
    tpu.vector_store %arg6[%swap3A_21], %swap3A_24 {strides = array<i32>} : memref<128xf32, #tpu.memory_space<vmem>>, vector<16xf32>,
    %broadcast_in_dim3A_25 = arith.constant 1.000000e+00 : f32
    %broadcast_in_dim3A_26 = vector.broadcast %broadcast_in_dim3A_25 : f32 to vector<16xf32>
    %swap3A_27 = arith.constant 64 : index
    %swap3A_28 = tpu.vector_load %arg6[%swap3A_27] {strides = array<i32>} : memref<128xf32, #tpu.memory_space<vmem>>, vector<16xf32>,
    %swap3A_29 = vector.shape_cast %swap3A_28 : vector<16xf32> to vector<16xf32>
    %swap3A_30 = vector.shape_cast %broadcast_in_dim3A_26 : vector<16xf32> to vector<16xf32>
    tpu.vector_store %arg6[%swap3A_27], %swap3A_30 {strides = array<i32>} : memref<128xf32, #tpu.memory_space<vmem>>, vector<16xf32>,
    %broadcast_in_dim3A_31 = arith.constant 1.000000e+00 : f32
    %broadcast_in_dim3A_32 = vector.broadcast %broadcast_in_dim3A_31 : f32 to vector<16xf32>
    %swap3A_33 = arith.constant 80 : index
    %swap3A_34 = tpu.vector_load %arg6[%swap3A_33] {strides = array<i32>} : memref<128xf32, #tpu.memory_space<vmem>>, vector<16xf32>,
    %swap3A_35 = vector.shape_cast %swap3A_34 : vector<16xf32> to vector<16xf32>
    %swap3A_36 = vector.shape_cast %broadcast_in_dim3A_32 : vector<16xf32> to vector<16xf32>
    tpu.vector_store %arg6[%swap3A_33], %swap3A_36 {strides = array<i32>} : memref<128xf32, #tpu.memory_space<vmem>>, vector<16xf32>,
    %broadcast_in_dim3A_37 = arith.constant 1.000000e+00 : f32
    %broadcast_in_dim3A_38 = vector.broadcast %broadcast_in_dim3A_37 : f32 to vector<16xf32>
    %swap3A_39 = arith.constant 96 : index
    %swap3A_40 = tpu.vector_load %arg6[%swap3A_39] {strides = array<i32>} : memref<128xf32, #tpu.memory_space<vmem>>, vector<16xf32>,
    %swap3A_41 = vector.shape_cast %swap3A_40 : vector<16xf32> to vector<16xf32>
    %swap3A_42 = vector.shape_cast %broadcast_in_dim3A_38 : vector<16xf32> to vector<16xf32>
    tpu.vector_store %arg6[%swap3A_39], %swap3A_42 {strides = array<i32>} : memref<128xf32, #tpu.memory_space<vmem>>, vector<16xf32>,
    %broadcast_in_dim3A_43 = arith.constant 1.000000e+00 : f32
    %broadcast_in_dim3A_44 = vector.broadcast %broadcast_in_dim3A_43 : f32 to vector<16xf32>
    %swap3A_45 = arith.constant 112 : index
    %swap3A_46 = tpu.vector_load %arg6[%swap3A_45] {strides = array<i32>} : memref<128xf32, #tpu.memory_space<vmem>>, vector<16xf32>,
    %swap3A_47 = vector.shape_cast %swap3A_46 : vector<16xf32> to vector<16xf32>
    %swap3A_48 = vector.shape_cast %broadcast_in_dim3A_44 : vector<16xf32> to vector<16xf32>
    tpu.vector_store %arg6[%swap3A_45], %swap3A_48 {strides = array<i32>} : memref<128xf32, #tpu.memory_space<vmem>>, vector<16xf32>,
    %barrier3A = arith.constant 0 : index
    tpu.barrier barrier_id(%barrier3A)
    %scan3A = arith.constant 0 : i32
    %scan3A_49 = arith.constant 0 : i32
    %scan3A_50 = arith.constant 10 : i32
    %scan3A_51 = arith.addi %scan3A_49, %scan3A_50 : i32
    %scan3A_52 = arith.constant 1 : i32
    scf.for %scan3A_55 = %scan3A_49 to %scan3A_51 step %scan3A_52  : i32 {
      %mul3A_56 = arith.constant 8 : i32
      %mul3A_57 = arith.muli %scan3A_55, %mul3A_56 : i32
      %add3A_58 = arith.constant 0 : i32
      %add3A_59 = arith.addi %mul3A_57, %add3A_58 : i32
      %dma_start3A = arith.constant 0 : i32
      %dma_start3A_60 = tpu.memref_slice %arg5[%add3A_59, %dma_start3A] : memref<80x128xi32, #tpu.memory_space<vmem>> -> memref<1x128xi32, #tpu.memory_space<vmem>>
      %dma_start3A_61 = tpu.memref_squeeze %dma_start3A_60 : memref<1x128xi32, #tpu.memory_space<vmem>> -> memref<128xi32, #tpu.memory_space<vmem>>
      %dma_start3A_62 = arith.constant 0 : i32
      %dma_start3A_63 = tpu.memref_slice %arg7[%dma_start3A_62] : memref<10240xf32, #tpu.memory_space<vmem_shared>> -> memref<10240xf32, #tpu.memory_space<vmem_shared>>
      tpu.enqueue_indirect_dma source(%arg6 : memref<128xf32, #tpu.memory_space<vmem>>) target(%dma_start3A_63 : memref<10240xf32, #tpu.memory_space<vmem_shared>>) offsets(%dma_start3A_61 : memref<128xi32, #tpu.memory_space<vmem>>) semaphore(%arg8 : memref<!tpu.dma_semaphore, #tpu.memory_space<semaphore_mem>>) {add = true}
      %mul3A_64 = arith.constant 8 : i32
      %mul3A_65 = arith.muli %scan3A_55, %mul3A_64 : i32
      %add3A_66 = arith.constant 1 : i32
      %add3A_67 = arith.addi %mul3A_65, %add3A_66 : i32
      %dma_start3A_68 = arith.constant 0 : i32
      %dma_start3A_69 = tpu.memref_slice %arg5[%add3A_67, %dma_start3A_68] : memref<80x128xi32, #tpu.memory_space<vmem>> -> memref<1x128xi32, #tpu.memory_space<vmem>>
      %dma_start3A_70 = tpu.memref_squeeze %dma_start3A_69 : memref<1x128xi32, #tpu.memory_space<vmem>> -> memref<128xi32, #tpu.memory_space<vmem>>
      %dma_start3A_71 = arith.constant 0 : i32
      %dma_start3A_72 = tpu.memref_slice %arg7[%dma_start3A_71] : memref<10240xf32, #tpu.memory_space<vmem_shared>> -> memref<10240xf32, #tpu.memory_space<vmem_shared>>
      tpu.enqueue_indirect_dma source(%arg6 : memref<128xf32, #tpu.memory_space<vmem>>) target(%dma_start3A_72 : memref<10240xf32, #tpu.memory_space<vmem_shared>>) offsets(%dma_start3A_70 : memref<128xi32, #tpu.memory_space<vmem>>) semaphore(%arg8 : memref<!tpu.dma_semaphore, #tpu.memory_space<semaphore_mem>>) {add = true}
      %mul3A_73 = arith.constant 8 : i32
      %mul3A_74 = arith.muli %scan3A_55, %mul3A_73 : i32
      %add3A_75 = arith.constant 2 : i32
      %add3A_76 = arith.addi %mul3A_74, %add3A_75 : i32
      %dma_start3A_77 = arith.constant 0 : i32
      %dma_start3A_78 = tpu.memref_slice %arg5[%add3A_76, %dma_start3A_77] : memref<80x128xi32, #tpu.memory_space<vmem>> -> memref<1x128xi32, #tpu.memory_space<vmem>>
      %dma_start3A_79 = tpu.memref_squeeze %dma_start3A_78 : memref<1x128xi32, #tpu.memory_space<vmem>> -> memref<128xi32, #tpu.memory_space<vmem>>
      %dma_start3A_80 = arith.constant 0 : i32
      %dma_start3A_81 = tpu.memref_slice %arg7[%dma_start3A_80] : memref<10240xf32, #tpu.memory_space<vmem_shared>> -> memref<10240xf32, #tpu.memory_space<vmem_shared>>
      tpu.enqueue_indirect_dma source(%arg6 : memref<128xf32, #tpu.memory_space<vmem>>) target(%dma_start3A_81 : memref<10240xf32, #tpu.memory_space<vmem_shared>>) offsets(%dma_start3A_79 : memref<128xi32, #tpu.memory_space<vmem>>) semaphore(%arg8 : memref<!tpu.dma_semaphore, #tpu.memory_space<semaphore_mem>>) {add = true}
      %mul3A_82 = arith.constant 8 : i32
      %mul3A_83 = arith.muli %scan3A_55, %mul3A_82 : i32
      %add3A_84 = arith.constant 3 : i32
      %add3A_85 = arith.addi %mul3A_83, %add3A_84 : i32
      %dma_start3A_86 = arith.constant 0 : i32
      %dma_start3A_87 = tpu.memref_slice %arg5[%add3A_85, %dma_start3A_86] : memref<80x128xi32, #tpu.memory_space<vmem>> -> memref<1x128xi32, #tpu.memory_space<vmem>>
      %dma_start3A_88 = tpu.memref_squeeze %dma_start3A_87 : memref<1x128xi32, #tpu.memory_space<vmem>> -> memref<128xi32, #tpu.memory_space<vmem>>
      %dma_start3A_89 = arith.constant 0 : i32
      %dma_start3A_90 = tpu.memref_slice %arg7[%dma_start3A_89] : memref<10240xf32, #tpu.memory_space<vmem_shared>> -> memref<10240xf32, #tpu.memory_space<vmem_shared>>
      tpu.enqueue_indirect_dma source(%arg6 : memref<128xf32, #tpu.memory_space<vmem>>) target(%dma_start3A_90 : memref<10240xf32, #tpu.memory_space<vmem_shared>>) offsets(%dma_start3A_88 : memref<128xi32, #tpu.memory_space<vmem>>) semaphore(%arg8 : memref<!tpu.dma_semaphore, #tpu.memory_space<semaphore_mem>>) {add = true}
      %mul3A_91 = arith.constant 8 : i32
      %mul3A_92 = arith.muli %scan3A_55, %mul3A_91 : i32
      %add3A_93 = arith.constant 4 : i32
      %add3A_94 = arith.addi %mul3A_92, %add3A_93 : i32
      %dma_start3A_95 = arith.constant 0 : i32
      %dma_start3A_96 = tpu.memref_slice %arg5[%add3A_94, %dma_start3A_95] : memref<80x128xi32, #tpu.memory_space<vmem>> -> memref<1x128xi32, #tpu.memory_space<vmem>>
      %dma_start3A_97 = tpu.memref_squeeze %dma_start3A_96 : memref<1x128xi32, #tpu.memory_space<vmem>> -> memref<128xi32, #tpu.memory_space<vmem>>
      %dma_start3A_98 = arith.constant 0 : i32
      %dma_start3A_99 = tpu.memref_slice %arg7[%dma_start3A_98] : memref<10240xf32, #tpu.memory_space<vmem_shared>> -> memref<10240xf32, #tpu.memory_space<vmem_shared>>
      tpu.enqueue_indirect_dma source(%arg6 : memref<128xf32, #tpu.memory_space<vmem>>) target(%dma_start3A_99 : memref<10240xf32, #tpu.memory_space<vmem_shared>>) offsets(%dma_start3A_97 : memref<128xi32, #tpu.memory_space<vmem>>) semaphore(%arg8 : memref<!tpu.dma_semaphore, #tpu.memory_space<semaphore_mem>>) {add = true}
      %mul3A_100 = arith.constant 8 : i32
      %mul3A_101 = arith.muli %scan3A_55, %mul3A_100 : i32
      %add3A_102 = arith.constant 5 : i32
      %add3A_103 = arith.addi %mul3A_101, %add3A_102 : i32
      %dma_start3A_104 = arith.constant 0 : i32
      %dma_start3A_105 = tpu.memref_slice %arg5[%add3A_103, %dma_start3A_104] : memref<80x128xi32, #tpu.memory_space<vmem>> -> memref<1x128xi32, #tpu.memory_space<vmem>>
      %dma_start3A_106 = tpu.memref_squeeze %dma_start3A_105 : memref<1x128xi32, #tpu.memory_space<vmem>> -> memref<128xi32, #tpu.memory_space<vmem>>
      %dma_start3A_107 = arith.constant 0 : i32
      %dma_start3A_108 = tpu.memref_slice %arg7[%dma_start3A_107] : memref<10240xf32, #tpu.memory_space<vmem_shared>> -> memref<10240xf32, #tpu.memory_space<vmem_shared>>
      tpu.enqueue_indirect_dma source(%arg6 : memref<128xf32, #tpu.memory_space<vmem>>) target(%dma_start3A_108 : memref<10240xf32, #tpu.memory_space<vmem_shared>>) offsets(%dma_start3A_106 : memref<128xi32, #tpu.memory_space<vmem>>) semaphore(%arg8 : memref<!tpu.dma_semaphore, #tpu.memory_space<semaphore_mem>>) {add = true}
      %mul3A_109 = arith.constant 8 : i32
      %mul3A_110 = arith.muli %scan3A_55, %mul3A_109 : i32
      %add3A_111 = arith.constant 6 : i32
      %add3A_112 = arith.addi %mul3A_110, %add3A_111 : i32
      %dma_start3A_113 = arith.constant 0 : i32
      %dma_start3A_114 = tpu.memref_slice %arg5[%add3A_112, %dma_start3A_113] : memref<80x128xi32, #tpu.memory_space<vmem>> -> memref<1x128xi32, #tpu.memory_space<vmem>>
      %dma_start3A_115 = tpu.memref_squeeze %dma_start3A_114 : memref<1x128xi32, #tpu.memory_space<vmem>> -> memref<128xi32, #tpu.memory_space<vmem>>
      %dma_start3A_116 = arith.constant 0 : i32
      %dma_start3A_117 = tpu.memref_slice %arg7[%dma_start3A_116] : memref<10240xf32, #tpu.memory_space<vmem_shared>> -> memref<10240xf32, #tpu.memory_space<vmem_shared>>
      tpu.enqueue_indirect_dma source(%arg6 : memref<128xf32, #tpu.memory_space<vmem>>) target(%dma_start3A_117 : memref<10240xf32, #tpu.memory_space<vmem_shared>>) offsets(%dma_start3A_115 : memref<128xi32, #tpu.memory_space<vmem>>) semaphore(%arg8 : memref<!tpu.dma_semaphore, #tpu.memory_space<semaphore_mem>>) {add = true}
      %mul3A_118 = arith.constant 8 : i32
      %mul3A_119 = arith.muli %scan3A_55, %mul3A_118 : i32
      %add3A_120 = arith.constant 7 : i32
      %add3A_121 = arith.addi %mul3A_119, %add3A_120 : i32
      %dma_start3A_122 = arith.constant 0 : i32
      %dma_start3A_123 = tpu.memref_slice %arg5[%add3A_121, %dma_start3A_122] : memref<80x128xi32, #tpu.memory_space<vmem>> -> memref<1x128xi32, #tpu.memory_space<vmem>>
      %dma_start3A_124 = tpu.memref_squeeze %dma_start3A_123 : memref<1x128xi32, #tpu.memory_space<vmem>> -> memref<128xi32, #tpu.memory_space<vmem>>
      %dma_start3A_125 = arith.constant 0 : i32
      %dma_start3A_126 = tpu.memref_slice %arg7[%dma_start3A_125] : memref<10240xf32, #tpu.memory_space<vmem_shared>> -> memref<10240xf32, #tpu.memory_space<vmem_shared>>
      tpu.enqueue_indirect_dma source(%arg6 : memref<128xf32, #tpu.memory_space<vmem>>) target(%dma_start3A_126 : memref<10240xf32, #tpu.memory_space<vmem_shared>>) offsets(%dma_start3A_124 : memref<128xi32, #tpu.memory_space<vmem>>) semaphore(%arg8 : memref<!tpu.dma_semaphore, #tpu.memory_space<semaphore_mem>>) {add = true}
      %dma_wait3A = arith.constant 0 : i32
      %dma_wait3A_127 = tpu.memref_slice %arg5[%add3A_59, %dma_wait3A] : memref<80x128xi32, #tpu.memory_space<vmem>> -> memref<1x128xi32, #tpu.memory_space<vmem>>
      %dma_wait3A_128 = tpu.memref_squeeze %dma_wait3A_127 : memref<1x128xi32, #tpu.memory_space<vmem>> -> memref<128xi32, #tpu.memory_space<vmem>>
      %dma_wait3A_129 = arith.constant 0 : i32
      %dma_wait3A_130 = tpu.memref_slice %arg7[%dma_wait3A_129] : memref<10240xf32, #tpu.memory_space<vmem_shared>> -> memref<10240xf32, #tpu.memory_space<vmem_shared>>
      tpu.wait_indirect_dma semaphore(%arg8 : memref<!tpu.dma_semaphore, #tpu.memory_space<semaphore_mem>>) src(%arg6 : memref<128xf32, #tpu.memory_space<vmem>>) dst(%dma_wait3A_130 : memref<10240xf32, #tpu.memory_space<vmem_shared>>)
      %dma_wait3A_131 = arith.constant 0 : i32
      %dma_wait3A_132 = tpu.memref_slice %arg5[%add3A_67, %dma_wait3A_131] : memref<80x128xi32, #tpu.memory_space<vmem>> -> memref<1x128xi32, #tpu.memory_space<vmem>>
      %dma_wait3A_133 = tpu.memref_squeeze %dma_wait3A_132 : memref<1x128xi32, #tpu.memory_space<vmem>> -> memref<128xi32, #tpu.memory_space<vmem>>
      %dma_wait3A_134 = arith.constant 0 : i32
      %dma_wait3A_135 = tpu.memref_slice %arg7[%dma_wait3A_134] : memref<10240xf32, #tpu.memory_space<vmem_shared>> -> memref<10240xf32, #tpu.memory_space<vmem_shared>>
      tpu.wait_indirect_dma semaphore(%arg8 : memref<!tpu.dma_semaphore, #tpu.memory_space<semaphore_mem>>) src(%arg6 : memref<128xf32, #tpu.memory_space<vmem>>) dst(%dma_wait3A_135 : memref<10240xf32, #tpu.memory_space<vmem_shared>>)
      %dma_wait3A_136 = arith.constant 0 : i32
      %dma_wait3A_137 = tpu.memref_slice %arg5[%add3A_76, %dma_wait3A_136] : memref<80x128xi32, #tpu.memory_space<vmem>> -> memref<1x128xi32, #tpu.memory_space<vmem>>
      %dma_wait3A_138 = tpu.memref_squeeze %dma_wait3A_137 : memref<1x128xi32, #tpu.memory_space<vmem>> -> memref<128xi32, #tpu.memory_space<vmem>>
      %dma_wait3A_139 = arith.constant 0 : i32
      %dma_wait3A_140 = tpu.memref_slice %arg7[%dma_wait3A_139] : memref<10240xf32, #tpu.memory_space<vmem_shared>> -> memref<10240xf32, #tpu.memory_space<vmem_shared>>
      tpu.wait_indirect_dma semaphore(%arg8 : memref<!tpu.dma_semaphore, #tpu.memory_space<semaphore_mem>>) src(%arg6 : memref<128xf32, #tpu.memory_space<vmem>>) dst(%dma_wait3A_140 : memref<10240xf32, #tpu.memory_space<vmem_shared>>)
      %dma_wait3A_141 = arith.constant 0 : i32
      %dma_wait3A_142 = tpu.memref_slice %arg5[%add3A_85, %dma_wait3A_141] : memref<80x128xi32, #tpu.memory_space<vmem>> -> memref<1x128xi32, #tpu.memory_space<vmem>>
      %dma_wait3A_143 = tpu.memref_squeeze %dma_wait3A_142 : memref<1x128xi32, #tpu.memory_space<vmem>> -> memref<128xi32, #tpu.memory_space<vmem>>
      %dma_wait3A_144 = arith.constant 0 : i32
      %dma_wait3A_145 = tpu.memref_slice %arg7[%dma_wait3A_144] : memref<10240xf32, #tpu.memory_space<vmem_shared>> -> memref<10240xf32, #tpu.memory_space<vmem_shared>>
      tpu.wait_indirect_dma semaphore(%arg8 : memref<!tpu.dma_semaphore, #tpu.memory_space<semaphore_mem>>) src(%arg6 : memref<128xf32, #tpu.memory_space<vmem>>) dst(%dma_wait3A_145 : memref<10240xf32, #tpu.memory_space<vmem_shared>>)
      %dma_wait3A_146 = arith.constant 0 : i32
      %dma_wait3A_147 = tpu.memref_slice %arg5[%add3A_94, %dma_wait3A_146] : memref<80x128xi32, #tpu.memory_space<vmem>> -> memref<1x128xi32, #tpu.memory_space<vmem>>
      %dma_wait3A_148 = tpu.memref_squeeze %dma_wait3A_147 : memref<1x128xi32, #tpu.memory_space<vmem>> -> memref<128xi32, #tpu.memory_space<vmem>>
      %dma_wait3A_149 = arith.constant 0 : i32
      %dma_wait3A_150 = tpu.memref_slice %arg7[%dma_wait3A_149] : memref<10240xf32, #tpu.memory_space<vmem_shared>> -> memref<10240xf32, #tpu.memory_space<vmem_shared>>
      tpu.wait_indirect_dma semaphore(%arg8 : memref<!tpu.dma_semaphore, #tpu.memory_space<semaphore_mem>>) src(%arg6 : memref<128xf32, #tpu.memory_space<vmem>>) dst(%dma_wait3A_150 : memref<10240xf32, #tpu.memory_space<vmem_shared>>)
      %dma_wait3A_151 = arith.constant 0 : i32
      %dma_wait3A_152 = tpu.memref_slice %arg5[%add3A_103, %dma_wait3A_151] : memref<80x128xi32, #tpu.memory_space<vmem>> -> memref<1x128xi32, #tpu.memory_space<vmem>>
      %dma_wait3A_153 = tpu.memref_squeeze %dma_wait3A_152 : memref<1x128xi32, #tpu.memory_space<vmem>> -> memref<128xi32, #tpu.memory_space<vmem>>
      %dma_wait3A_154 = arith.constant 0 : i32
      %dma_wait3A_155 = tpu.memref_slice %arg7[%dma_wait3A_154] : memref<10240xf32, #tpu.memory_space<vmem_shared>> -> memref<10240xf32, #tpu.memory_space<vmem_shared>>
      tpu.wait_indirect_dma semaphore(%arg8 : memref<!tpu.dma_semaphore, #tpu.memory_space<semaphore_mem>>) src(%arg6 : memref<128xf32, #tpu.memory_space<vmem>>) dst(%dma_wait3A_155 : memref<10240xf32, #tpu.memory_space<vmem_shared>>)
      %dma_wait3A_156 = arith.constant 0 : i32
      %dma_wait3A_157 = tpu.memref_slice %arg5[%add3A_112, %dma_wait3A_156] : memref<80x128xi32, #tpu.memory_space<vmem>> -> memref<1x128xi32, #tpu.memory_space<vmem>>
      %dma_wait3A_158 = tpu.memref_squeeze %dma_wait3A_157 : memref<1x128xi32, #tpu.memory_space<vmem>> -> memref<128xi32, #tpu.memory_space<vmem>>
      %dma_wait3A_159 = arith.constant 0 : i32
      %dma_wait3A_160 = tpu.memref_slice %arg7[%dma_wait3A_159] : memref<10240xf32, #tpu.memory_space<vmem_shared>> -> memref<10240xf32, #tpu.memory_space<vmem_shared>>
      tpu.wait_indirect_dma semaphore(%arg8 : memref<!tpu.dma_semaphore, #tpu.memory_space<semaphore_mem>>) src(%arg6 : memref<128xf32, #tpu.memory_space<vmem>>) dst(%dma_wait3A_160 : memref<10240xf32, #tpu.memory_space<vmem_shared>>)
      %dma_wait3A_161 = arith.constant 0 : i32
      %dma_wait3A_162 = tpu.memref_slice %arg5[%add3A_121, %dma_wait3A_161] : memref<80x128xi32, #tpu.memory_space<vmem>> -> memref<1x128xi32, #tpu.memory_space<vmem>>
      %dma_wait3A_163 = tpu.memref_squeeze %dma_wait3A_162 : memref<1x128xi32, #tpu.memory_space<vmem>> -> memref<128xi32, #tpu.memory_space<vmem>>
      %dma_wait3A_164 = arith.constant 0 : i32
      %dma_wait3A_165 = tpu.memref_slice %arg7[%dma_wait3A_164] : memref<10240xf32, #tpu.memory_space<vmem_shared>> -> memref<10240xf32, #tpu.memory_space<vmem_shared>>
      tpu.wait_indirect_dma semaphore(%arg8 : memref<!tpu.dma_semaphore, #tpu.memory_space<semaphore_mem>>) src(%arg6 : memref<128xf32, #tpu.memory_space<vmem>>) dst(%dma_wait3A_165 : memref<10240xf32, #tpu.memory_space<vmem_shared>>)
    }
    %scan3A_53 = arith.constant 10 : i32
    %barrier3A_54 = arith.constant 0 : index
    tpu.barrier barrier_id(%barrier3A_54)
    "tpu.region"() ({
      %run_scoped3A = tpu.sem_alloc : memref<!tpu.dma_semaphore, #tpu.memory_space<semaphore_mem>>
      %dma_start3A = tpu.memref_slice %arg4[%arg0, %mul3A_2] : memref<2x10240xf32, #tpu.memory_space<hbm>> -> memref<1x640xf32, #tpu.memory_space<hbm>>
      %dma_start3A_55 = tpu.memref_squeeze %dma_start3A : memref<1x640xf32, #tpu.memory_space<hbm>> -> memref<640xf32, #tpu.memory_space<hbm>>
      %dma_start3A_56 = tpu.memref_slice %arg7[%mul3A_2] : memref<10240xf32, #tpu.memory_space<vmem_shared>> -> memref<640xf32, #tpu.memory_space<vmem_shared>>
      tpu.enqueue_dma source(%dma_start3A_56 : memref<640xf32, #tpu.memory_space<vmem_shared>>) target(%dma_start3A_55 : memref<640xf32, #tpu.memory_space<hbm>>) target_semaphore(%run_scoped3A : memref<!tpu.dma_semaphore, #tpu.memory_space<semaphore_mem>>)
      %dma_wait3A = tpu.memref_slice %arg4[%arg0, %mul3A_2] : memref<2x10240xf32, #tpu.memory_space<hbm>> -> memref<1x640xf32, #tpu.memory_space<hbm>>
      %dma_wait3A_57 = tpu.memref_squeeze %dma_wait3A : memref<1x640xf32, #tpu.memory_space<hbm>> -> memref<640xf32, #tpu.memory_space<hbm>>
      %dma_wait3A_58 = tpu.memref_slice %arg7[%mul3A_2] : memref<10240xf32, #tpu.memory_space<vmem_shared>> -> memref<640xf32, #tpu.memory_space<vmem_shared>>
      tpu.wait_dma2 semaphore(%run_scoped3A : memref<!tpu.dma_semaphore, #tpu.memory_space<semaphore_mem>>) src(%dma_wait3A_58 : memref<640xf32, #tpu.memory_space<vmem_shared>>) dst(%dma_wait3A_57 : memref<640xf32, #tpu.memory_space<hbm>>)
      tpu.yield
    }) : () -> ()
    return
  }
}

#map = affine_map<(d0, d1) -> (0, 0)>
#map1 = affine_map<(d0, d1) -> (0, 0, 0)>
module attributes {stable_mosaic.version = 14 : i64} {
  func.func @agg(%arg0: i32, %arg1: i32, %arg2: memref<10240x16xf32, #tpu.memory_space<hbm>>, %arg3: memref<32x80x128xi32, #tpu.memory_space<hbm>>, %arg4: memref<32x80x128xi32, #tpu.memory_space<hbm>>, %arg5: memref<10240x16xf32, #tpu.memory_space<hbm>>, %arg6: memref<2x10240x16xf32, #tpu.memory_space<hbm>>, %arg7: memref<80x128xi32, #tpu.memory_space<vmem>>, %arg8: memref<80x128xi32, #tpu.memory_space<vmem>>, %arg9: memref<8x128x16xf32, #tpu.memory_space<vmem>>, %arg10: memref<10240x16xf32, #tpu.memory_space<vmem_shared>>, %arg11: memref<10240x16xf32, #tpu.memory_space<vmem_shared>>, %arg12: memref<!tpu.dma_semaphore, #tpu.memory_space<semaphore_mem>>, %arg13: memref<!tpu.dma_semaphore, #tpu.memory_space<semaphore_mem>>) attributes {dimension_semantics = [#tpu.dimension_semantics<core_parallel>, #tpu.dimension_semantics<subcore_parallel>], iteration_bounds = array<i64: 2, 16>, scalar_prefetch = 0 : i64, scratch_operands = 7 : i64, tpu.core_type = #tpu.core_type<sc_vector_subcore>, window_params = [{transform_indices = #map}, {transform_indices = #map1}, {transform_indices = #map1}, {transform_indices = #map}, {transform_indices = #map1}]} {
    %mul3A = arith.constant 16 : i32
    %mul3A_0 = arith.muli %arg0, %mul3A : i32
    %add3A = arith.addi %mul3A_0, %arg1 : i32
    %mul3A_1 = arith.constant 640 : i32
    %mul3A_2 = arith.muli %arg1, %mul3A_1 : i32
    "tpu.region"() ({
      %run_scoped3A = tpu.sem_alloc : memref<!tpu.dma_semaphore, #tpu.memory_space<semaphore_mem>>
      %dma_start3A = arith.constant 0 : i32
      %dma_start3A_9 = tpu.memref_slice %arg10[%mul3A_2, %dma_start3A] : memref<10240x16xf32, #tpu.memory_space<vmem_shared>> -> memref<640x16xf32, #tpu.memory_space<vmem_shared>>
      %dma_start3A_10 = arith.constant 0 : i32
      %dma_start3A_11 = tpu.memref_slice %arg5[%mul3A_2, %dma_start3A_10] : memref<10240x16xf32, #tpu.memory_space<hbm>> -> memref<640x16xf32, #tpu.memory_space<hbm>>
      tpu.enqueue_dma source(%dma_start3A_11 : memref<640x16xf32, #tpu.memory_space<hbm>>) target(%dma_start3A_9 : memref<640x16xf32, #tpu.memory_space<vmem_shared>>) target_semaphore(%run_scoped3A : memref<!tpu.dma_semaphore, #tpu.memory_space<semaphore_mem>>)
      %dma_wait3A = arith.constant 0 : i32
      %dma_wait3A_12 = tpu.memref_slice %arg10[%mul3A_2, %dma_wait3A] : memref<10240x16xf32, #tpu.memory_space<vmem_shared>> -> memref<640x16xf32, #tpu.memory_space<vmem_shared>>
      %dma_wait3A_13 = arith.constant 0 : i32
      %dma_wait3A_14 = tpu.memref_slice %arg5[%mul3A_2, %dma_wait3A_13] : memref<10240x16xf32, #tpu.memory_space<hbm>> -> memref<640x16xf32, #tpu.memory_space<hbm>>
      tpu.wait_dma2 semaphore(%run_scoped3A : memref<!tpu.dma_semaphore, #tpu.memory_space<semaphore_mem>>) src(%dma_wait3A_14 : memref<640x16xf32, #tpu.memory_space<hbm>>) dst(%dma_wait3A_12 : memref<640x16xf32, #tpu.memory_space<vmem_shared>>)
      tpu.yield
    }) : () -> ()
    "tpu.region"() ({
      %run_scoped3A = tpu.sem_alloc : memref<!tpu.dma_semaphore, #tpu.memory_space<semaphore_mem>>
      %dma_start3A = arith.constant 0 : i32
      %dma_start3A_9 = tpu.memref_slice %arg11[%mul3A_2, %dma_start3A] : memref<10240x16xf32, #tpu.memory_space<vmem_shared>> -> memref<640x16xf32, #tpu.memory_space<vmem_shared>>
      %dma_start3A_10 = arith.constant 0 : i32
      %dma_start3A_11 = tpu.memref_slice %arg2[%mul3A_2, %dma_start3A_10] : memref<10240x16xf32, #tpu.memory_space<hbm>> -> memref<640x16xf32, #tpu.memory_space<hbm>>
      tpu.enqueue_dma source(%dma_start3A_11 : memref<640x16xf32, #tpu.memory_space<hbm>>) target(%dma_start3A_9 : memref<640x16xf32, #tpu.memory_space<vmem_shared>>) target_semaphore(%run_scoped3A : memref<!tpu.dma_semaphore, #tpu.memory_space<semaphore_mem>>)
      %dma_wait3A = arith.constant 0 : i32
      %dma_wait3A_12 = tpu.memref_slice %arg11[%mul3A_2, %dma_wait3A] : memref<10240x16xf32, #tpu.memory_space<vmem_shared>> -> memref<640x16xf32, #tpu.memory_space<vmem_shared>>
      %dma_wait3A_13 = arith.constant 0 : i32
      %dma_wait3A_14 = tpu.memref_slice %arg2[%mul3A_2, %dma_wait3A_13] : memref<10240x16xf32, #tpu.memory_space<hbm>> -> memref<640x16xf32, #tpu.memory_space<hbm>>
      tpu.wait_dma2 semaphore(%run_scoped3A : memref<!tpu.dma_semaphore, #tpu.memory_space<semaphore_mem>>) src(%dma_wait3A_14 : memref<640x16xf32, #tpu.memory_space<hbm>>) dst(%dma_wait3A_12 : memref<640x16xf32, #tpu.memory_space<vmem_shared>>)
      tpu.yield
    }) : () -> ()
    "tpu.region"() ({
      %run_scoped3A = tpu.sem_alloc : memref<!tpu.dma_semaphore, #tpu.memory_space<semaphore_mem>>
      %dma_start3A = arith.constant 0 : i32
      %dma_start3A_9 = arith.constant 0 : i32
      %dma_start3A_10 = tpu.memref_slice %arg3[%add3A, %dma_start3A, %dma_start3A_9] : memref<32x80x128xi32, #tpu.memory_space<hbm>> -> memref<1x80x128xi32, #tpu.memory_space<hbm>>
      %dma_start3A_11 = tpu.memref_squeeze %dma_start3A_10 : memref<1x80x128xi32, #tpu.memory_space<hbm>> -> memref<80x128xi32, #tpu.memory_space<hbm>>
      %dma_start3A_12 = arith.constant 0 : i32
      %dma_start3A_13 = arith.constant 0 : i32
      %dma_start3A_14 = tpu.memref_slice %arg3[%add3A, %dma_start3A_12, %dma_start3A_13] : memref<32x80x128xi32, #tpu.memory_space<hbm>> -> memref<1x80x128xi32, #tpu.memory_space<hbm>>
      %dma_start3A_15 = tpu.memref_squeeze %dma_start3A_14 : memref<1x80x128xi32, #tpu.memory_space<hbm>> -> memref<80x128xi32, #tpu.memory_space<hbm>>
      tpu.enqueue_dma source(%dma_start3A_15 : memref<80x128xi32, #tpu.memory_space<hbm>>) target(%arg7 : memref<80x128xi32, #tpu.memory_space<vmem>>) target_semaphore(%run_scoped3A : memref<!tpu.dma_semaphore, #tpu.memory_space<semaphore_mem>>)
      %dma_wait3A = arith.constant 0 : i32
      %dma_wait3A_16 = arith.constant 0 : i32
      %dma_wait3A_17 = tpu.memref_slice %arg3[%add3A, %dma_wait3A, %dma_wait3A_16] : memref<32x80x128xi32, #tpu.memory_space<hbm>> -> memref<1x80x128xi32, #tpu.memory_space<hbm>>
      %dma_wait3A_18 = tpu.memref_squeeze %dma_wait3A_17 : memref<1x80x128xi32, #tpu.memory_space<hbm>> -> memref<80x128xi32, #tpu.memory_space<hbm>>
      %dma_wait3A_19 = arith.constant 0 : i32
      %dma_wait3A_20 = arith.constant 0 : i32
      %dma_wait3A_21 = tpu.memref_slice %arg3[%add3A, %dma_wait3A_19, %dma_wait3A_20] : memref<32x80x128xi32, #tpu.memory_space<hbm>> -> memref<1x80x128xi32, #tpu.memory_space<hbm>>
      %dma_wait3A_22 = tpu.memref_squeeze %dma_wait3A_21 : memref<1x80x128xi32, #tpu.memory_space<hbm>> -> memref<80x128xi32, #tpu.memory_space<hbm>>
      tpu.wait_dma2 semaphore(%run_scoped3A : memref<!tpu.dma_semaphore, #tpu.memory_space<semaphore_mem>>) src(%dma_wait3A_22 : memref<80x128xi32, #tpu.memory_space<hbm>>) dst(%arg7 : memref<80x128xi32, #tpu.memory_space<vmem>>)
      tpu.yield
    }) : () -> ()
    "tpu.region"() ({
      %run_scoped3A = tpu.sem_alloc : memref<!tpu.dma_semaphore, #tpu.memory_space<semaphore_mem>>
      %dma_start3A = arith.constant 0 : i32
      %dma_start3A_9 = arith.constant 0 : i32
      %dma_start3A_10 = tpu.memref_slice %arg4[%add3A, %dma_start3A, %dma_start3A_9] : memref<32x80x128xi32, #tpu.memory_space<hbm>> -> memref<1x80x128xi32, #tpu.memory_space<hbm>>
      %dma_start3A_11 = tpu.memref_squeeze %dma_start3A_10 : memref<1x80x128xi32, #tpu.memory_space<hbm>> -> memref<80x128xi32, #tpu.memory_space<hbm>>
      %dma_start3A_12 = arith.constant 0 : i32
      %dma_start3A_13 = arith.constant 0 : i32
      %dma_start3A_14 = tpu.memref_slice %arg4[%add3A, %dma_start3A_12, %dma_start3A_13] : memref<32x80x128xi32, #tpu.memory_space<hbm>> -> memref<1x80x128xi32, #tpu.memory_space<hbm>>
      %dma_start3A_15 = tpu.memref_squeeze %dma_start3A_14 : memref<1x80x128xi32, #tpu.memory_space<hbm>> -> memref<80x128xi32, #tpu.memory_space<hbm>>
      tpu.enqueue_dma source(%dma_start3A_15 : memref<80x128xi32, #tpu.memory_space<hbm>>) target(%arg8 : memref<80x128xi32, #tpu.memory_space<vmem>>) target_semaphore(%run_scoped3A : memref<!tpu.dma_semaphore, #tpu.memory_space<semaphore_mem>>)
      %dma_wait3A = arith.constant 0 : i32
      %dma_wait3A_16 = arith.constant 0 : i32
      %dma_wait3A_17 = tpu.memref_slice %arg4[%add3A, %dma_wait3A, %dma_wait3A_16] : memref<32x80x128xi32, #tpu.memory_space<hbm>> -> memref<1x80x128xi32, #tpu.memory_space<hbm>>
      %dma_wait3A_18 = tpu.memref_squeeze %dma_wait3A_17 : memref<1x80x128xi32, #tpu.memory_space<hbm>> -> memref<80x128xi32, #tpu.memory_space<hbm>>
      %dma_wait3A_19 = arith.constant 0 : i32
      %dma_wait3A_20 = arith.constant 0 : i32
      %dma_wait3A_21 = tpu.memref_slice %arg4[%add3A, %dma_wait3A_19, %dma_wait3A_20] : memref<32x80x128xi32, #tpu.memory_space<hbm>> -> memref<1x80x128xi32, #tpu.memory_space<hbm>>
      %dma_wait3A_22 = tpu.memref_squeeze %dma_wait3A_21 : memref<1x80x128xi32, #tpu.memory_space<hbm>> -> memref<80x128xi32, #tpu.memory_space<hbm>>
      tpu.wait_dma2 semaphore(%run_scoped3A : memref<!tpu.dma_semaphore, #tpu.memory_space<semaphore_mem>>) src(%dma_wait3A_22 : memref<80x128xi32, #tpu.memory_space<hbm>>) dst(%arg8 : memref<80x128xi32, #tpu.memory_space<vmem>>)
      tpu.yield
    }) : () -> ()
    %barrier3A = arith.constant 0 : index
    tpu.barrier barrier_id(%barrier3A)
    %scan3A = arith.constant 0 : i32
    %scan3A_3 = arith.constant 0 : i32
    %scan3A_4 = arith.constant 10 : i32
    %scan3A_5 = arith.addi %scan3A_3, %scan3A_4 : i32
    %scan3A_6 = arith.constant 1 : i32
    scf.for %scan3A_9 = %scan3A_3 to %scan3A_5 step %scan3A_6  : i32 {
      %mul3A_10 = arith.constant 8 : i32
      %mul3A_11 = arith.muli %scan3A_9, %mul3A_10 : i32
      %add3A_12 = arith.constant 0 : i32
      %add3A_13 = arith.addi %mul3A_11, %add3A_12 : i32
      %dma_start3A = arith.constant 0 : i32
      %dma_start3A_14 = arith.constant 0 : i32
      %dma_start3A_15 = arith.constant 0 : i32
      %dma_start3A_16 = tpu.memref_slice %arg9[%dma_start3A, %dma_start3A_14, %dma_start3A_15] : memref<8x128x16xf32, #tpu.memory_space<vmem>> -> memref<1x128x16xf32, #tpu.memory_space<vmem>>
      %dma_start3A_17 = tpu.memref_squeeze %dma_start3A_16 : memref<1x128x16xf32, #tpu.memory_space<vmem>> -> memref<128x16xf32, #tpu.memory_space<vmem>>
      %dma_start3A_18 = arith.constant 0 : i32
      %dma_start3A_19 = tpu.memref_slice %arg7[%add3A_13, %dma_start3A_18] : memref<80x128xi32, #tpu.memory_space<vmem>> -> memref<1x128xi32, #tpu.memory_space<vmem>>
      %dma_start3A_20 = tpu.memref_squeeze %dma_start3A_19 : memref<1x128xi32, #tpu.memory_space<vmem>> -> memref<128xi32, #tpu.memory_space<vmem>>
      %dma_start3A_21 = arith.constant 0 : i32
      %dma_start3A_22 = arith.constant 0 : i32
      %dma_start3A_23 = tpu.memref_slice %arg11[%dma_start3A_21, %dma_start3A_22] : memref<10240x16xf32, #tpu.memory_space<vmem_shared>> -> memref<10240x16xf32, #tpu.memory_space<vmem_shared>>
      tpu.enqueue_indirect_dma source(%dma_start3A_23 : memref<10240x16xf32, #tpu.memory_space<vmem_shared>>) target(%dma_start3A_17 : memref<128x16xf32, #tpu.memory_space<vmem>>) offsets(%dma_start3A_20 : memref<128xi32, #tpu.memory_space<vmem>>) semaphore(%arg12 : memref<!tpu.dma_semaphore, #tpu.memory_space<semaphore_mem>>)
      %mul3A_24 = arith.constant 8 : i32
      %mul3A_25 = arith.muli %scan3A_9, %mul3A_24 : i32
      %add3A_26 = arith.constant 1 : i32
      %add3A_27 = arith.addi %mul3A_25, %add3A_26 : i32
      %dma_start3A_28 = arith.constant 1 : i32
      %dma_start3A_29 = arith.constant 0 : i32
      %dma_start3A_30 = arith.constant 0 : i32
      %dma_start3A_31 = tpu.memref_slice %arg9[%dma_start3A_28, %dma_start3A_29, %dma_start3A_30] : memref<8x128x16xf32, #tpu.memory_space<vmem>> -> memref<1x128x16xf32, #tpu.memory_space<vmem>>
      %dma_start3A_32 = tpu.memref_squeeze %dma_start3A_31 : memref<1x128x16xf32, #tpu.memory_space<vmem>> -> memref<128x16xf32, #tpu.memory_space<vmem>>
      %dma_start3A_33 = arith.constant 0 : i32
      %dma_start3A_34 = tpu.memref_slice %arg7[%add3A_27, %dma_start3A_33] : memref<80x128xi32, #tpu.memory_space<vmem>> -> memref<1x128xi32, #tpu.memory_space<vmem>>
      %dma_start3A_35 = tpu.memref_squeeze %dma_start3A_34 : memref<1x128xi32, #tpu.memory_space<vmem>> -> memref<128xi32, #tpu.memory_space<vmem>>
      %dma_start3A_36 = arith.constant 0 : i32
      %dma_start3A_37 = arith.constant 0 : i32
      %dma_start3A_38 = tpu.memref_slice %arg11[%dma_start3A_36, %dma_start3A_37] : memref<10240x16xf32, #tpu.memory_space<vmem_shared>> -> memref<10240x16xf32, #tpu.memory_space<vmem_shared>>
      tpu.enqueue_indirect_dma source(%dma_start3A_38 : memref<10240x16xf32, #tpu.memory_space<vmem_shared>>) target(%dma_start3A_32 : memref<128x16xf32, #tpu.memory_space<vmem>>) offsets(%dma_start3A_35 : memref<128xi32, #tpu.memory_space<vmem>>) semaphore(%arg12 : memref<!tpu.dma_semaphore, #tpu.memory_space<semaphore_mem>>)
      %mul3A_39 = arith.constant 8 : i32
      %mul3A_40 = arith.muli %scan3A_9, %mul3A_39 : i32
      %add3A_41 = arith.constant 2 : i32
      %add3A_42 = arith.addi %mul3A_40, %add3A_41 : i32
      %dma_start3A_43 = arith.constant 2 : i32
      %dma_start3A_44 = arith.constant 0 : i32
      %dma_start3A_45 = arith.constant 0 : i32
      %dma_start3A_46 = tpu.memref_slice %arg9[%dma_start3A_43, %dma_start3A_44, %dma_start3A_45] : memref<8x128x16xf32, #tpu.memory_space<vmem>> -> memref<1x128x16xf32, #tpu.memory_space<vmem>>
      %dma_start3A_47 = tpu.memref_squeeze %dma_start3A_46 : memref<1x128x16xf32, #tpu.memory_space<vmem>> -> memref<128x16xf32, #tpu.memory_space<vmem>>
      %dma_start3A_48 = arith.constant 0 : i32
      %dma_start3A_49 = tpu.memref_slice %arg7[%add3A_42, %dma_start3A_48] : memref<80x128xi32, #tpu.memory_space<vmem>> -> memref<1x128xi32, #tpu.memory_space<vmem>>
      %dma_start3A_50 = tpu.memref_squeeze %dma_start3A_49 : memref<1x128xi32, #tpu.memory_space<vmem>> -> memref<128xi32, #tpu.memory_space<vmem>>
      %dma_start3A_51 = arith.constant 0 : i32
      %dma_start3A_52 = arith.constant 0 : i32
      %dma_start3A_53 = tpu.memref_slice %arg11[%dma_start3A_51, %dma_start3A_52] : memref<10240x16xf32, #tpu.memory_space<vmem_shared>> -> memref<10240x16xf32, #tpu.memory_space<vmem_shared>>
      tpu.enqueue_indirect_dma source(%dma_start3A_53 : memref<10240x16xf32, #tpu.memory_space<vmem_shared>>) target(%dma_start3A_47 : memref<128x16xf32, #tpu.memory_space<vmem>>) offsets(%dma_start3A_50 : memref<128xi32, #tpu.memory_space<vmem>>) semaphore(%arg12 : memref<!tpu.dma_semaphore, #tpu.memory_space<semaphore_mem>>)
      %mul3A_54 = arith.constant 8 : i32
      %mul3A_55 = arith.muli %scan3A_9, %mul3A_54 : i32
      %add3A_56 = arith.constant 3 : i32
      %add3A_57 = arith.addi %mul3A_55, %add3A_56 : i32
      %dma_start3A_58 = arith.constant 3 : i32
      %dma_start3A_59 = arith.constant 0 : i32
      %dma_start3A_60 = arith.constant 0 : i32
      %dma_start3A_61 = tpu.memref_slice %arg9[%dma_start3A_58, %dma_start3A_59, %dma_start3A_60] : memref<8x128x16xf32, #tpu.memory_space<vmem>> -> memref<1x128x16xf32, #tpu.memory_space<vmem>>
      %dma_start3A_62 = tpu.memref_squeeze %dma_start3A_61 : memref<1x128x16xf32, #tpu.memory_space<vmem>> -> memref<128x16xf32, #tpu.memory_space<vmem>>
      %dma_start3A_63 = arith.constant 0 : i32
      %dma_start3A_64 = tpu.memref_slice %arg7[%add3A_57, %dma_start3A_63] : memref<80x128xi32, #tpu.memory_space<vmem>> -> memref<1x128xi32, #tpu.memory_space<vmem>>
      %dma_start3A_65 = tpu.memref_squeeze %dma_start3A_64 : memref<1x128xi32, #tpu.memory_space<vmem>> -> memref<128xi32, #tpu.memory_space<vmem>>
      %dma_start3A_66 = arith.constant 0 : i32
      %dma_start3A_67 = arith.constant 0 : i32
      %dma_start3A_68 = tpu.memref_slice %arg11[%dma_start3A_66, %dma_start3A_67] : memref<10240x16xf32, #tpu.memory_space<vmem_shared>> -> memref<10240x16xf32, #tpu.memory_space<vmem_shared>>
      tpu.enqueue_indirect_dma source(%dma_start3A_68 : memref<10240x16xf32, #tpu.memory_space<vmem_shared>>) target(%dma_start3A_62 : memref<128x16xf32, #tpu.memory_space<vmem>>) offsets(%dma_start3A_65 : memref<128xi32, #tpu.memory_space<vmem>>) semaphore(%arg12 : memref<!tpu.dma_semaphore, #tpu.memory_space<semaphore_mem>>)
      %mul3A_69 = arith.constant 8 : i32
      %mul3A_70 = arith.muli %scan3A_9, %mul3A_69 : i32
      %add3A_71 = arith.constant 4 : i32
      %add3A_72 = arith.addi %mul3A_70, %add3A_71 : i32
      %dma_start3A_73 = arith.constant 4 : i32
      %dma_start3A_74 = arith.constant 0 : i32
      %dma_start3A_75 = arith.constant 0 : i32
      %dma_start3A_76 = tpu.memref_slice %arg9[%dma_start3A_73, %dma_start3A_74, %dma_start3A_75] : memref<8x128x16xf32, #tpu.memory_space<vmem>> -> memref<1x128x16xf32, #tpu.memory_space<vmem>>
      %dma_start3A_77 = tpu.memref_squeeze %dma_start3A_76 : memref<1x128x16xf32, #tpu.memory_space<vmem>> -> memref<128x16xf32, #tpu.memory_space<vmem>>
      %dma_start3A_78 = arith.constant 0 : i32
      %dma_start3A_79 = tpu.memref_slice %arg7[%add3A_72, %dma_start3A_78] : memref<80x128xi32, #tpu.memory_space<vmem>> -> memref<1x128xi32, #tpu.memory_space<vmem>>
      %dma_start3A_80 = tpu.memref_squeeze %dma_start3A_79 : memref<1x128xi32, #tpu.memory_space<vmem>> -> memref<128xi32, #tpu.memory_space<vmem>>
      %dma_start3A_81 = arith.constant 0 : i32
      %dma_start3A_82 = arith.constant 0 : i32
      %dma_start3A_83 = tpu.memref_slice %arg11[%dma_start3A_81, %dma_start3A_82] : memref<10240x16xf32, #tpu.memory_space<vmem_shared>> -> memref<10240x16xf32, #tpu.memory_space<vmem_shared>>
      tpu.enqueue_indirect_dma source(%dma_start3A_83 : memref<10240x16xf32, #tpu.memory_space<vmem_shared>>) target(%dma_start3A_77 : memref<128x16xf32, #tpu.memory_space<vmem>>) offsets(%dma_start3A_80 : memref<128xi32, #tpu.memory_space<vmem>>) semaphore(%arg12 : memref<!tpu.dma_semaphore, #tpu.memory_space<semaphore_mem>>)
      %mul3A_84 = arith.constant 8 : i32
      %mul3A_85 = arith.muli %scan3A_9, %mul3A_84 : i32
      %add3A_86 = arith.constant 5 : i32
      %add3A_87 = arith.addi %mul3A_85, %add3A_86 : i32
      %dma_start3A_88 = arith.constant 5 : i32
      %dma_start3A_89 = arith.constant 0 : i32
      %dma_start3A_90 = arith.constant 0 : i32
      %dma_start3A_91 = tpu.memref_slice %arg9[%dma_start3A_88, %dma_start3A_89, %dma_start3A_90] : memref<8x128x16xf32, #tpu.memory_space<vmem>> -> memref<1x128x16xf32, #tpu.memory_space<vmem>>
      %dma_start3A_92 = tpu.memref_squeeze %dma_start3A_91 : memref<1x128x16xf32, #tpu.memory_space<vmem>> -> memref<128x16xf32, #tpu.memory_space<vmem>>
      %dma_start3A_93 = arith.constant 0 : i32
      %dma_start3A_94 = tpu.memref_slice %arg7[%add3A_87, %dma_start3A_93] : memref<80x128xi32, #tpu.memory_space<vmem>> -> memref<1x128xi32, #tpu.memory_space<vmem>>
      %dma_start3A_95 = tpu.memref_squeeze %dma_start3A_94 : memref<1x128xi32, #tpu.memory_space<vmem>> -> memref<128xi32, #tpu.memory_space<vmem>>
      %dma_start3A_96 = arith.constant 0 : i32
      %dma_start3A_97 = arith.constant 0 : i32
      %dma_start3A_98 = tpu.memref_slice %arg11[%dma_start3A_96, %dma_start3A_97] : memref<10240x16xf32, #tpu.memory_space<vmem_shared>> -> memref<10240x16xf32, #tpu.memory_space<vmem_shared>>
      tpu.enqueue_indirect_dma source(%dma_start3A_98 : memref<10240x16xf32, #tpu.memory_space<vmem_shared>>) target(%dma_start3A_92 : memref<128x16xf32, #tpu.memory_space<vmem>>) offsets(%dma_start3A_95 : memref<128xi32, #tpu.memory_space<vmem>>) semaphore(%arg12 : memref<!tpu.dma_semaphore, #tpu.memory_space<semaphore_mem>>)
      %mul3A_99 = arith.constant 8 : i32
      %mul3A_100 = arith.muli %scan3A_9, %mul3A_99 : i32
      %add3A_101 = arith.constant 6 : i32
      %add3A_102 = arith.addi %mul3A_100, %add3A_101 : i32
      %dma_start3A_103 = arith.constant 6 : i32
      %dma_start3A_104 = arith.constant 0 : i32
      %dma_start3A_105 = arith.constant 0 : i32
      %dma_start3A_106 = tpu.memref_slice %arg9[%dma_start3A_103, %dma_start3A_104, %dma_start3A_105] : memref<8x128x16xf32, #tpu.memory_space<vmem>> -> memref<1x128x16xf32, #tpu.memory_space<vmem>>
      %dma_start3A_107 = tpu.memref_squeeze %dma_start3A_106 : memref<1x128x16xf32, #tpu.memory_space<vmem>> -> memref<128x16xf32, #tpu.memory_space<vmem>>
      %dma_start3A_108 = arith.constant 0 : i32
      %dma_start3A_109 = tpu.memref_slice %arg7[%add3A_102, %dma_start3A_108] : memref<80x128xi32, #tpu.memory_space<vmem>> -> memref<1x128xi32, #tpu.memory_space<vmem>>
      %dma_start3A_110 = tpu.memref_squeeze %dma_start3A_109 : memref<1x128xi32, #tpu.memory_space<vmem>> -> memref<128xi32, #tpu.memory_space<vmem>>
      %dma_start3A_111 = arith.constant 0 : i32
      %dma_start3A_112 = arith.constant 0 : i32
      %dma_start3A_113 = tpu.memref_slice %arg11[%dma_start3A_111, %dma_start3A_112] : memref<10240x16xf32, #tpu.memory_space<vmem_shared>> -> memref<10240x16xf32, #tpu.memory_space<vmem_shared>>
      tpu.enqueue_indirect_dma source(%dma_start3A_113 : memref<10240x16xf32, #tpu.memory_space<vmem_shared>>) target(%dma_start3A_107 : memref<128x16xf32, #tpu.memory_space<vmem>>) offsets(%dma_start3A_110 : memref<128xi32, #tpu.memory_space<vmem>>) semaphore(%arg12 : memref<!tpu.dma_semaphore, #tpu.memory_space<semaphore_mem>>)
      %mul3A_114 = arith.constant 8 : i32
      %mul3A_115 = arith.muli %scan3A_9, %mul3A_114 : i32
      %add3A_116 = arith.constant 7 : i32
      %add3A_117 = arith.addi %mul3A_115, %add3A_116 : i32
      %dma_start3A_118 = arith.constant 7 : i32
      %dma_start3A_119 = arith.constant 0 : i32
      %dma_start3A_120 = arith.constant 0 : i32
      %dma_start3A_121 = tpu.memref_slice %arg9[%dma_start3A_118, %dma_start3A_119, %dma_start3A_120] : memref<8x128x16xf32, #tpu.memory_space<vmem>> -> memref<1x128x16xf32, #tpu.memory_space<vmem>>
      %dma_start3A_122 = tpu.memref_squeeze %dma_start3A_121 : memref<1x128x16xf32, #tpu.memory_space<vmem>> -> memref<128x16xf32, #tpu.memory_space<vmem>>
      %dma_start3A_123 = arith.constant 0 : i32
      %dma_start3A_124 = tpu.memref_slice %arg7[%add3A_117, %dma_start3A_123] : memref<80x128xi32, #tpu.memory_space<vmem>> -> memref<1x128xi32, #tpu.memory_space<vmem>>
      %dma_start3A_125 = tpu.memref_squeeze %dma_start3A_124 : memref<1x128xi32, #tpu.memory_space<vmem>> -> memref<128xi32, #tpu.memory_space<vmem>>
      %dma_start3A_126 = arith.constant 0 : i32
      %dma_start3A_127 = arith.constant 0 : i32
      %dma_start3A_128 = tpu.memref_slice %arg11[%dma_start3A_126, %dma_start3A_127] : memref<10240x16xf32, #tpu.memory_space<vmem_shared>> -> memref<10240x16xf32, #tpu.memory_space<vmem_shared>>
      tpu.enqueue_indirect_dma source(%dma_start3A_128 : memref<10240x16xf32, #tpu.memory_space<vmem_shared>>) target(%dma_start3A_122 : memref<128x16xf32, #tpu.memory_space<vmem>>) offsets(%dma_start3A_125 : memref<128xi32, #tpu.memory_space<vmem>>) semaphore(%arg12 : memref<!tpu.dma_semaphore, #tpu.memory_space<semaphore_mem>>)
      %dma_wait3A = arith.constant 0 : i32
      %dma_wait3A_129 = arith.constant 0 : i32
      %dma_wait3A_130 = arith.constant 0 : i32
      %dma_wait3A_131 = tpu.memref_slice %arg9[%dma_wait3A, %dma_wait3A_129, %dma_wait3A_130] : memref<8x128x16xf32, #tpu.memory_space<vmem>> -> memref<1x128x16xf32, #tpu.memory_space<vmem>>
      %dma_wait3A_132 = tpu.memref_squeeze %dma_wait3A_131 : memref<1x128x16xf32, #tpu.memory_space<vmem>> -> memref<128x16xf32, #tpu.memory_space<vmem>>
      %dma_wait3A_133 = arith.constant 0 : i32
      %dma_wait3A_134 = tpu.memref_slice %arg7[%add3A_13, %dma_wait3A_133] : memref<80x128xi32, #tpu.memory_space<vmem>> -> memref<1x128xi32, #tpu.memory_space<vmem>>
      %dma_wait3A_135 = tpu.memref_squeeze %dma_wait3A_134 : memref<1x128xi32, #tpu.memory_space<vmem>> -> memref<128xi32, #tpu.memory_space<vmem>>
      %dma_wait3A_136 = arith.constant 0 : i32
      %dma_wait3A_137 = arith.constant 0 : i32
      %dma_wait3A_138 = tpu.memref_slice %arg11[%dma_wait3A_136, %dma_wait3A_137] : memref<10240x16xf32, #tpu.memory_space<vmem_shared>> -> memref<10240x16xf32, #tpu.memory_space<vmem_shared>>
      tpu.wait_indirect_dma semaphore(%arg12 : memref<!tpu.dma_semaphore, #tpu.memory_space<semaphore_mem>>) src(%dma_wait3A_138 : memref<10240x16xf32, #tpu.memory_space<vmem_shared>>) dst(%dma_wait3A_132 : memref<128x16xf32, #tpu.memory_space<vmem>>)
      %mul3A_139 = arith.constant 8 : i32
      %mul3A_140 = arith.muli %scan3A_9, %mul3A_139 : i32
      %add3A_141 = arith.constant 0 : i32
      %add3A_142 = arith.addi %mul3A_140, %add3A_141 : i32
      %dma_start3A_143 = arith.constant 0 : i32
      %dma_start3A_144 = arith.constant 0 : i32
      %dma_start3A_145 = arith.constant 0 : i32
      %dma_start3A_146 = tpu.memref_slice %arg9[%dma_start3A_143, %dma_start3A_144, %dma_start3A_145] : memref<8x128x16xf32, #tpu.memory_space<vmem>> -> memref<1x128x16xf32, #tpu.memory_space<vmem>>
      %dma_start3A_147 = tpu.memref_squeeze %dma_start3A_146 : memref<1x128x16xf32, #tpu.memory_space<vmem>> -> memref<128x16xf32, #tpu.memory_space<vmem>>
      %dma_start3A_148 = arith.constant 0 : i32
      %dma_start3A_149 = tpu.memref_slice %arg8[%add3A_142, %dma_start3A_148] : memref<80x128xi32, #tpu.memory_space<vmem>> -> memref<1x128xi32, #tpu.memory_space<vmem>>
      %dma_start3A_150 = tpu.memref_squeeze %dma_start3A_149 : memref<1x128xi32, #tpu.memory_space<vmem>> -> memref<128xi32, #tpu.memory_space<vmem>>
      %dma_start3A_151 = arith.constant 0 : i32
      %dma_start3A_152 = arith.constant 0 : i32
      %dma_start3A_153 = tpu.memref_slice %arg10[%dma_start3A_151, %dma_start3A_152] : memref<10240x16xf32, #tpu.memory_space<vmem_shared>> -> memref<10240x16xf32, #tpu.memory_space<vmem_shared>>
      tpu.enqueue_indirect_dma source(%dma_start3A_147 : memref<128x16xf32, #tpu.memory_space<vmem>>) target(%dma_start3A_153 : memref<10240x16xf32, #tpu.memory_space<vmem_shared>>) offsets(%dma_start3A_150 : memref<128xi32, #tpu.memory_space<vmem>>) semaphore(%arg13 : memref<!tpu.dma_semaphore, #tpu.memory_space<semaphore_mem>>) {add = true}
      %dma_wait3A_154 = arith.constant 1 : i32
      %dma_wait3A_155 = arith.constant 0 : i32
      %dma_wait3A_156 = arith.constant 0 : i32
      %dma_wait3A_157 = tpu.memref_slice %arg9[%dma_wait3A_154, %dma_wait3A_155, %dma_wait3A_156] : memref<8x128x16xf32, #tpu.memory_space<vmem>> -> memref<1x128x16xf32, #tpu.memory_space<vmem>>
      %dma_wait3A_158 = tpu.memref_squeeze %dma_wait3A_157 : memref<1x128x16xf32, #tpu.memory_space<vmem>> -> memref<128x16xf32, #tpu.memory_space<vmem>>
      %dma_wait3A_159 = arith.constant 0 : i32
      %dma_wait3A_160 = tpu.memref_slice %arg7[%add3A_27, %dma_wait3A_159] : memref<80x128xi32, #tpu.memory_space<vmem>> -> memref<1x128xi32, #tpu.memory_space<vmem>>
      %dma_wait3A_161 = tpu.memref_squeeze %dma_wait3A_160 : memref<1x128xi32, #tpu.memory_space<vmem>> -> memref<128xi32, #tpu.memory_space<vmem>>
      %dma_wait3A_162 = arith.constant 0 : i32
      %dma_wait3A_163 = arith.constant 0 : i32
      %dma_wait3A_164 = tpu.memref_slice %arg11[%dma_wait3A_162, %dma_wait3A_163] : memref<10240x16xf32, #tpu.memory_space<vmem_shared>> -> memref<10240x16xf32, #tpu.memory_space<vmem_shared>>
      tpu.wait_indirect_dma semaphore(%arg12 : memref<!tpu.dma_semaphore, #tpu.memory_space<semaphore_mem>>) src(%dma_wait3A_164 : memref<10240x16xf32, #tpu.memory_space<vmem_shared>>) dst(%dma_wait3A_158 : memref<128x16xf32, #tpu.memory_space<vmem>>)
      %mul3A_165 = arith.constant 8 : i32
      %mul3A_166 = arith.muli %scan3A_9, %mul3A_165 : i32
      %add3A_167 = arith.constant 1 : i32
      %add3A_168 = arith.addi %mul3A_166, %add3A_167 : i32
      %dma_start3A_169 = arith.constant 1 : i32
      %dma_start3A_170 = arith.constant 0 : i32
      %dma_start3A_171 = arith.constant 0 : i32
      %dma_start3A_172 = tpu.memref_slice %arg9[%dma_start3A_169, %dma_start3A_170, %dma_start3A_171] : memref<8x128x16xf32, #tpu.memory_space<vmem>> -> memref<1x128x16xf32, #tpu.memory_space<vmem>>
      %dma_start3A_173 = tpu.memref_squeeze %dma_start3A_172 : memref<1x128x16xf32, #tpu.memory_space<vmem>> -> memref<128x16xf32, #tpu.memory_space<vmem>>
      %dma_start3A_174 = arith.constant 0 : i32
      %dma_start3A_175 = tpu.memref_slice %arg8[%add3A_168, %dma_start3A_174] : memref<80x128xi32, #tpu.memory_space<vmem>> -> memref<1x128xi32, #tpu.memory_space<vmem>>
      %dma_start3A_176 = tpu.memref_squeeze %dma_start3A_175 : memref<1x128xi32, #tpu.memory_space<vmem>> -> memref<128xi32, #tpu.memory_space<vmem>>
      %dma_start3A_177 = arith.constant 0 : i32
      %dma_start3A_178 = arith.constant 0 : i32
      %dma_start3A_179 = tpu.memref_slice %arg10[%dma_start3A_177, %dma_start3A_178] : memref<10240x16xf32, #tpu.memory_space<vmem_shared>> -> memref<10240x16xf32, #tpu.memory_space<vmem_shared>>
      tpu.enqueue_indirect_dma source(%dma_start3A_173 : memref<128x16xf32, #tpu.memory_space<vmem>>) target(%dma_start3A_179 : memref<10240x16xf32, #tpu.memory_space<vmem_shared>>) offsets(%dma_start3A_176 : memref<128xi32, #tpu.memory_space<vmem>>) semaphore(%arg13 : memref<!tpu.dma_semaphore, #tpu.memory_space<semaphore_mem>>) {add = true}
      %dma_wait3A_180 = arith.constant 2 : i32
      %dma_wait3A_181 = arith.constant 0 : i32
      %dma_wait3A_182 = arith.constant 0 : i32
      %dma_wait3A_183 = tpu.memref_slice %arg9[%dma_wait3A_180, %dma_wait3A_181, %dma_wait3A_182] : memref<8x128x16xf32, #tpu.memory_space<vmem>> -> memref<1x128x16xf32, #tpu.memory_space<vmem>>
      %dma_wait3A_184 = tpu.memref_squeeze %dma_wait3A_183 : memref<1x128x16xf32, #tpu.memory_space<vmem>> -> memref<128x16xf32, #tpu.memory_space<vmem>>
      %dma_wait3A_185 = arith.constant 0 : i32
      %dma_wait3A_186 = tpu.memref_slice %arg7[%add3A_42, %dma_wait3A_185] : memref<80x128xi32, #tpu.memory_space<vmem>> -> memref<1x128xi32, #tpu.memory_space<vmem>>
      %dma_wait3A_187 = tpu.memref_squeeze %dma_wait3A_186 : memref<1x128xi32, #tpu.memory_space<vmem>> -> memref<128xi32, #tpu.memory_space<vmem>>
      %dma_wait3A_188 = arith.constant 0 : i32
      %dma_wait3A_189 = arith.constant 0 : i32
      %dma_wait3A_190 = tpu.memref_slice %arg11[%dma_wait3A_188, %dma_wait3A_189] : memref<10240x16xf32, #tpu.memory_space<vmem_shared>> -> memref<10240x16xf32, #tpu.memory_space<vmem_shared>>
      tpu.wait_indirect_dma semaphore(%arg12 : memref<!tpu.dma_semaphore, #tpu.memory_space<semaphore_mem>>) src(%dma_wait3A_190 : memref<10240x16xf32, #tpu.memory_space<vmem_shared>>) dst(%dma_wait3A_184 : memref<128x16xf32, #tpu.memory_space<vmem>>)
      %mul3A_191 = arith.constant 8 : i32
      %mul3A_192 = arith.muli %scan3A_9, %mul3A_191 : i32
      %add3A_193 = arith.constant 2 : i32
      %add3A_194 = arith.addi %mul3A_192, %add3A_193 : i32
      %dma_start3A_195 = arith.constant 2 : i32
      %dma_start3A_196 = arith.constant 0 : i32
      %dma_start3A_197 = arith.constant 0 : i32
      %dma_start3A_198 = tpu.memref_slice %arg9[%dma_start3A_195, %dma_start3A_196, %dma_start3A_197] : memref<8x128x16xf32, #tpu.memory_space<vmem>> -> memref<1x128x16xf32, #tpu.memory_space<vmem>>
      %dma_start3A_199 = tpu.memref_squeeze %dma_start3A_198 : memref<1x128x16xf32, #tpu.memory_space<vmem>> -> memref<128x16xf32, #tpu.memory_space<vmem>>
      %dma_start3A_200 = arith.constant 0 : i32
      %dma_start3A_201 = tpu.memref_slice %arg8[%add3A_194, %dma_start3A_200] : memref<80x128xi32, #tpu.memory_space<vmem>> -> memref<1x128xi32, #tpu.memory_space<vmem>>
      %dma_start3A_202 = tpu.memref_squeeze %dma_start3A_201 : memref<1x128xi32, #tpu.memory_space<vmem>> -> memref<128xi32, #tpu.memory_space<vmem>>
      %dma_start3A_203 = arith.constant 0 : i32
      %dma_start3A_204 = arith.constant 0 : i32
      %dma_start3A_205 = tpu.memref_slice %arg10[%dma_start3A_203, %dma_start3A_204] : memref<10240x16xf32, #tpu.memory_space<vmem_shared>> -> memref<10240x16xf32, #tpu.memory_space<vmem_shared>>
      tpu.enqueue_indirect_dma source(%dma_start3A_199 : memref<128x16xf32, #tpu.memory_space<vmem>>) target(%dma_start3A_205 : memref<10240x16xf32, #tpu.memory_space<vmem_shared>>) offsets(%dma_start3A_202 : memref<128xi32, #tpu.memory_space<vmem>>) semaphore(%arg13 : memref<!tpu.dma_semaphore, #tpu.memory_space<semaphore_mem>>) {add = true}
      %dma_wait3A_206 = arith.constant 3 : i32
      %dma_wait3A_207 = arith.constant 0 : i32
      %dma_wait3A_208 = arith.constant 0 : i32
      %dma_wait3A_209 = tpu.memref_slice %arg9[%dma_wait3A_206, %dma_wait3A_207, %dma_wait3A_208] : memref<8x128x16xf32, #tpu.memory_space<vmem>> -> memref<1x128x16xf32, #tpu.memory_space<vmem>>
      %dma_wait3A_210 = tpu.memref_squeeze %dma_wait3A_209 : memref<1x128x16xf32, #tpu.memory_space<vmem>> -> memref<128x16xf32, #tpu.memory_space<vmem>>
      %dma_wait3A_211 = arith.constant 0 : i32
      %dma_wait3A_212 = tpu.memref_slice %arg7[%add3A_57, %dma_wait3A_211] : memref<80x128xi32, #tpu.memory_space<vmem>> -> memref<1x128xi32, #tpu.memory_space<vmem>>
      %dma_wait3A_213 = tpu.memref_squeeze %dma_wait3A_212 : memref<1x128xi32, #tpu.memory_space<vmem>> -> memref<128xi32, #tpu.memory_space<vmem>>
      %dma_wait3A_214 = arith.constant 0 : i32
      %dma_wait3A_215 = arith.constant 0 : i32
      %dma_wait3A_216 = tpu.memref_slice %arg11[%dma_wait3A_214, %dma_wait3A_215] : memref<10240x16xf32, #tpu.memory_space<vmem_shared>> -> memref<10240x16xf32, #tpu.memory_space<vmem_shared>>
      tpu.wait_indirect_dma semaphore(%arg12 : memref<!tpu.dma_semaphore, #tpu.memory_space<semaphore_mem>>) src(%dma_wait3A_216 : memref<10240x16xf32, #tpu.memory_space<vmem_shared>>) dst(%dma_wait3A_210 : memref<128x16xf32, #tpu.memory_space<vmem>>)
      %mul3A_217 = arith.constant 8 : i32
      %mul3A_218 = arith.muli %scan3A_9, %mul3A_217 : i32
      %add3A_219 = arith.constant 3 : i32
      %add3A_220 = arith.addi %mul3A_218, %add3A_219 : i32
      %dma_start3A_221 = arith.constant 3 : i32
      %dma_start3A_222 = arith.constant 0 : i32
      %dma_start3A_223 = arith.constant 0 : i32
      %dma_start3A_224 = tpu.memref_slice %arg9[%dma_start3A_221, %dma_start3A_222, %dma_start3A_223] : memref<8x128x16xf32, #tpu.memory_space<vmem>> -> memref<1x128x16xf32, #tpu.memory_space<vmem>>
      %dma_start3A_225 = tpu.memref_squeeze %dma_start3A_224 : memref<1x128x16xf32, #tpu.memory_space<vmem>> -> memref<128x16xf32, #tpu.memory_space<vmem>>
      %dma_start3A_226 = arith.constant 0 : i32
      %dma_start3A_227 = tpu.memref_slice %arg8[%add3A_220, %dma_start3A_226] : memref<80x128xi32, #tpu.memory_space<vmem>> -> memref<1x128xi32, #tpu.memory_space<vmem>>
      %dma_start3A_228 = tpu.memref_squeeze %dma_start3A_227 : memref<1x128xi32, #tpu.memory_space<vmem>> -> memref<128xi32, #tpu.memory_space<vmem>>
      %dma_start3A_229 = arith.constant 0 : i32
      %dma_start3A_230 = arith.constant 0 : i32
      %dma_start3A_231 = tpu.memref_slice %arg10[%dma_start3A_229, %dma_start3A_230] : memref<10240x16xf32, #tpu.memory_space<vmem_shared>> -> memref<10240x16xf32, #tpu.memory_space<vmem_shared>>
      tpu.enqueue_indirect_dma source(%dma_start3A_225 : memref<128x16xf32, #tpu.memory_space<vmem>>) target(%dma_start3A_231 : memref<10240x16xf32, #tpu.memory_space<vmem_shared>>) offsets(%dma_start3A_228 : memref<128xi32, #tpu.memory_space<vmem>>) semaphore(%arg13 : memref<!tpu.dma_semaphore, #tpu.memory_space<semaphore_mem>>) {add = true}
      %dma_wait3A_232 = arith.constant 4 : i32
      %dma_wait3A_233 = arith.constant 0 : i32
      %dma_wait3A_234 = arith.constant 0 : i32
      %dma_wait3A_235 = tpu.memref_slice %arg9[%dma_wait3A_232, %dma_wait3A_233, %dma_wait3A_234] : memref<8x128x16xf32, #tpu.memory_space<vmem>> -> memref<1x128x16xf32, #tpu.memory_space<vmem>>
      %dma_wait3A_236 = tpu.memref_squeeze %dma_wait3A_235 : memref<1x128x16xf32, #tpu.memory_space<vmem>> -> memref<128x16xf32, #tpu.memory_space<vmem>>
      %dma_wait3A_237 = arith.constant 0 : i32
      %dma_wait3A_238 = tpu.memref_slice %arg7[%add3A_72, %dma_wait3A_237] : memref<80x128xi32, #tpu.memory_space<vmem>> -> memref<1x128xi32, #tpu.memory_space<vmem>>
      %dma_wait3A_239 = tpu.memref_squeeze %dma_wait3A_238 : memref<1x128xi32, #tpu.memory_space<vmem>> -> memref<128xi32, #tpu.memory_space<vmem>>
      %dma_wait3A_240 = arith.constant 0 : i32
      %dma_wait3A_241 = arith.constant 0 : i32
      %dma_wait3A_242 = tpu.memref_slice %arg11[%dma_wait3A_240, %dma_wait3A_241] : memref<10240x16xf32, #tpu.memory_space<vmem_shared>> -> memref<10240x16xf32, #tpu.memory_space<vmem_shared>>
      tpu.wait_indirect_dma semaphore(%arg12 : memref<!tpu.dma_semaphore, #tpu.memory_space<semaphore_mem>>) src(%dma_wait3A_242 : memref<10240x16xf32, #tpu.memory_space<vmem_shared>>) dst(%dma_wait3A_236 : memref<128x16xf32, #tpu.memory_space<vmem>>)
      %mul3A_243 = arith.constant 8 : i32
      %mul3A_244 = arith.muli %scan3A_9, %mul3A_243 : i32
      %add3A_245 = arith.constant 4 : i32
      %add3A_246 = arith.addi %mul3A_244, %add3A_245 : i32
      %dma_start3A_247 = arith.constant 4 : i32
      %dma_start3A_248 = arith.constant 0 : i32
      %dma_start3A_249 = arith.constant 0 : i32
      %dma_start3A_250 = tpu.memref_slice %arg9[%dma_start3A_247, %dma_start3A_248, %dma_start3A_249] : memref<8x128x16xf32, #tpu.memory_space<vmem>> -> memref<1x128x16xf32, #tpu.memory_space<vmem>>
      %dma_start3A_251 = tpu.memref_squeeze %dma_start3A_250 : memref<1x128x16xf32, #tpu.memory_space<vmem>> -> memref<128x16xf32, #tpu.memory_space<vmem>>
      %dma_start3A_252 = arith.constant 0 : i32
      %dma_start3A_253 = tpu.memref_slice %arg8[%add3A_246, %dma_start3A_252] : memref<80x128xi32, #tpu.memory_space<vmem>> -> memref<1x128xi32, #tpu.memory_space<vmem>>
      %dma_start3A_254 = tpu.memref_squeeze %dma_start3A_253 : memref<1x128xi32, #tpu.memory_space<vmem>> -> memref<128xi32, #tpu.memory_space<vmem>>
      %dma_start3A_255 = arith.constant 0 : i32
      %dma_start3A_256 = arith.constant 0 : i32
      %dma_start3A_257 = tpu.memref_slice %arg10[%dma_start3A_255, %dma_start3A_256] : memref<10240x16xf32, #tpu.memory_space<vmem_shared>> -> memref<10240x16xf32, #tpu.memory_space<vmem_shared>>
      tpu.enqueue_indirect_dma source(%dma_start3A_251 : memref<128x16xf32, #tpu.memory_space<vmem>>) target(%dma_start3A_257 : memref<10240x16xf32, #tpu.memory_space<vmem_shared>>) offsets(%dma_start3A_254 : memref<128xi32, #tpu.memory_space<vmem>>) semaphore(%arg13 : memref<!tpu.dma_semaphore, #tpu.memory_space<semaphore_mem>>) {add = true}
      %dma_wait3A_258 = arith.constant 5 : i32
      %dma_wait3A_259 = arith.constant 0 : i32
      %dma_wait3A_260 = arith.constant 0 : i32
      %dma_wait3A_261 = tpu.memref_slice %arg9[%dma_wait3A_258, %dma_wait3A_259, %dma_wait3A_260] : memref<8x128x16xf32, #tpu.memory_space<vmem>> -> memref<1x128x16xf32, #tpu.memory_space<vmem>>
      %dma_wait3A_262 = tpu.memref_squeeze %dma_wait3A_261 : memref<1x128x16xf32, #tpu.memory_space<vmem>> -> memref<128x16xf32, #tpu.memory_space<vmem>>
      %dma_wait3A_263 = arith.constant 0 : i32
      %dma_wait3A_264 = tpu.memref_slice %arg7[%add3A_87, %dma_wait3A_263] : memref<80x128xi32, #tpu.memory_space<vmem>> -> memref<1x128xi32, #tpu.memory_space<vmem>>
      %dma_wait3A_265 = tpu.memref_squeeze %dma_wait3A_264 : memref<1x128xi32, #tpu.memory_space<vmem>> -> memref<128xi32, #tpu.memory_space<vmem>>
      %dma_wait3A_266 = arith.constant 0 : i32
      %dma_wait3A_267 = arith.constant 0 : i32
      %dma_wait3A_268 = tpu.memref_slice %arg11[%dma_wait3A_266, %dma_wait3A_267] : memref<10240x16xf32, #tpu.memory_space<vmem_shared>> -> memref<10240x16xf32, #tpu.memory_space<vmem_shared>>
      tpu.wait_indirect_dma semaphore(%arg12 : memref<!tpu.dma_semaphore, #tpu.memory_space<semaphore_mem>>) src(%dma_wait3A_268 : memref<10240x16xf32, #tpu.memory_space<vmem_shared>>) dst(%dma_wait3A_262 : memref<128x16xf32, #tpu.memory_space<vmem>>)
      %mul3A_269 = arith.constant 8 : i32
      %mul3A_270 = arith.muli %scan3A_9, %mul3A_269 : i32
      %add3A_271 = arith.constant 5 : i32
      %add3A_272 = arith.addi %mul3A_270, %add3A_271 : i32
      %dma_start3A_273 = arith.constant 5 : i32
      %dma_start3A_274 = arith.constant 0 : i32
      %dma_start3A_275 = arith.constant 0 : i32
      %dma_start3A_276 = tpu.memref_slice %arg9[%dma_start3A_273, %dma_start3A_274, %dma_start3A_275] : memref<8x128x16xf32, #tpu.memory_space<vmem>> -> memref<1x128x16xf32, #tpu.memory_space<vmem>>
      %dma_start3A_277 = tpu.memref_squeeze %dma_start3A_276 : memref<1x128x16xf32, #tpu.memory_space<vmem>> -> memref<128x16xf32, #tpu.memory_space<vmem>>
      %dma_start3A_278 = arith.constant 0 : i32
      %dma_start3A_279 = tpu.memref_slice %arg8[%add3A_272, %dma_start3A_278] : memref<80x128xi32, #tpu.memory_space<vmem>> -> memref<1x128xi32, #tpu.memory_space<vmem>>
      %dma_start3A_280 = tpu.memref_squeeze %dma_start3A_279 : memref<1x128xi32, #tpu.memory_space<vmem>> -> memref<128xi32, #tpu.memory_space<vmem>>
      %dma_start3A_281 = arith.constant 0 : i32
      %dma_start3A_282 = arith.constant 0 : i32
      %dma_start3A_283 = tpu.memref_slice %arg10[%dma_start3A_281, %dma_start3A_282] : memref<10240x16xf32, #tpu.memory_space<vmem_shared>> -> memref<10240x16xf32, #tpu.memory_space<vmem_shared>>
      tpu.enqueue_indirect_dma source(%dma_start3A_277 : memref<128x16xf32, #tpu.memory_space<vmem>>) target(%dma_start3A_283 : memref<10240x16xf32, #tpu.memory_space<vmem_shared>>) offsets(%dma_start3A_280 : memref<128xi32, #tpu.memory_space<vmem>>) semaphore(%arg13 : memref<!tpu.dma_semaphore, #tpu.memory_space<semaphore_mem>>) {add = true}
      %dma_wait3A_284 = arith.constant 6 : i32
      %dma_wait3A_285 = arith.constant 0 : i32
      %dma_wait3A_286 = arith.constant 0 : i32
      %dma_wait3A_287 = tpu.memref_slice %arg9[%dma_wait3A_284, %dma_wait3A_285, %dma_wait3A_286] : memref<8x128x16xf32, #tpu.memory_space<vmem>> -> memref<1x128x16xf32, #tpu.memory_space<vmem>>
      %dma_wait3A_288 = tpu.memref_squeeze %dma_wait3A_287 : memref<1x128x16xf32, #tpu.memory_space<vmem>> -> memref<128x16xf32, #tpu.memory_space<vmem>>
      %dma_wait3A_289 = arith.constant 0 : i32
      %dma_wait3A_290 = tpu.memref_slice %arg7[%add3A_102, %dma_wait3A_289] : memref<80x128xi32, #tpu.memory_space<vmem>> -> memref<1x128xi32, #tpu.memory_space<vmem>>
      %dma_wait3A_291 = tpu.memref_squeeze %dma_wait3A_290 : memref<1x128xi32, #tpu.memory_space<vmem>> -> memref<128xi32, #tpu.memory_space<vmem>>
      %dma_wait3A_292 = arith.constant 0 : i32
      %dma_wait3A_293 = arith.constant 0 : i32
      %dma_wait3A_294 = tpu.memref_slice %arg11[%dma_wait3A_292, %dma_wait3A_293] : memref<10240x16xf32, #tpu.memory_space<vmem_shared>> -> memref<10240x16xf32, #tpu.memory_space<vmem_shared>>
      tpu.wait_indirect_dma semaphore(%arg12 : memref<!tpu.dma_semaphore, #tpu.memory_space<semaphore_mem>>) src(%dma_wait3A_294 : memref<10240x16xf32, #tpu.memory_space<vmem_shared>>) dst(%dma_wait3A_288 : memref<128x16xf32, #tpu.memory_space<vmem>>)
      %mul3A_295 = arith.constant 8 : i32
      %mul3A_296 = arith.muli %scan3A_9, %mul3A_295 : i32
      %add3A_297 = arith.constant 6 : i32
      %add3A_298 = arith.addi %mul3A_296, %add3A_297 : i32
      %dma_start3A_299 = arith.constant 6 : i32
      %dma_start3A_300 = arith.constant 0 : i32
      %dma_start3A_301 = arith.constant 0 : i32
      %dma_start3A_302 = tpu.memref_slice %arg9[%dma_start3A_299, %dma_start3A_300, %dma_start3A_301] : memref<8x128x16xf32, #tpu.memory_space<vmem>> -> memref<1x128x16xf32, #tpu.memory_space<vmem>>
      %dma_start3A_303 = tpu.memref_squeeze %dma_start3A_302 : memref<1x128x16xf32, #tpu.memory_space<vmem>> -> memref<128x16xf32, #tpu.memory_space<vmem>>
      %dma_start3A_304 = arith.constant 0 : i32
      %dma_start3A_305 = tpu.memref_slice %arg8[%add3A_298, %dma_start3A_304] : memref<80x128xi32, #tpu.memory_space<vmem>> -> memref<1x128xi32, #tpu.memory_space<vmem>>
      %dma_start3A_306 = tpu.memref_squeeze %dma_start3A_305 : memref<1x128xi32, #tpu.memory_space<vmem>> -> memref<128xi32, #tpu.memory_space<vmem>>
      %dma_start3A_307 = arith.constant 0 : i32
      %dma_start3A_308 = arith.constant 0 : i32
      %dma_start3A_309 = tpu.memref_slice %arg10[%dma_start3A_307, %dma_start3A_308] : memref<10240x16xf32, #tpu.memory_space<vmem_shared>> -> memref<10240x16xf32, #tpu.memory_space<vmem_shared>>
      tpu.enqueue_indirect_dma source(%dma_start3A_303 : memref<128x16xf32, #tpu.memory_space<vmem>>) target(%dma_start3A_309 : memref<10240x16xf32, #tpu.memory_space<vmem_shared>>) offsets(%dma_start3A_306 : memref<128xi32, #tpu.memory_space<vmem>>) semaphore(%arg13 : memref<!tpu.dma_semaphore, #tpu.memory_space<semaphore_mem>>) {add = true}
      %dma_wait3A_310 = arith.constant 7 : i32
      %dma_wait3A_311 = arith.constant 0 : i32
      %dma_wait3A_312 = arith.constant 0 : i32
      %dma_wait3A_313 = tpu.memref_slice %arg9[%dma_wait3A_310, %dma_wait3A_311, %dma_wait3A_312] : memref<8x128x16xf32, #tpu.memory_space<vmem>> -> memref<1x128x16xf32, #tpu.memory_space<vmem>>
      %dma_wait3A_314 = tpu.memref_squeeze %dma_wait3A_313 : memref<1x128x16xf32, #tpu.memory_space<vmem>> -> memref<128x16xf32, #tpu.memory_space<vmem>>
      %dma_wait3A_315 = arith.constant 0 : i32
      %dma_wait3A_316 = tpu.memref_slice %arg7[%add3A_117, %dma_wait3A_315] : memref<80x128xi32, #tpu.memory_space<vmem>> -> memref<1x128xi32, #tpu.memory_space<vmem>>
      %dma_wait3A_317 = tpu.memref_squeeze %dma_wait3A_316 : memref<1x128xi32, #tpu.memory_space<vmem>> -> memref<128xi32, #tpu.memory_space<vmem>>
      %dma_wait3A_318 = arith.constant 0 : i32
      %dma_wait3A_319 = arith.constant 0 : i32
      %dma_wait3A_320 = tpu.memref_slice %arg11[%dma_wait3A_318, %dma_wait3A_319] : memref<10240x16xf32, #tpu.memory_space<vmem_shared>> -> memref<10240x16xf32, #tpu.memory_space<vmem_shared>>
      tpu.wait_indirect_dma semaphore(%arg12 : memref<!tpu.dma_semaphore, #tpu.memory_space<semaphore_mem>>) src(%dma_wait3A_320 : memref<10240x16xf32, #tpu.memory_space<vmem_shared>>) dst(%dma_wait3A_314 : memref<128x16xf32, #tpu.memory_space<vmem>>)
      %mul3A_321 = arith.constant 8 : i32
      %mul3A_322 = arith.muli %scan3A_9, %mul3A_321 : i32
      %add3A_323 = arith.constant 7 : i32
      %add3A_324 = arith.addi %mul3A_322, %add3A_323 : i32
      %dma_start3A_325 = arith.constant 7 : i32
      %dma_start3A_326 = arith.constant 0 : i32
      %dma_start3A_327 = arith.constant 0 : i32
      %dma_start3A_328 = tpu.memref_slice %arg9[%dma_start3A_325, %dma_start3A_326, %dma_start3A_327] : memref<8x128x16xf32, #tpu.memory_space<vmem>> -> memref<1x128x16xf32, #tpu.memory_space<vmem>>
      %dma_start3A_329 = tpu.memref_squeeze %dma_start3A_328 : memref<1x128x16xf32, #tpu.memory_space<vmem>> -> memref<128x16xf32, #tpu.memory_space<vmem>>
      %dma_start3A_330 = arith.constant 0 : i32
      %dma_start3A_331 = tpu.memref_slice %arg8[%add3A_324, %dma_start3A_330] : memref<80x128xi32, #tpu.memory_space<vmem>> -> memref<1x128xi32, #tpu.memory_space<vmem>>
      %dma_start3A_332 = tpu.memref_squeeze %dma_start3A_331 : memref<1x128xi32, #tpu.memory_space<vmem>> -> memref<128xi32, #tpu.memory_space<vmem>>
      %dma_start3A_333 = arith.constant 0 : i32
      %dma_start3A_334 = arith.constant 0 : i32
      %dma_start3A_335 = tpu.memref_slice %arg10[%dma_start3A_333, %dma_start3A_334] : memref<10240x16xf32, #tpu.memory_space<vmem_shared>> -> memref<10240x16xf32, #tpu.memory_space<vmem_shared>>
      tpu.enqueue_indirect_dma source(%dma_start3A_329 : memref<128x16xf32, #tpu.memory_space<vmem>>) target(%dma_start3A_335 : memref<10240x16xf32, #tpu.memory_space<vmem_shared>>) offsets(%dma_start3A_332 : memref<128xi32, #tpu.memory_space<vmem>>) semaphore(%arg13 : memref<!tpu.dma_semaphore, #tpu.memory_space<semaphore_mem>>) {add = true}
      %dma_wait3A_336 = arith.constant 0 : i32
      %dma_wait3A_337 = arith.constant 0 : i32
      %dma_wait3A_338 = arith.constant 0 : i32
      %dma_wait3A_339 = tpu.memref_slice %arg9[%dma_wait3A_336, %dma_wait3A_337, %dma_wait3A_338] : memref<8x128x16xf32, #tpu.memory_space<vmem>> -> memref<1x128x16xf32, #tpu.memory_space<vmem>>
      %dma_wait3A_340 = tpu.memref_squeeze %dma_wait3A_339 : memref<1x128x16xf32, #tpu.memory_space<vmem>> -> memref<128x16xf32, #tpu.memory_space<vmem>>
      %dma_wait3A_341 = arith.constant 0 : i32
      %dma_wait3A_342 = tpu.memref_slice %arg8[%add3A_142, %dma_wait3A_341] : memref<80x128xi32, #tpu.memory_space<vmem>> -> memref<1x128xi32, #tpu.memory_space<vmem>>
      %dma_wait3A_343 = tpu.memref_squeeze %dma_wait3A_342 : memref<1x128xi32, #tpu.memory_space<vmem>> -> memref<128xi32, #tpu.memory_space<vmem>>
      %dma_wait3A_344 = arith.constant 0 : i32
      %dma_wait3A_345 = arith.constant 0 : i32
      %dma_wait3A_346 = tpu.memref_slice %arg10[%dma_wait3A_344, %dma_wait3A_345] : memref<10240x16xf32, #tpu.memory_space<vmem_shared>> -> memref<10240x16xf32, #tpu.memory_space<vmem_shared>>
      tpu.wait_indirect_dma semaphore(%arg13 : memref<!tpu.dma_semaphore, #tpu.memory_space<semaphore_mem>>) src(%dma_wait3A_340 : memref<128x16xf32, #tpu.memory_space<vmem>>) dst(%dma_wait3A_346 : memref<10240x16xf32, #tpu.memory_space<vmem_shared>>)
      %dma_wait3A_347 = arith.constant 1 : i32
      %dma_wait3A_348 = arith.constant 0 : i32
      %dma_wait3A_349 = arith.constant 0 : i32
      %dma_wait3A_350 = tpu.memref_slice %arg9[%dma_wait3A_347, %dma_wait3A_348, %dma_wait3A_349] : memref<8x128x16xf32, #tpu.memory_space<vmem>> -> memref<1x128x16xf32, #tpu.memory_space<vmem>>
      %dma_wait3A_351 = tpu.memref_squeeze %dma_wait3A_350 : memref<1x128x16xf32, #tpu.memory_space<vmem>> -> memref<128x16xf32, #tpu.memory_space<vmem>>
      %dma_wait3A_352 = arith.constant 0 : i32
      %dma_wait3A_353 = tpu.memref_slice %arg8[%add3A_168, %dma_wait3A_352] : memref<80x128xi32, #tpu.memory_space<vmem>> -> memref<1x128xi32, #tpu.memory_space<vmem>>
      %dma_wait3A_354 = tpu.memref_squeeze %dma_wait3A_353 : memref<1x128xi32, #tpu.memory_space<vmem>> -> memref<128xi32, #tpu.memory_space<vmem>>
      %dma_wait3A_355 = arith.constant 0 : i32
      %dma_wait3A_356 = arith.constant 0 : i32
      %dma_wait3A_357 = tpu.memref_slice %arg10[%dma_wait3A_355, %dma_wait3A_356] : memref<10240x16xf32, #tpu.memory_space<vmem_shared>> -> memref<10240x16xf32, #tpu.memory_space<vmem_shared>>
      tpu.wait_indirect_dma semaphore(%arg13 : memref<!tpu.dma_semaphore, #tpu.memory_space<semaphore_mem>>) src(%dma_wait3A_351 : memref<128x16xf32, #tpu.memory_space<vmem>>) dst(%dma_wait3A_357 : memref<10240x16xf32, #tpu.memory_space<vmem_shared>>)
      %dma_wait3A_358 = arith.constant 2 : i32
      %dma_wait3A_359 = arith.constant 0 : i32
      %dma_wait3A_360 = arith.constant 0 : i32
      %dma_wait3A_361 = tpu.memref_slice %arg9[%dma_wait3A_358, %dma_wait3A_359, %dma_wait3A_360] : memref<8x128x16xf32, #tpu.memory_space<vmem>> -> memref<1x128x16xf32, #tpu.memory_space<vmem>>
      %dma_wait3A_362 = tpu.memref_squeeze %dma_wait3A_361 : memref<1x128x16xf32, #tpu.memory_space<vmem>> -> memref<128x16xf32, #tpu.memory_space<vmem>>
      %dma_wait3A_363 = arith.constant 0 : i32
      %dma_wait3A_364 = tpu.memref_slice %arg8[%add3A_194, %dma_wait3A_363] : memref<80x128xi32, #tpu.memory_space<vmem>> -> memref<1x128xi32, #tpu.memory_space<vmem>>
      %dma_wait3A_365 = tpu.memref_squeeze %dma_wait3A_364 : memref<1x128xi32, #tpu.memory_space<vmem>> -> memref<128xi32, #tpu.memory_space<vmem>>
      %dma_wait3A_366 = arith.constant 0 : i32
      %dma_wait3A_367 = arith.constant 0 : i32
      %dma_wait3A_368 = tpu.memref_slice %arg10[%dma_wait3A_366, %dma_wait3A_367] : memref<10240x16xf32, #tpu.memory_space<vmem_shared>> -> memref<10240x16xf32, #tpu.memory_space<vmem_shared>>
      tpu.wait_indirect_dma semaphore(%arg13 : memref<!tpu.dma_semaphore, #tpu.memory_space<semaphore_mem>>) src(%dma_wait3A_362 : memref<128x16xf32, #tpu.memory_space<vmem>>) dst(%dma_wait3A_368 : memref<10240x16xf32, #tpu.memory_space<vmem_shared>>)
      %dma_wait3A_369 = arith.constant 3 : i32
      %dma_wait3A_370 = arith.constant 0 : i32
      %dma_wait3A_371 = arith.constant 0 : i32
      %dma_wait3A_372 = tpu.memref_slice %arg9[%dma_wait3A_369, %dma_wait3A_370, %dma_wait3A_371] : memref<8x128x16xf32, #tpu.memory_space<vmem>> -> memref<1x128x16xf32, #tpu.memory_space<vmem>>
      %dma_wait3A_373 = tpu.memref_squeeze %dma_wait3A_372 : memref<1x128x16xf32, #tpu.memory_space<vmem>> -> memref<128x16xf32, #tpu.memory_space<vmem>>
      %dma_wait3A_374 = arith.constant 0 : i32
      %dma_wait3A_375 = tpu.memref_slice %arg8[%add3A_220, %dma_wait3A_374] : memref<80x128xi32, #tpu.memory_space<vmem>> -> memref<1x128xi32, #tpu.memory_space<vmem>>
      %dma_wait3A_376 = tpu.memref_squeeze %dma_wait3A_375 : memref<1x128xi32, #tpu.memory_space<vmem>> -> memref<128xi32, #tpu.memory_space<vmem>>
      %dma_wait3A_377 = arith.constant 0 : i32
      %dma_wait3A_378 = arith.constant 0 : i32
      %dma_wait3A_379 = tpu.memref_slice %arg10[%dma_wait3A_377, %dma_wait3A_378] : memref<10240x16xf32, #tpu.memory_space<vmem_shared>> -> memref<10240x16xf32, #tpu.memory_space<vmem_shared>>
      tpu.wait_indirect_dma semaphore(%arg13 : memref<!tpu.dma_semaphore, #tpu.memory_space<semaphore_mem>>) src(%dma_wait3A_373 : memref<128x16xf32, #tpu.memory_space<vmem>>) dst(%dma_wait3A_379 : memref<10240x16xf32, #tpu.memory_space<vmem_shared>>)
      %dma_wait3A_380 = arith.constant 4 : i32
      %dma_wait3A_381 = arith.constant 0 : i32
      %dma_wait3A_382 = arith.constant 0 : i32
      %dma_wait3A_383 = tpu.memref_slice %arg9[%dma_wait3A_380, %dma_wait3A_381, %dma_wait3A_382] : memref<8x128x16xf32, #tpu.memory_space<vmem>> -> memref<1x128x16xf32, #tpu.memory_space<vmem>>
      %dma_wait3A_384 = tpu.memref_squeeze %dma_wait3A_383 : memref<1x128x16xf32, #tpu.memory_space<vmem>> -> memref<128x16xf32, #tpu.memory_space<vmem>>
      %dma_wait3A_385 = arith.constant 0 : i32
      %dma_wait3A_386 = tpu.memref_slice %arg8[%add3A_246, %dma_wait3A_385] : memref<80x128xi32, #tpu.memory_space<vmem>> -> memref<1x128xi32, #tpu.memory_space<vmem>>
      %dma_wait3A_387 = tpu.memref_squeeze %dma_wait3A_386 : memref<1x128xi32, #tpu.memory_space<vmem>> -> memref<128xi32, #tpu.memory_space<vmem>>
      %dma_wait3A_388 = arith.constant 0 : i32
      %dma_wait3A_389 = arith.constant 0 : i32
      %dma_wait3A_390 = tpu.memref_slice %arg10[%dma_wait3A_388, %dma_wait3A_389] : memref<10240x16xf32, #tpu.memory_space<vmem_shared>> -> memref<10240x16xf32, #tpu.memory_space<vmem_shared>>
      tpu.wait_indirect_dma semaphore(%arg13 : memref<!tpu.dma_semaphore, #tpu.memory_space<semaphore_mem>>) src(%dma_wait3A_384 : memref<128x16xf32, #tpu.memory_space<vmem>>) dst(%dma_wait3A_390 : memref<10240x16xf32, #tpu.memory_space<vmem_shared>>)
      %dma_wait3A_391 = arith.constant 5 : i32
      %dma_wait3A_392 = arith.constant 0 : i32
      %dma_wait3A_393 = arith.constant 0 : i32
      %dma_wait3A_394 = tpu.memref_slice %arg9[%dma_wait3A_391, %dma_wait3A_392, %dma_wait3A_393] : memref<8x128x16xf32, #tpu.memory_space<vmem>> -> memref<1x128x16xf32, #tpu.memory_space<vmem>>
      %dma_wait3A_395 = tpu.memref_squeeze %dma_wait3A_394 : memref<1x128x16xf32, #tpu.memory_space<vmem>> -> memref<128x16xf32, #tpu.memory_space<vmem>>
      %dma_wait3A_396 = arith.constant 0 : i32
      %dma_wait3A_397 = tpu.memref_slice %arg8[%add3A_272, %dma_wait3A_396] : memref<80x128xi32, #tpu.memory_space<vmem>> -> memref<1x128xi32, #tpu.memory_space<vmem>>
      %dma_wait3A_398 = tpu.memref_squeeze %dma_wait3A_397 : memref<1x128xi32, #tpu.memory_space<vmem>> -> memref<128xi32, #tpu.memory_space<vmem>>
      %dma_wait3A_399 = arith.constant 0 : i32
      %dma_wait3A_400 = arith.constant 0 : i32
      %dma_wait3A_401 = tpu.memref_slice %arg10[%dma_wait3A_399, %dma_wait3A_400] : memref<10240x16xf32, #tpu.memory_space<vmem_shared>> -> memref<10240x16xf32, #tpu.memory_space<vmem_shared>>
      tpu.wait_indirect_dma semaphore(%arg13 : memref<!tpu.dma_semaphore, #tpu.memory_space<semaphore_mem>>) src(%dma_wait3A_395 : memref<128x16xf32, #tpu.memory_space<vmem>>) dst(%dma_wait3A_401 : memref<10240x16xf32, #tpu.memory_space<vmem_shared>>)
      %dma_wait3A_402 = arith.constant 6 : i32
      %dma_wait3A_403 = arith.constant 0 : i32
      %dma_wait3A_404 = arith.constant 0 : i32
      %dma_wait3A_405 = tpu.memref_slice %arg9[%dma_wait3A_402, %dma_wait3A_403, %dma_wait3A_404] : memref<8x128x16xf32, #tpu.memory_space<vmem>> -> memref<1x128x16xf32, #tpu.memory_space<vmem>>
      %dma_wait3A_406 = tpu.memref_squeeze %dma_wait3A_405 : memref<1x128x16xf32, #tpu.memory_space<vmem>> -> memref<128x16xf32, #tpu.memory_space<vmem>>
      %dma_wait3A_407 = arith.constant 0 : i32
      %dma_wait3A_408 = tpu.memref_slice %arg8[%add3A_298, %dma_wait3A_407] : memref<80x128xi32, #tpu.memory_space<vmem>> -> memref<1x128xi32, #tpu.memory_space<vmem>>
      %dma_wait3A_409 = tpu.memref_squeeze %dma_wait3A_408 : memref<1x128xi32, #tpu.memory_space<vmem>> -> memref<128xi32, #tpu.memory_space<vmem>>
      %dma_wait3A_410 = arith.constant 0 : i32
      %dma_wait3A_411 = arith.constant 0 : i32
      %dma_wait3A_412 = tpu.memref_slice %arg10[%dma_wait3A_410, %dma_wait3A_411] : memref<10240x16xf32, #tpu.memory_space<vmem_shared>> -> memref<10240x16xf32, #tpu.memory_space<vmem_shared>>
      tpu.wait_indirect_dma semaphore(%arg13 : memref<!tpu.dma_semaphore, #tpu.memory_space<semaphore_mem>>) src(%dma_wait3A_406 : memref<128x16xf32, #tpu.memory_space<vmem>>) dst(%dma_wait3A_412 : memref<10240x16xf32, #tpu.memory_space<vmem_shared>>)
      %dma_wait3A_413 = arith.constant 7 : i32
      %dma_wait3A_414 = arith.constant 0 : i32
      %dma_wait3A_415 = arith.constant 0 : i32
      %dma_wait3A_416 = tpu.memref_slice %arg9[%dma_wait3A_413, %dma_wait3A_414, %dma_wait3A_415] : memref<8x128x16xf32, #tpu.memory_space<vmem>> -> memref<1x128x16xf32, #tpu.memory_space<vmem>>
      %dma_wait3A_417 = tpu.memref_squeeze %dma_wait3A_416 : memref<1x128x16xf32, #tpu.memory_space<vmem>> -> memref<128x16xf32, #tpu.memory_space<vmem>>
      %dma_wait3A_418 = arith.constant 0 : i32
      %dma_wait3A_419 = tpu.memref_slice %arg8[%add3A_324, %dma_wait3A_418] : memref<80x128xi32, #tpu.memory_space<vmem>> -> memref<1x128xi32, #tpu.memory_space<vmem>>
      %dma_wait3A_420 = tpu.memref_squeeze %dma_wait3A_419 : memref<1x128xi32, #tpu.memory_space<vmem>> -> memref<128xi32, #tpu.memory_space<vmem>>
      %dma_wait3A_421 = arith.constant 0 : i32
      %dma_wait3A_422 = arith.constant 0 : i32
      %dma_wait3A_423 = tpu.memref_slice %arg10[%dma_wait3A_421, %dma_wait3A_422] : memref<10240x16xf32, #tpu.memory_space<vmem_shared>> -> memref<10240x16xf32, #tpu.memory_space<vmem_shared>>
      tpu.wait_indirect_dma semaphore(%arg13 : memref<!tpu.dma_semaphore, #tpu.memory_space<semaphore_mem>>) src(%dma_wait3A_417 : memref<128x16xf32, #tpu.memory_space<vmem>>) dst(%dma_wait3A_423 : memref<10240x16xf32, #tpu.memory_space<vmem_shared>>)
    }
    %scan3A_7 = arith.constant 10 : i32
    %barrier3A_8 = arith.constant 0 : index
    tpu.barrier barrier_id(%barrier3A_8)
    "tpu.region"() ({
      %run_scoped3A = tpu.sem_alloc : memref<!tpu.dma_semaphore, #tpu.memory_space<semaphore_mem>>
      %dma_start3A = arith.constant 0 : i32
      %dma_start3A_9 = tpu.memref_slice %arg6[%arg0, %mul3A_2, %dma_start3A] : memref<2x10240x16xf32, #tpu.memory_space<hbm>> -> memref<1x640x16xf32, #tpu.memory_space<hbm>>
      %dma_start3A_10 = tpu.memref_squeeze %dma_start3A_9 : memref<1x640x16xf32, #tpu.memory_space<hbm>> -> memref<640x16xf32, #tpu.memory_space<hbm>>
      %dma_start3A_11 = arith.constant 0 : i32
      %dma_start3A_12 = tpu.memref_slice %arg10[%mul3A_2, %dma_start3A_11] : memref<10240x16xf32, #tpu.memory_space<vmem_shared>> -> memref<640x16xf32, #tpu.memory_space<vmem_shared>>
      tpu.enqueue_dma source(%dma_start3A_12 : memref<640x16xf32, #tpu.memory_space<vmem_shared>>) target(%dma_start3A_10 : memref<640x16xf32, #tpu.memory_space<hbm>>) target_semaphore(%run_scoped3A : memref<!tpu.dma_semaphore, #tpu.memory_space<semaphore_mem>>)
      %dma_wait3A = arith.constant 0 : i32
      %dma_wait3A_13 = tpu.memref_slice %arg6[%arg0, %mul3A_2, %dma_wait3A] : memref<2x10240x16xf32, #tpu.memory_space<hbm>> -> memref<1x640x16xf32, #tpu.memory_space<hbm>>
      %dma_wait3A_14 = tpu.memref_squeeze %dma_wait3A_13 : memref<1x640x16xf32, #tpu.memory_space<hbm>> -> memref<640x16xf32, #tpu.memory_space<hbm>>
      %dma_wait3A_15 = arith.constant 0 : i32
      %dma_wait3A_16 = tpu.memref_slice %arg10[%mul3A_2, %dma_wait3A_15] : memref<10240x16xf32, #tpu.memory_space<vmem_shared>> -> memref<640x16xf32, #tpu.memory_space<vmem_shared>>
      tpu.wait_dma2 semaphore(%run_scoped3A : memref<!tpu.dma_semaphore, #tpu.memory_space<semaphore_mem>>) src(%dma_wait3A_16 : memref<640x16xf32, #tpu.memory_space<vmem_shared>>) dst(%dma_wait3A_14 : memref<640x16xf32, #tpu.memory_space<hbm>>)
      tpu.yield
    }) : () -> ()
    return
  }
}

module attributes {stable_mosaic.version = 14 : i64} {
  func.func @_tc1a_body(%arg0: i32, %arg1: memref<1024x128xf32, #tpu.memory_space<vmem>>, %arg2: memref<128x64xf32, #tpu.memory_space<vmem>>, %arg3: memref<1024x64xf32, #tpu.memory_space<vmem>>) attributes {dimension_semantics = [#tpu.dimension_semantics<arbitrary>], iteration_bounds = array<i64: 10>, scalar_prefetch = 0 : i64, scratch_operands = 0 : i64, tpu.core_type = #tpu.core_type<tc>, window_params = [{transform_indices = @transform_0, window_bounds = array<i64: 1024, 128>}, {pipeline_mode = #tpu.pipeline_mode<synchronous>, transform_indices = @transform_1, window_bounds = array<i64: 128, 64>}, {transform_indices = @transform_2, window_bounds = array<i64: 1024, 64>}]} {
    %get3A = arith.constant 0 : index
    %get3A_0 = arith.constant 0 : index
    %get3A_1 = vector.load %arg1[%get3A, %get3A_0] : memref<1024x128xf32, #tpu.memory_space<vmem>>, vector<1024x128xf32>
    %get3A_2 = arith.constant 0 : index
    %get3A_3 = arith.constant 0 : index
    %get3A_4 = vector.load %arg2[%get3A_2, %get3A_3] : memref<128x64xf32, #tpu.memory_space<vmem>>, vector<128x64xf32>
    %dot_general3A = arith.constant dense<0.000000e+00> : vector<1024x64xf32>
    %dot_general3A_5 = tpu.matmul %get3A_1, %get3A_4, %dot_general3A {dimension_numbers = #tpu.dot_dimension_numbers<[1], [0], [0], [1], [0, 0, 1, 1], [], []>, transpose_lhs_hint = false} : vector<1024x128xf32>, vector<128x64xf32>, vector<1024x64xf32> -> vector<1024x64xf32>
    %swap3A = arith.constant 0 : index
    %swap3A_6 = arith.constant 0 : index
    %swap3A_7 = vector.load %arg3[%swap3A, %swap3A_6] : memref<1024x64xf32, #tpu.memory_space<vmem>>, vector<1024x64xf32>
    tpu.vector_store %arg3[%swap3A, %swap3A_6], %dot_general3A_5 {strides = array<i32>} : memref<1024x64xf32, #tpu.memory_space<vmem>>, vector<1024x64xf32>,
    return
  }
  func.func @transform_0(%arg0: i32) -> (i32, i32) {
    %c0_i32 = arith.constant 0 : i32
    %c0_i32_0 = arith.constant 0 : i32
    return %arg0, %c0_i32 : i32, i32
  }
  func.func @transform_1(%arg0: i32) -> (i32, i32) {
    %c0_i32 = arith.constant 0 : i32
    %c0_i32_0 = arith.constant 0 : i32
    %c0_i32_1 = arith.constant 0 : i32
    return %c0_i32, %c0_i32_0 : i32, i32
  }
  func.func @transform_2(%arg0: i32) -> (i32, i32) {
    %c0_i32 = arith.constant 0 : i32
    %c0_i32_0 = arith.constant 0 : i32
    return %arg0, %c0_i32 : i32, i32
  }
}

module attributes {stable_mosaic.version = 14 : i64} {
  func.func @_tc1b_body(%arg0: i32, %arg1: memref<1024x2xf32, #tpu.memory_space<vmem>>, %arg2: memref<1024x64xf32, #tpu.memory_space<vmem>>, %arg3: memref<1024x64xf32, #tpu.memory_space<vmem>>) attributes {dimension_semantics = [#tpu.dimension_semantics<arbitrary>], iteration_bounds = array<i64: 10>, scalar_prefetch = 0 : i64, scratch_operands = 0 : i64, tpu.core_type = #tpu.core_type<tc>, window_params = [{transform_indices = @transform_0, window_bounds = array<i64: 1024, 2>}, {transform_indices = @transform_1, window_bounds = array<i64: 1024, 64>}, {transform_indices = @transform_2, window_bounds = array<i64: 1024, 64>}]} {
    %get3A = arith.constant 0 : index
    %get3A_0 = arith.constant 0 : index
    %get3A_1 = vector.load %arg2[%get3A, %get3A_0] : memref<1024x64xf32, #tpu.memory_space<vmem>>, vector<1024x64xf32>
    %get3A_2 = arith.constant 0 : index
    %get3A_3 = arith.constant 0 : index
    %get3A_4 = vector.load %arg1[%get3A_2, %get3A_3] : memref<1024x2xf32, #tpu.memory_space<vmem>>, vector<1024x1xf32>
    %get3A_5 = arith.constant 0 : index
    %get3A_6 = arith.constant 1 : index
    %get3A_7 = vector.load %arg1[%get3A_5, %get3A_6] : memref<1024x2xf32, #tpu.memory_space<vmem>>, vector<1024x1xf32>
    %add3A = arith.addf %get3A_4, %get3A_7 : vector<1024x1xf32>
    %add3A_8 = arith.constant 1.000000e+00 : f32
    %add3A_9 = vector.broadcast %add3A_8 : f32 to vector<1024x1xf32>
    %add3A_10 = arith.addf %add3A, %add3A_9 : vector<1024x1xf32>
    %rsqrt3A = math.rsqrt %add3A_10 : vector<1024x1xf32>
    %mul3A = vector.broadcast %rsqrt3A : vector<1024x1xf32> to vector<1024x64xf32>
    %mul3A_11 = arith.mulf %get3A_1, %mul3A : vector<1024x64xf32>
    %swap3A = arith.constant 0 : index
    %swap3A_12 = arith.constant 0 : index
    %swap3A_13 = vector.load %arg3[%swap3A, %swap3A_12] : memref<1024x64xf32, #tpu.memory_space<vmem>>, vector<1024x64xf32>
    tpu.vector_store %arg3[%swap3A, %swap3A_12], %mul3A_11 {strides = array<i32>} : memref<1024x64xf32, #tpu.memory_space<vmem>>, vector<1024x64xf32>,
    return
  }
  func.func @transform_0(%arg0: i32) -> (i32, i32) {
    %c0_i32 = arith.constant 0 : i32
    %c0_i32_0 = arith.constant 0 : i32
    return %arg0, %c0_i32 : i32, i32
  }
  func.func @transform_1(%arg0: i32) -> (i32, i32) {
    %c0_i32 = arith.constant 0 : i32
    %c0_i32_0 = arith.constant 0 : i32
    return %arg0, %c0_i32 : i32, i32
  }
  func.func @transform_2(%arg0: i32) -> (i32, i32) {
    %c0_i32 = arith.constant 0 : i32
    %c0_i32_0 = arith.constant 0 : i32
    return %arg0, %c0_i32 : i32, i32
  }
}

module attributes {stable_mosaic.version = 14 : i64} {
  func.func @_tc2_body(%arg0: i32, %arg1: memref<2x1024x64xf32, #tpu.memory_space<vmem>>, %arg2: memref<1024x64xf32, #tpu.memory_space<vmem>>, %arg3: memref<1024x2xf32, #tpu.memory_space<vmem>>, %arg4: memref<1x64xf32, #tpu.memory_space<vmem>>, %arg5: memref<64x16xf32, #tpu.memory_space<vmem>>, %arg6: memref<1024x16xf32, #tpu.memory_space<vmem>>) attributes {dimension_semantics = [#tpu.dimension_semantics<arbitrary>], iteration_bounds = array<i64: 10>, scalar_prefetch = 0 : i64, scratch_operands = 0 : i64, tpu.core_type = #tpu.core_type<tc>, window_params = [{transform_indices = @transform_0, window_bounds = array<i64: 2, 1024, 64>}, {transform_indices = @transform_1, window_bounds = array<i64: 1024, 64>}, {transform_indices = @transform_2, window_bounds = array<i64: 1024, 2>}, {pipeline_mode = #tpu.pipeline_mode<synchronous>, transform_indices = @transform_3, window_bounds = array<i64: 1, 64>}, {pipeline_mode = #tpu.pipeline_mode<synchronous>, transform_indices = @transform_4, window_bounds = array<i64: 64, 16>}, {transform_indices = @transform_5, window_bounds = array<i64: 1024, 16>}]} {
    %get3A = arith.constant 0 : index
    %get3A_0 = arith.constant 0 : index
    %get3A_1 = vector.load %arg3[%get3A, %get3A_0] : memref<1024x2xf32, #tpu.memory_space<vmem>>, vector<1024x1xf32>
    %get3A_2 = arith.constant 0 : index
    %get3A_3 = arith.constant 1 : index
    %get3A_4 = vector.load %arg3[%get3A_2, %get3A_3] : memref<1024x2xf32, #tpu.memory_space<vmem>>, vector<1024x1xf32>
    %add3A = arith.addf %get3A_1, %get3A_4 : vector<1024x1xf32>
    %add3A_5 = arith.constant 1.000000e+00 : f32
    %add3A_6 = vector.broadcast %add3A_5 : f32 to vector<1024x1xf32>
    %add3A_7 = arith.addf %add3A, %add3A_6 : vector<1024x1xf32>
    %rsqrt3A = math.rsqrt %add3A_7 : vector<1024x1xf32>
    %get3A_8 = arith.constant 0 : index
    %get3A_9 = arith.constant 0 : index
    %get3A_10 = arith.constant 0 : index
    %get3A_11 = vector.load %arg1[%get3A_8, %get3A_9, %get3A_10] : memref<2x1024x64xf32, #tpu.memory_space<vmem>>, vector<1x1024x64xf32>
    %get3A_12 = vector.shape_cast %get3A_11 : vector<1x1024x64xf32> to vector<1024x64xf32>
    %get3A_13 = arith.constant 1 : index
    %get3A_14 = arith.constant 0 : index
    %get3A_15 = arith.constant 0 : index
    %get3A_16 = vector.load %arg1[%get3A_13, %get3A_14, %get3A_15] : memref<2x1024x64xf32, #tpu.memory_space<vmem>>, vector<1x1024x64xf32>
    %get3A_17 = vector.shape_cast %get3A_16 : vector<1x1024x64xf32> to vector<1024x64xf32>
    %add3A_18 = arith.addf %get3A_12, %get3A_17 : vector<1024x64xf32>
    %get3A_19 = arith.constant 0 : index
    %get3A_20 = arith.constant 0 : index
    %get3A_21 = vector.load %arg2[%get3A_19, %get3A_20] : memref<1024x64xf32, #tpu.memory_space<vmem>>, vector<1024x64xf32>
    %add3A_22 = arith.addf %add3A_18, %get3A_21 : vector<1024x64xf32>
    %mul3A = vector.broadcast %rsqrt3A : vector<1024x1xf32> to vector<1024x64xf32>
    %mul3A_23 = arith.mulf %add3A_22, %mul3A : vector<1024x64xf32>
    %get3A_24 = arith.constant 0 : index
    %get3A_25 = arith.constant 0 : index
    %get3A_26 = vector.load %arg4[%get3A_24, %get3A_25] : memref<1x64xf32, #tpu.memory_space<vmem>>, vector<1x64xf32>
    %add3A_27 = vector.broadcast %get3A_26 : vector<1x64xf32> to vector<1024x64xf32>
    %add3A_28 = arith.addf %mul3A_23, %add3A_27 : vector<1024x64xf32>
    %max3A = arith.constant 0.000000e+00 : f32
    %max3A_29 = vector.broadcast %max3A : f32 to vector<1024x64xf32>
    %max3A_30 = arith.maximumf %add3A_28, %max3A_29 : vector<1024x64xf32>
    %get3A_31 = arith.constant 0 : index
    %get3A_32 = arith.constant 0 : index
    %get3A_33 = vector.load %arg5[%get3A_31, %get3A_32] : memref<64x16xf32, #tpu.memory_space<vmem>>, vector<64x16xf32>
    %dot_general3A = arith.constant dense<0.000000e+00> : vector<1024x16xf32>
    %dot_general3A_34 = tpu.matmul %max3A_30, %get3A_33, %dot_general3A {dimension_numbers = #tpu.dot_dimension_numbers<[1], [0], [0], [1], [0, 0, 1, 1], [], []>, transpose_lhs_hint = false} : vector<1024x64xf32>, vector<64x16xf32>, vector<1024x16xf32> -> vector<1024x16xf32>
    %mul3A_35 = vector.broadcast %rsqrt3A : vector<1024x1xf32> to vector<1024x16xf32>
    %mul3A_36 = arith.mulf %dot_general3A_34, %mul3A_35 : vector<1024x16xf32>
    %swap3A = arith.constant 0 : index
    %swap3A_37 = arith.constant 0 : index
    %swap3A_38 = vector.load %arg6[%swap3A, %swap3A_37] : memref<1024x16xf32, #tpu.memory_space<vmem>>, vector<1024x16xf32>
    tpu.vector_store %arg6[%swap3A, %swap3A_37], %mul3A_36 {strides = array<i32>} : memref<1024x16xf32, #tpu.memory_space<vmem>>, vector<1024x16xf32>,
    return
  }
  func.func @transform_0(%arg0: i32) -> (i32, i32, i32) {
    %c0_i32 = arith.constant 0 : i32
    %c0_i32_0 = arith.constant 0 : i32
    %c0_i32_1 = arith.constant 0 : i32
    return %c0_i32, %arg0, %c0_i32_0 : i32, i32, i32
  }
  func.func @transform_1(%arg0: i32) -> (i32, i32) {
    %c0_i32 = arith.constant 0 : i32
    %c0_i32_0 = arith.constant 0 : i32
    return %arg0, %c0_i32 : i32, i32
  }
  func.func @transform_2(%arg0: i32) -> (i32, i32) {
    %c0_i32 = arith.constant 0 : i32
    %c0_i32_0 = arith.constant 0 : i32
    return %arg0, %c0_i32 : i32, i32
  }
  func.func @transform_3(%arg0: i32) -> (i32, i32) {
    %c0_i32 = arith.constant 0 : i32
    %c0_i32_0 = arith.constant 0 : i32
    %c0_i32_1 = arith.constant 0 : i32
    return %c0_i32, %c0_i32_0 : i32, i32
  }
  func.func @transform_4(%arg0: i32) -> (i32, i32) {
    %c0_i32 = arith.constant 0 : i32
    %c0_i32_0 = arith.constant 0 : i32
    %c0_i32_1 = arith.constant 0 : i32
    return %c0_i32, %c0_i32_0 : i32, i32
  }
  func.func @transform_5(%arg0: i32) -> (i32, i32) {
    %c0_i32 = arith.constant 0 : i32
    %c0_i32_0 = arith.constant 0 : i32
    return %arg0, %c0_i32 : i32, i32
  }
}

module attributes {stable_mosaic.version = 14 : i64} {
  func.func @_tc3_body(%arg0: i32, %arg1: memref<2x1024x16xf32, #tpu.memory_space<vmem>>, %arg2: memref<1024x16xf32, #tpu.memory_space<vmem>>, %arg3: memref<1024x2xf32, #tpu.memory_space<vmem>>, %arg4: memref<1x16xf32, #tpu.memory_space<vmem>>, %arg5: memref<1024x16xf32, #tpu.memory_space<vmem>>) attributes {dimension_semantics = [#tpu.dimension_semantics<arbitrary>], iteration_bounds = array<i64: 10>, scalar_prefetch = 0 : i64, scratch_operands = 0 : i64, tpu.core_type = #tpu.core_type<tc>, window_params = [{transform_indices = @transform_0, window_bounds = array<i64: 2, 1024, 16>}, {transform_indices = @transform_1, window_bounds = array<i64: 1024, 16>}, {transform_indices = @transform_2, window_bounds = array<i64: 1024, 2>}, {pipeline_mode = #tpu.pipeline_mode<synchronous>, transform_indices = @transform_3, window_bounds = array<i64: 1, 16>}, {transform_indices = @transform_4, window_bounds = array<i64: 1024, 16>}]} {
    %get3A = arith.constant 0 : index
    %get3A_0 = arith.constant 0 : index
    %get3A_1 = vector.load %arg3[%get3A, %get3A_0] : memref<1024x2xf32, #tpu.memory_space<vmem>>, vector<1024x1xf32>
    %get3A_2 = arith.constant 0 : index
    %get3A_3 = arith.constant 1 : index
    %get3A_4 = vector.load %arg3[%get3A_2, %get3A_3] : memref<1024x2xf32, #tpu.memory_space<vmem>>, vector<1024x1xf32>
    %add3A = arith.addf %get3A_1, %get3A_4 : vector<1024x1xf32>
    %add3A_5 = arith.constant 1.000000e+00 : f32
    %add3A_6 = vector.broadcast %add3A_5 : f32 to vector<1024x1xf32>
    %add3A_7 = arith.addf %add3A, %add3A_6 : vector<1024x1xf32>
    %rsqrt3A = math.rsqrt %add3A_7 : vector<1024x1xf32>
    %get3A_8 = arith.constant 0 : index
    %get3A_9 = arith.constant 0 : index
    %get3A_10 = arith.constant 0 : index
    %get3A_11 = vector.load %arg1[%get3A_8, %get3A_9, %get3A_10] : memref<2x1024x16xf32, #tpu.memory_space<vmem>>, vector<1x1024x16xf32>
    %get3A_12 = vector.shape_cast %get3A_11 : vector<1x1024x16xf32> to vector<1024x16xf32>
    %get3A_13 = arith.constant 1 : index
    %get3A_14 = arith.constant 0 : index
    %get3A_15 = arith.constant 0 : index
    %get3A_16 = vector.load %arg1[%get3A_13, %get3A_14, %get3A_15] : memref<2x1024x16xf32, #tpu.memory_space<vmem>>, vector<1x1024x16xf32>
    %get3A_17 = vector.shape_cast %get3A_16 : vector<1x1024x16xf32> to vector<1024x16xf32>
    %add3A_18 = arith.addf %get3A_12, %get3A_17 : vector<1024x16xf32>
    %get3A_19 = arith.constant 0 : index
    %get3A_20 = arith.constant 0 : index
    %get3A_21 = vector.load %arg2[%get3A_19, %get3A_20] : memref<1024x16xf32, #tpu.memory_space<vmem>>, vector<1024x16xf32>
    %add3A_22 = arith.addf %add3A_18, %get3A_21 : vector<1024x16xf32>
    %mul3A = vector.broadcast %rsqrt3A : vector<1024x1xf32> to vector<1024x16xf32>
    %mul3A_23 = arith.mulf %add3A_22, %mul3A : vector<1024x16xf32>
    %get3A_24 = arith.constant 0 : index
    %get3A_25 = arith.constant 0 : index
    %get3A_26 = vector.load %arg4[%get3A_24, %get3A_25] : memref<1x16xf32, #tpu.memory_space<vmem>>, vector<1x16xf32>
    %add3A_27 = vector.broadcast %get3A_26 : vector<1x16xf32> to vector<1024x16xf32>
    %add3A_28 = arith.addf %mul3A_23, %add3A_27 : vector<1024x16xf32>
    %reduce_max3A = arith.constant dense<0xFF800000> : vector<1024xf32>
    %reduce_max3A_29 = vector.multi_reduction <maximumf>, %add3A_28, %reduce_max3A [1] : vector<1024x16xf32> to vector<1024xf32>
    %broadcast_in_dim3A = vector.shape_cast %reduce_max3A_29 : vector<1024xf32> to vector<1024x1xf32>
    %sub3A = vector.broadcast %broadcast_in_dim3A : vector<1024x1xf32> to vector<1024x16xf32>
    %sub3A_30 = arith.subf %add3A_28, %sub3A : vector<1024x16xf32>
    %exp3A = math.exp %sub3A_30 : vector<1024x16xf32>
    %reduce_sum3A = arith.constant dense<0.000000e+00> : vector<1024xf32>
    %reduce_sum3A_31 = vector.multi_reduction <add>, %exp3A, %reduce_sum3A [1] : vector<1024x16xf32> to vector<1024xf32>
    %broadcast_in_dim3A_32 = vector.shape_cast %reduce_sum3A_31 : vector<1024xf32> to vector<1024x1xf32>
    %log3A = math.log %broadcast_in_dim3A_32 : vector<1024x1xf32>
    %add3A_33 = arith.addf %log3A, %broadcast_in_dim3A : vector<1024x1xf32>
    %sub3A_34 = vector.broadcast %add3A_33 : vector<1024x1xf32> to vector<1024x16xf32>
    %sub3A_35 = arith.subf %add3A_28, %sub3A_34 : vector<1024x16xf32>
    %swap3A = arith.constant 0 : index
    %swap3A_36 = arith.constant 0 : index
    %swap3A_37 = vector.load %arg5[%swap3A, %swap3A_36] : memref<1024x16xf32, #tpu.memory_space<vmem>>, vector<1024x16xf32>
    tpu.vector_store %arg5[%swap3A, %swap3A_36], %sub3A_35 {strides = array<i32>} : memref<1024x16xf32, #tpu.memory_space<vmem>>, vector<1024x16xf32>,
    return
  }
  func.func @transform_0(%arg0: i32) -> (i32, i32, i32) {
    %c0_i32 = arith.constant 0 : i32
    %c0_i32_0 = arith.constant 0 : i32
    %c0_i32_1 = arith.constant 0 : i32
    return %c0_i32, %arg0, %c0_i32_0 : i32, i32, i32
  }
  func.func @transform_1(%arg0: i32) -> (i32, i32) {
    %c0_i32 = arith.constant 0 : i32
    %c0_i32_0 = arith.constant 0 : i32
    return %arg0, %c0_i32 : i32, i32
  }
  func.func @transform_2(%arg0: i32) -> (i32, i32) {
    %c0_i32 = arith.constant 0 : i32
    %c0_i32_0 = arith.constant 0 : i32
    return %arg0, %c0_i32 : i32, i32
  }
  func.func @transform_3(%arg0: i32) -> (i32, i32) {
    %c0_i32 = arith.constant 0 : i32
    %c0_i32_0 = arith.constant 0 : i32
    %c0_i32_1 = arith.constant 0 : i32
    return %c0_i32, %c0_i32_0 : i32, i32
  }
  func.func @transform_4(%arg0: i32) -> (i32, i32) {
    %c0_i32 = arith.constant 0 : i32
    %c0_i32_0 = arith.constant 0 : i32
    return %arg0, %c0_i32 : i32, i32
  }
}

</mosaic_0001>

<sc_bundles>
// kernel: kernel.12.cloned.1.call-start
scs
__scs_entry_jumppad:
0x0: {  	(pc) =	sbr.rel $0x88, $3  }
0x1: {  	(tag) =	ssettag $0x0;
	lr =	simm.s32 $0x1  }
0x2: {  	[smem:$0x3F9B] =	sst lr;
	_ =	strace $0xD0000000  }
0x3: {  	_ = 	snop  }
0x4: {  	_ = 	snop  }
0x5: {  	_ = 	snop  }
0x6: {  	_ = 	snop  }
0x7: {  	_ = 	snop  }
__scs_overlays_trampoline_lowered:
0x8: {  	[smem:$0x3FAA] =	sst s0  }
0x9: {  	[smem:$0x3FAB] =	sst s1  }
0xa: {  	[smem:$0x3FAC] =	sst s2  }
0xb: {  	[smem:$0x3FAD] =	sst s3  }
0xc: {  	[smem:$0x3FAE] =	sst s4  }
0xd: {  	[smem:$0x3FAF] =	sst s5  }
0xe: {  	[smem:$0x3FB0] =	sst s6  }
0xf: {  	[smem:$0x3FB1] =	sst s7  }
0x10: {  	[smem:$0x3FB2] =	sst s8  }
0x11: {  	[smem:$0x3FB3] =	sst s9;
	s0 =	simm.s32 @!p0 $0x0  }
0x12: {  	s1 =	sld [smem:$0x3F99];
	s0 =	simm.s32 @p0 $0x1  }
0x13: {  	[smem:$0x3FB4] =	sst s0;
	s0 =	simm.s32 @!p1 $0x0  }
0x14: {  	s2 =	sld [smem:$0x3F98];
	s0 =	simm.s32 @p1 $0x1  }
0x15: {  	[smem:$0x3FB5] =	sst s0;
	s0 =	simm.s32 @!p2 $0x0  }
0x16: {  	s3 =	sld [smem:$0x3FDB];
	s0 =	simm.s32 @p2 $0x1  }
0x17: {  	s4 =	simm.s32 $0x1BF5;
	[smem:$0x3FB7] =	sst s0  }
0x18: {  	s0 =	sld [smem:$0x3F9A];
	_ =	swait.ge [sflag:s4], $0x0  }
0x19: {  	s7 =	sld [smem:$0x3F9B]  }
0x1a: {  	s8 =	sadd.s32 $0xFFFFE003, lr  }
0x1b: {  	s9 =	sadd.s32 $0xFFFFFEF7, lr;
	s5 =	simm.s32 $0xFFFFFFFF;
	p2 =	slt.u32 s8, $0xFFFFF086  }
0x1c: {  	p1 =	slt.u32 s9, $0xF7A;
	s5 =	simm.s32 @!p2 $0x0  }
0x1d: {  	s5 =	simm.s32 @p1 $0x1;
	p0 =	seq.s32 s7, s2  }
0x1e: {  	s7 =	smul.u32 @!p0 $0xF7A, s2;
	p2 =	seq.s32 @!p0 s5, $0x0  }
0x1f: {  	s9 =	smul.u32 $0xF7A, s1;
	s8 =	simm.s32 @!p0 $0x1BF5;
	p2 =	por !p2, p0  }
0x20: {  	[sflag:s8] =	ssyncset.s32 @!p0 $0xFFFFF086;
	s6 =	sadd.s32 @!p0 s3, s7;
	s7 =	simm.s32 @!p0 $0x108  }
0x21: {  	s3 =	sadd.s32 s3, s9;
	s6 =	sadd.s32 @!p0 $0x88, s6;
	s7 =	simm.s32 @p2 $0x1082  }
0x22: {  	[simem:s7], [sflag:s8] =	dma.local @!p0 [hbm:s6], $0xF7A  }
0x23: {  	s9 =	sor.u32 $0xD0000000, s2;
	s6 =	simm.s32 $0x108;
	_ =	swait.ge @!p0 [sflag:s8], $0x0  }
0x24: {  	s3 =	sadd.s32 $0x88, s3;
	s6 =	simm.s32 @!p1 $0x1082;
	[sflag:s4] =	ssyncset.s32 $0xFFFFF086  }
0x25: {  	[simem:s6], [sflag:s4] =	dma.local [hbm:s3], $0xF7A  }
0x26: {  	[smem:$0x3F9B] =	sst s1;
	(tag) =	ssettag s2;
	_ =	strace s9  }
0x27: {  	s1 =	sld [smem:$0x3FAB]  }
0x28: {  	s2 =	sld [smem:$0x3FAC]  }
0x29: {  	s4 =	sld [smem:$0x3FAE]  }
0x2a: {  	p0 =	seq.s32 s5, $0x0;
	s5 =	sld [smem:$0x3FAF]  }
0x2b: {  	s6 =	sld [smem:$0x3FB0]  }
0x2c: {  	s7 =	sld [smem:$0x3FB1]  }
0x2d: {  	s3 =	simm.s32 $0x108;
	s8 =	sld [smem:$0x3FB2]  }
0x2e: {  	s3 =	simm.s32 @!p0 $0x1082;
	s9 =	sld [smem:$0x3FB3]  }
0x2f: {  	lr =	sadd.s32 s0, s3;
	s0 =	sld [smem:$0x3FAA]  }
0x30: {  	s3 =	sld [smem:$0x3FAD]  }
0x31: {  	[smem:$0x3FB6] =	sst s10  }
0x32: {  	s10 =	sld [smem:$0x3FB4];
	_ =	sdelay $0x3  }
0x33: {  	p0 =	seq.s32 s10, $0x1;
	s10 =	sld [smem:$0x3FB6];
	_ =	sdelay $0x3  }
0x34: {  	[smem:$0x3FB6] =	sst s10  }
0x35: {  	s10 =	sld [smem:$0x3FB5];
	_ =	sdelay $0x3  }
0x36: {  	p1 =	seq.s32 s10, $0x1;
	s10 =	sld [smem:$0x3FB6];
	_ =	sdelay $0x3  }
0x37: {  	[smem:$0x3FB6] =	sst s10  }
0x38: {  	s10 =	sld [smem:$0x3FB7]  }
0x39: {  	_ = 	snop;
	(pc) =	sbr.ind lr, $3  }
0x3a: {  	_ = 	snop  }
0x3b: {  	_ = 	snop  }
0x3c: {  	p2 =	seq.s32 s10, $0x1;
	s10 =	sld [smem:$0x3FB6]  }
0x3d: {  	_ =	shalt  }
0x3e: {  	_ =	shalt  }
0x3f: {  	_ =	shalt  }
0x40: {  	_ =	shalt  }
0x41: {  	_ =	shalt  }
0x42: {  	_ =	shalt  }
0x43: {  	_ =	shalt  }
0x44: {  	_ =	shalt  }
0x45: {  	_ =	shalt  }
0x46: {  	_ =	shalt  }
0x47: {  	_ =	shalt  }
0x48: {  	_ =	shalt  }
0x49: {  	_ =	shalt  }
0x4a: {  	_ =	shalt  }
0x4b: {  	_ =	shalt  }
0x4c: {  	_ =	shalt  }
0x4d: {  	_ =	shalt  }
0x4e: {  	_ =	shalt  }
0x4f: {  	_ =	shalt  }
0x50: {  	_ =	shalt  }
0x51: {  	_ =	shalt  }
0x52: {  	_ =	shalt  }
0x53: {  	_ =	shalt  }
0x54: {  	_ =	shalt  }
0x55: {  	_ =	shalt  }
0x56: {  	_ =	shalt  }
0x57: {  	_ =	shalt  }
0x58: {  	_ =	shalt  }
0x59: {  	_ =	shalt  }
0x5a: {  	_ =	shalt  }
0x5b: {  	_ =	shalt  }
0x5c: {  	_ =	shalt  }
0x5d: {  	_ =	shalt  }
0x5e: {  	_ =	shalt  }
0x5f: {  	_ =	shalt  }
0x60: {  	_ =	shalt  }
0x61: {  	_ =	shalt  }
0x62: {  	_ =	shalt  }
0x63: {  	_ =	shalt  }
0x64: {  	_ =	shalt  }
0x65: {  	_ =	shalt  }
0x66: {  	_ =	shalt  }
0x67: {  	_ =	shalt  }
0x68: {  	_ =	shalt  }
0x69: {  	_ =	shalt  }
0x6a: {  	_ =	shalt  }
0x6b: {  	_ =	shalt  }
0x6c: {  	_ =	shalt  }
0x6d: {  	_ =	shalt  }
0x6e: {  	_ =	shalt  }
0x6f: {  	_ =	shalt  }
0x70: {  	_ =	shalt  }
0x71: {  	_ =	shalt  }
0x72: {  	_ =	shalt  }
0x73: {  	_ =	shalt  }
0x74: {  	_ =	shalt  }
0x75: {  	_ =	shalt  }
0x76: {  	_ =	shalt  }
0x77: {  	_ =	shalt  }
0x78: {  	_ =	shalt  }
0x79: {  	_ =	shalt  }
0x7a: {  	_ =	shalt  }
0x7b: {  	_ =	shalt  }
0x7c: {  	_ =	shalt  }
0x7d: {  	_ =	shalt  }
0x7e: {  	_ =	shalt  }
0x7f: {  	_ =	shalt  }
0x80: {  	_ =	shalt  }
0x81: {  	_ =	shalt  }
0x82: {  	_ =	shalt  }
0x83: {  	_ =	shalt  }
0x84: {  	_ =	shalt  }
0x85: {  	_ =	shalt  }
0x86: {  	_ =	shalt  }
0x87: {  	_ =	shalt  }
.Lfunc_end0:
.L_simem_size_0:
called_computation.1_lowered:
.L_overlay_start_0:
0x88: {  	s2 =	sld [smem:$0x3FD9]  }
0x89: {  	s3 =	sld [smem:$0x3FFE];
	_ =	sdelay $0x1  }
0x8a: {  	s1 =	srdreg.scid  }
0x8b: {  	s0 =	sand.u32 $0x1, s1  }
0x8c: {  	s16 =	sshll.u32 s0, $0xA;
	s2 =	sadd.s32 s3, s2  }
0x8d: {  	s2 =	sadd.s32 s2, s16  }
0x8e: {  	[smem:$0x3FC2] =	sst s2  }
0x8f: {  	_ = 	snop  }
0x90: {  	(tm) =	ssettm $0x1  }
0x91: {  	s17 =	sld [smem:$0x3FFB];
	_ =	sdelay $0x3  }
0x92: {  	_ =	strace s17  }
0x93: {  	s2 =	sld [smem:$0x3FFC];
	_ =	sdelay $0x3  }
0x94: {  	_ =	strace s2  }
0x95: {  	s2 =	sld [smem:$0x3FFD];
	_ =	sdelay $0x3  }
0x96: {  	_ =	strace s2  }
0x97: {  	_ =	strace $0x8FFFFFFF  }
0x98: {  	s18 =	sld [smem:$0x3FDB];
	_ =	sdelay $0x1  }
0x99: {  	s19 =	simm.s32 $_scs_section_size  }
0x9a: {  	s4 =	simm.s32 $_size__tile_overlayer_lowered;
	s5 =	simm.s32 $_tile_overlayer_lowered  }
0x9b: {  	s22 =	simm.s32 $0x1BFF;
	s21 =	sshll.u32 s5, $0x1;
	s2 =	sadd.s32 s19, s18  }
0x9c: {  	s6 =	simm.s32 $0x0;
	s20 =	sshll.u32 s4, $0x1;
	s4 =	sadd.s32 s21, s2  }
0x9d: {  	[timem:s6], [sflag:s22] =	dma.local [hbm:s4], s20  }
0x9e: {  	_ =	swait.ge [sflag:s22], s20  }
0x9f: {  	s3 =	ssub.s32 $0x0, s20;
	[sflag:s22] =	ssyncset.done $0x0  }
0xa0: {  	[sflag:s22] =	ssyncadd.s32 s3;
	_ =	sdelay $0x1  }
0xa1: {  	s23 =	simm.s32 $0x1B8B  }
0xa2: {  	_ =	swait.ge [sflag:s23], $0x1  }
0xa3: {  	[sflag:s23] =	ssyncset.done $0x0  }
0xa4: {  	s25 =	simm.s32 $0x1B8E;
	s24 =	sld [smem:$0x3FFE];
	[sflag:s23] =	ssyncadd.s32 $0xFFFFFFFF  }
0xa5: {  	s26 =	simm.s32 $execute0_lowered;
	[smem:$0x3FD2] =	sst s25  }
0xa6: {  	s4 =	sshll.u32 s26, $0x1;
	_ =	strace $0x80000049;
	[dreg:$0x1] =	wrdreg $0xFFFFFFFF  }
0xa7: {  	s28 =	simm.s32 $_size_execute0_lowered;
	s2 =	sadd.s32 s2, s4;
	[dreg:$0x0] =	wrdreg $0x0  }
0xa8: {  	s4 =	sshll.u32 s28, $0x1;
	[dreg:$0x2] =	wrdreg s2  }
0xa9: {  	[dreg:$0x3] =	wrdreg s4  }
0xaa: {  	[dreg:$0x4] =	wrdreg $0xC0  }
0xab: {  	_ =	task [dreg:s6], $0x5FFFF  }
0xac: {  	[dreg:$0x1] =	wrdreg $0xFFFFFFFF  }
0xad: {  	[dreg:$0x0] =	wrdreg $0x60  }
0xae: {  	[dreg:$0x2] =	wrdreg s24  }
0xaf: {  	[dreg:$0x3] =	wrdreg $0x90000  }
0xb0: {  	[dreg:$0x4] =	wrdreg $0x130000  }
0xb1: {  	[dreg:$0x5] =	wrdreg $0x9  }
0xb2: {  	_ =	task.clear_ibuf [dreg:s6], $0x6FFFF;
	_ =	strace $0x90000049  }
0xb3: {  	s29 =	simm.s32 $0x9;
	_ =	strace $0x8000004B  }
0xb4: {  	_ =	swait.ge [sflag:s29], $0x1  }
0xb5: {  	[sflag:s29] =	ssyncadd.s32 $0xFFFFFFFF  }
0xb6: {  	_ =	strace $0x9000004B  }
0xb7: {  	_ =	sfence  }
0xb8: {  	s30 =	sld [smem:$0x0];
	_ =	sdelay $0x2  }
0xb9: {  	s31 =	sshll.u32 s1, $0xD;
	s1 =	sshrl.u32 s1, $0x2  }
0xba: {  	s3 =	sand.u32 $0x4000, s31;
	s1 =	sadd.s32 s1, s30  }
0xbb: {  	s0 =	sor.u32 s3, s0;
	s1 =	sshll.u32 s1, $0x11  }
0xbc: {  	s0 =	sor.u32 s1, s0  }
0xbd: {  	s0 =	sadd.s32 $0x8F2B, s0  }
0xbe: {  	[sflag:s0] =	ssyncadd.remote.s32 $0x1  }
0xbf: {  	_ =	sfence.sel $0xFFFF  }
0xc0: {  	[dreg:$0x0] =	wrdreg $0xFFFFFFFF;
	(pc) =	sbr.abs _section_cstart, $3  }
0xc1: {  	[dreg:$0x1] =	wrdreg $0xFFFFFFFF  }
0xc2: {  	_ =	task.clear_ibuf [dreg:s6], $0x2FFFF;
	_ =	strace $0x9FFFFFFF  }
0xc3: {  	(tm) =	ssettm $0x7FFFFFFF  }
tec
execute0_lowered:
.L_overlay_start_1:
0x0: {  	(tag) =	ssettag $0x1  }
0x1: {  	s5 =	rddreg [dreg:$0x0]  }
0x2: {  	s2 =	rddreg [dreg:$0x1]  }
0x3: {  	s3 =	rddreg [dreg:$0x2]  }
0x4: {  	s0 =	rddreg [dreg:$0x3];
	s1 =	stileid.u32  }
0x5: {  	s6 =	srdreg.scid;
	s4 =	simm.s32 $0x0;
	s16 =	simm.s32 $0x80  }
0x6: {  	s17 =	simm.s32 $0x5000;
	s18 =	simm.s32 $0x7000;
	s19 =	simm.s32 $0x1  }
0x7: {  	s20 =	simm.s32 $0x2;
	s21 =	simm.s32 $0x0;
	s7 =	smul.u32 $0xA000, s1  }
0x8: {  	s6 =	sand.u32 $0x1, s6;
	[smem:$0x7FF] =	sst s4;
	s31 =	sshll.u32 s1, $0x6  }
0x9: {  	s8 =	sshll.u32 s6, $0x4;
	s9 =	smul.u32 $0xA0000, s6;
	_ =	strace $0x8000004A  }
0xa: {  	s6 =	ssub.s32 $0x2, s6;
	s8 =	sor.u32 s1, s8;
	s10 =	sshrl.u32 s7, $0x3  }
0xb: {  	s30 =	sshrl.u32 s6, $0x1;
	s14 =	sadd.s32 s7, s2;
	s15 =	sadd.s32 s7, s3  }
0xc: {  	s8 =	smul.u32 $0x500, s8;
	s9 =	sadd.s32 s7, s9;
	s10 =	sadd.s32 s10, s5  }
0xd: {  	s13 =	ssub.s32 s6, s30;
	s6 =	sor.u32 $0x1C03, s31;
	s9 =	sshrl.u32 s9, $0x3  }
0xe: {  	s7 =	sadd.s32 $0x1FC00, s10;
	s11 =	sadd.s32 s8, s5;
	s12 =	sadd.s32 s9, s5  }
0xf: {  	s5 =	sadd.s32 $0x33C00, s10;
	s8 =	sadd.s32 $0x15C00, s11;
	s9 =	sadd.s32 $0xBC00, s11  }
0x10: {  	s10 =	sadd.s32 $0x47C00, s12;
	s11 =	smax.u32 s13, $0x1;
	s12 =	sshrl.u32 s14, $0x3  }
0x11: {  	s13 =	simm.s32 $0x3;
	s14 =	sshrl.u32 s15, $0x3;
	s15 =	simm.s32 $0x2800  }
.LBB2_1:
0x12: {  	[spmem:s12], [sflag:s6] =	dma.local [hbm:s5], $0x1400  }
0x13: {  	_ =	swait.ge [sflag:s13], $0x1400  }
0x14: {  	[sflag:s13] =	ssyncset.done $0x0  }
0x15: {  	[sflag:s13] =	ssyncadd.s32 $0xFFFFEC00  }
0x16: {  	[spmem:s14], [sflag:s6] =	dma.local [hbm:s7], $0x1400  }
0x17: {  	_ =	swait.ge [sflag:s13], $0x1400  }
0x18: {  	[sflag:s13] =	ssyncset.done $0x0  }
0x19: {  	[sflag:s13] =	ssyncadd.s32 $0xFFFFEC00  }
0x1a: {  	[tilespmem:s4], [sflag:$0x3] =	stream.linear.gather [hbm4b:s8+s4], $0x2800, $0x38;
	[tilespmem:$0x1D000] =	vst v63  }
0x1b: {  	_ =	swait.ge [sflag:s13], $0x2800  }
0x1c: {  	[sflag:s13] =	ssyncset.done $0x0  }
0x1d: {  	[sflag:s13] =	ssyncadd.s32 $0xFFFFD800  }
0x1e: {  	[tilespmem:s15], [sflag:$0x3] =	stream.linear.gather [hbm4b:s9+s4], $0x2800, $0x38;
	[tilespmem:$0x1D000] =	vst v63  }
0x1f: {  	_ =	swait.ge [sflag:s13], $0x2800  }
0x20: {  	[sflag:s13] =	ssyncset.done $0x0  }
0x21: {  	[sflag:s13] =	ssyncadd.s32 $0xFFFFD800  }
0x22: {  	s22 =	simm.s32 $0x0;
	[bflag:$0x0] =	sbarrier.arrive $0xFFFF  }
0x23: {  	[tilespmem:s17], [sflag:$0x1] =	stream.indirect.gather [spmem:s3], $0x40, s22, s16, $0xb8;
	[tilespmem:$0x1D000] =	vst v63  }
0x24: {  	s29 =	simm.s32 $0x80  }
0x25: {  	[tilespmem:s18], [sflag:$0x1] =	stream.indirect.gather [spmem:s3], $0x40, s29, s16, $0xb8;
	[tilespmem:$0x1D000] =	vst v63  }
0x26: {  	_ =	swait.ge [sflag:s19], $0x2000  }
0x27: {  	[sflag:s19] =	ssyncset.done $0x0  }
0x28: {  	s30 =	simm.s32 $0x2800;
	[sflag:s19] =	ssyncadd.s32 $0xFFFFE000  }
0x29: {  	[spmem:s2] =	stream.indirect.scatter.add.f32 [tilespmem:s17], [sflag:$0x2], $0x40, s30, s16, $0xb8;
	[tilespmem:$0x1D000] =	vst v63  }
0x2a: {  	_ =	swait.ge [sflag:s19], $0x2000  }
0x2b: {  	[sflag:s19] =	ssyncset.done $0x0  }
0x2c: {  	s31 =	simm.s32 $0x2880;
	[sflag:s19] =	ssyncadd.s32 $0xFFFFE000  }
0x2d: {  	[spmem:s2] =	stream.indirect.scatter.add.f32 [tilespmem:s18], [sflag:$0x2], $0x40, s31, s16, $0xb8;
	[tilespmem:$0x1D000] =	vst v63  }
0x2e: {  	_ =	swait.ge [sflag:s20], $0x2000  }
0x2f: {  	[sflag:s20] =	ssyncset.done $0x0  }
0x30: {  	[sflag:s20] =	ssyncadd.s32 $0xFFFFE000  }
0x31: {  	_ =	swait.ge [sflag:s20], $0x2000  }
0x32: {  	s23 =	simm.s32 $0x800;
	s22 =	simm.s32 $0x400;
	[sflag:s20] =	ssyncset.done $0x0  }
.LBB2_2:
0x33: {  	s24 =	sshra.s32 s22, $0x2  }
0x34: {  	[sflag:s20] =	ssyncadd.s32 $0xFFFFE000;
	s22 =	smov.u32 s23;
	s25 =	sadd.s32 $0x400, s23  }
0x35: {  	[tilespmem:s17], [sflag:$0x1] =	stream.indirect.gather [spmem:s3], $0x40, s24, s16, $0xb8;
	[tilespmem:$0x1D000] =	vst v63  }
0x36: {  	p0 =	sne.s32 s23, $0x9C00;
	s23 =	sadd.s32 $0x80, s24  }
0x37: {  	[tilespmem:s18], [sflag:$0x1] =	stream.indirect.gather [spmem:s3], $0x40, s23, s16, $0xb8;
	[tilespmem:$0x1D000] =	vst v63  }
0x38: {  	_ =	swait.ge [sflag:s19], $0x2000  }
0x39: {  	[sflag:s19] =	ssyncset.done $0x0  }
0x3a: {  	s23 =	sadd.s32 $0x2800, s24;
	[sflag:s19] =	ssyncadd.s32 $0xFFFFE000  }
0x3b: {  	[spmem:s2] =	stream.indirect.scatter.add.f32 [tilespmem:s17], [sflag:$0x2], $0x40, s23, s16, $0xb8;
	[tilespmem:$0x1D000] =	vst v63  }
0x3c: {  	_ =	swait.ge [sflag:s19], $0x2000  }
0x3d: {  	[sflag:s19] =	ssyncset.done $0x0  }
0x3e: {  	s23 =	sadd.s32 $0x2880, s24;
	[sflag:s19] =	ssyncadd.s32 $0xFFFFE000  }
0x3f: {  	[spmem:s2] =	stream.indirect.scatter.add.f32 [tilespmem:s18], [sflag:$0x2], $0x40, s23, s16, $0xb8;
	[tilespmem:$0x1D000] =	vst v63  }
.Ltmp0:
0x40: {  	_ =	swait.ge [sflag:s20], $0x2000;
	(pc) =	sbr.rel @p0 .LBB2_2-.Ltmp0, $4  }
0x41: {  	[sflag:s20] =	ssyncset.done $0x0  }
0x42: {  	[sflag:s20] =	ssyncadd.s32 $0xFFFFE000  }
0x43: {  	_ =	swait.ge [sflag:s20], $0x2000  }
0x44: {  	s23 =	smov.u32 s25;
	[sflag:s20] =	ssyncset.done $0x0  }
0x45: {  	s22 =	sshra.s32 s22, $0x2;
	[sflag:s20] =	ssyncadd.s32 $0xFFFFE000  }
0x46: {  	[tilespmem:s17], [sflag:$0x1] =	stream.indirect.gather [spmem:s3], $0x40, s22, s16, $0xb8;
	[tilespmem:$0x1D000] =	vst v63  }
0x47: {  	s23 =	sadd.s32 $0x80, s22  }
0x48: {  	[tilespmem:s18], [sflag:$0x1] =	stream.indirect.gather [spmem:s3], $0x40, s23, s16, $0xb8;
	[tilespmem:$0x1D000] =	vst v63  }
0x49: {  	_ =	swait.ge [sflag:s19], $0x2000  }
0x4a: {  	[sflag:s19] =	ssyncset.done $0x0  }
0x4b: {  	s31 =	sadd.s32 $0x2800, s22;
	[sflag:s19] =	ssyncadd.s32 $0xFFFFE000  }
0x4c: {  	[spmem:s2] =	stream.indirect.scatter.add.f32 [tilespmem:s17], [sflag:$0x2], $0x40, s31, s16, $0xb8;
	[tilespmem:$0x1D000] =	vst v63  }
0x4d: {  	_ =	swait.ge [sflag:s19], $0x2000  }
0x4e: {  	[sflag:s19] =	ssyncset.done $0x0  }
0x4f: {  	s22 =	sadd.s32 $0x2880, s22;
	[sflag:s19] =	ssyncadd.s32 $0xFFFFE000  }
0x50: {  	[spmem:s2] =	stream.indirect.scatter.add.f32 [tilespmem:s18], [sflag:$0x2], $0x40, s22, s16, $0xb8;
	[tilespmem:$0x1D000] =	vst v63  }
0x51: {  	_ =	swait.ge [sflag:s20], $0x2000  }
0x52: {  	[sflag:s20] =	ssyncset.done $0x0  }
0x53: {  	[sflag:s20] =	ssyncadd.s32 $0xFFFFE000  }
0x54: {  	_ =	swait.ge [sflag:s20], $0x2000  }
0x55: {  	s21 =	sadd.s32 $0x1, s21;
	[sflag:s20] =	ssyncset.done $0x0  }
0x56: {  	p0 =	sne.s32 s21, s11;
	[sflag:s20] =	ssyncadd.s32 $0xFFFFE000  }
.Ltmp1:
0x57: {  	[bflag:$0x0] =	sbarrier.arrive $0xFFFF;
	(pc) =	sbr.rel @p0 .LBB2_1-.Ltmp1, $4  }
0x58: {  	[hbm:s10], [sflag:s6] =	dma.local [spmem:s12], $0x1400  }
0x59: {  	_ =	swait.ge [sflag:s13], $0x1400  }
0x5a: {  	[sflag:s13] =	ssyncset.done $0x0  }
0x5b: {  	[sflag:s13] =	ssyncadd.s32 $0xFFFFEC00  }
0x5c: {  	_ =	sfence.sel $0x180000  }
0x5d: {  	[bflag:$0x0] =	sbarrier.arrive $0xFFFF  }
0x5e: {  	p0 =	sne.s32 s1, $0x0;
	_ =	strace $0x9000004A  }
0x5f: {  	s0 =	sadd.s32 @!p0 $0x100000, s0;
	[bflag:$0x2] =	sbarrier.arrive $0xFFFF  }
0x60: {  	[sflag:s0] =	ssyncadd.tile.s32 @!p0 $0x1;
	_ =	shalt  }
.Lfunc_end2:
_tile_overlayer_lowered:
.L_overlay_start_2:
0x61: {  	(tag) =	ssettag $0x2  }
0x62: {  	s0 =	rddreg [dreg:$0x0];
	s2 =	stileid.u32  }
0x63: {  	s1 =	rddreg [dreg:$0x1];
	p0 =	sne.s32 s2, $0x0  }
0x64: {  	s3 =	rddreg [dreg:$0x2];
	[bflag:$0x3] =	sbarrier.arrive $0xFFFF;
	s2 =	simm.s32 @!p0 $0x1C03  }
0x65: {  	[timem:s3], [sflag:s2] =	dma.local @!p0 [hbm:s0], s1  }
0x66: {  	s0 =	simm.s32 @!p0 $0x3  }
0x67: {  	_ =	swait.ge @!p0 [sflag:s0], s1  }
0x68: {  	s1 =	ssub.s32 @!p0 $0x0, s1;
	[sflag:s0] =	ssyncset.done @!p0 $0x0  }
0x69: {  	[sflag:s0] =	ssyncadd.s32 @!p0 s1  }
0x6a: {  	[bflag:$0x3] =	sbarrier.arrive $0xFFFF  }
0x6b: {  	_ =	shalt  }

// kernel: kernel.15.cloned.1.call-start
scs
__scs_entry_jumppad:
0x0: {  	(pc) =	sbr.rel $0x88, $3  }
0x1: {  	(tag) =	ssettag $0x0;
	lr =	simm.s32 $0x1  }
0x2: {  	[smem:$0x3F9B] =	sst lr;
	_ =	strace $0xD0000000  }
0x3: {  	_ = 	snop  }
0x4: {  	_ = 	snop  }
0x5: {  	_ = 	snop  }
0x6: {  	_ = 	snop  }
0x7: {  	_ = 	snop  }
__scs_overlays_trampoline_lowered:
0x8: {  	[smem:$0x3FAA] =	sst s0  }
0x9: {  	[smem:$0x3FAB] =	sst s1  }
0xa: {  	[smem:$0x3FAC] =	sst s2  }
0xb: {  	[smem:$0x3FAD] =	sst s3  }
0xc: {  	[smem:$0x3FAE] =	sst s4  }
0xd: {  	[smem:$0x3FAF] =	sst s5  }
0xe: {  	[smem:$0x3FB0] =	sst s6  }
0xf: {  	[smem:$0x3FB1] =	sst s7  }
0x10: {  	[smem:$0x3FB2] =	sst s8  }
0x11: {  	[smem:$0x3FB3] =	sst s9;
	s0 =	simm.s32 @!p0 $0x0  }
0x12: {  	s1 =	sld [smem:$0x3F99];
	s0 =	simm.s32 @p0 $0x1  }
0x13: {  	[smem:$0x3FB4] =	sst s0;
	s0 =	simm.s32 @!p1 $0x0  }
0x14: {  	s2 =	sld [smem:$0x3F98];
	s0 =	simm.s32 @p1 $0x1  }
0x15: {  	[smem:$0x3FB5] =	sst s0;
	s0 =	simm.s32 @!p2 $0x0  }
0x16: {  	s3 =	sld [smem:$0x3FDB];
	s0 =	simm.s32 @p2 $0x1  }
0x17: {  	s4 =	simm.s32 $0x1BF5;
	[smem:$0x3FB7] =	sst s0  }
0x18: {  	s0 =	sld [smem:$0x3F9A];
	_ =	swait.ge [sflag:s4], $0x0  }
0x19: {  	s7 =	sld [smem:$0x3F9B]  }
0x1a: {  	s8 =	sadd.s32 $0xFFFFE003, lr  }
0x1b: {  	s9 =	sadd.s32 $0xFFFFFEF7, lr;
	s5 =	simm.s32 $0xFFFFFFFF;
	p2 =	slt.u32 s8, $0xFFFFF086  }
0x1c: {  	p1 =	slt.u32 s9, $0xF7A;
	s5 =	simm.s32 @!p2 $0x0  }
0x1d: {  	s5 =	simm.s32 @p1 $0x1;
	p0 =	seq.s32 s7, s2  }
0x1e: {  	s7 =	smul.u32 @!p0 $0xF7A, s2;
	p2 =	seq.s32 @!p0 s5, $0x0  }
0x1f: {  	s9 =	smul.u32 $0xF7A, s1;
	s8 =	simm.s32 @!p0 $0x1BF5;
	p2 =	por !p2, p0  }
0x20: {  	[sflag:s8] =	ssyncset.s32 @!p0 $0xFFFFF086;
	s6 =	sadd.s32 @!p0 s3, s7;
	s7 =	simm.s32 @!p0 $0x108  }
0x21: {  	s3 =	sadd.s32 s3, s9;
	s6 =	sadd.s32 @!p0 $0x88, s6;
	s7 =	simm.s32 @p2 $0x1082  }
0x22: {  	[simem:s7], [sflag:s8] =	dma.local @!p0 [hbm:s6], $0xF7A  }
0x23: {  	s9 =	sor.u32 $0xD0000000, s2;
	s6 =	simm.s32 $0x108;
	_ =	swait.ge @!p0 [sflag:s8], $0x0  }
0x24: {  	s3 =	sadd.s32 $0x88, s3;
	s6 =	simm.s32 @!p1 $0x1082;
	[sflag:s4] =	ssyncset.s32 $0xFFFFF086  }
0x25: {  	[simem:s6], [sflag:s4] =	dma.local [hbm:s3], $0xF7A  }
0x26: {  	[smem:$0x3F9B] =	sst s1;
	(tag) =	ssettag s2;
	_ =	strace s9  }
0x27: {  	s1 =	sld [smem:$0x3FAB]  }
0x28: {  	s2 =	sld [smem:$0x3FAC]  }
0x29: {  	s4 =	sld [smem:$0x3FAE]  }
0x2a: {  	p0 =	seq.s32 s5, $0x0;
	s5 =	sld [smem:$0x3FAF]  }
0x2b: {  	s6 =	sld [smem:$0x3FB0]  }
0x2c: {  	s7 =	sld [smem:$0x3FB1]  }
0x2d: {  	s3 =	simm.s32 $0x108;
	s8 =	sld [smem:$0x3FB2]  }
0x2e: {  	s3 =	simm.s32 @!p0 $0x1082;
	s9 =	sld [smem:$0x3FB3]  }
0x2f: {  	lr =	sadd.s32 s0, s3;
	s0 =	sld [smem:$0x3FAA]  }
0x30: {  	s3 =	sld [smem:$0x3FAD]  }
0x31: {  	[smem:$0x3FB6] =	sst s10  }
0x32: {  	s10 =	sld [smem:$0x3FB4];
	_ =	sdelay $0x3  }
0x33: {  	p0 =	seq.s32 s10, $0x1;
	s10 =	sld [smem:$0x3FB6];
	_ =	sdelay $0x3  }
0x34: {  	[smem:$0x3FB6] =	sst s10  }
0x35: {  	s10 =	sld [smem:$0x3FB5];
	_ =	sdelay $0x3  }
0x36: {  	p1 =	seq.s32 s10, $0x1;
	s10 =	sld [smem:$0x3FB6];
	_ =	sdelay $0x3  }
0x37: {  	[smem:$0x3FB6] =	sst s10  }
0x38: {  	s10 =	sld [smem:$0x3FB7]  }
0x39: {  	_ = 	snop;
	(pc) =	sbr.ind lr, $3  }
0x3a: {  	_ = 	snop  }
0x3b: {  	_ = 	snop  }
0x3c: {  	p2 =	seq.s32 s10, $0x1;
	s10 =	sld [smem:$0x3FB6]  }
0x3d: {  	_ =	shalt  }
0x3e: {  	_ =	shalt  }
0x3f: {  	_ =	shalt  }
0x40: {  	_ =	shalt  }
0x41: {  	_ =	shalt  }
0x42: {  	_ =	shalt  }
0x43: {  	_ =	shalt  }
0x44: {  	_ =	shalt  }
0x45: {  	_ =	shalt  }
0x46: {  	_ =	shalt  }
0x47: {  	_ =	shalt  }
0x48: {  	_ =	shalt  }
0x49: {  	_ =	shalt  }
0x4a: {  	_ =	shalt  }
0x4b: {  	_ =	shalt  }
0x4c: {  	_ =	shalt  }
0x4d: {  	_ =	shalt  }
0x4e: {  	_ =	shalt  }
0x4f: {  	_ =	shalt  }
0x50: {  	_ =	shalt  }
0x51: {  	_ =	shalt  }
0x52: {  	_ =	shalt  }
0x53: {  	_ =	shalt  }
0x54: {  	_ =	shalt  }
0x55: {  	_ =	shalt  }
0x56: {  	_ =	shalt  }
0x57: {  	_ =	shalt  }
0x58: {  	_ =	shalt  }
0x59: {  	_ =	shalt  }
0x5a: {  	_ =	shalt  }
0x5b: {  	_ =	shalt  }
0x5c: {  	_ =	shalt  }
0x5d: {  	_ =	shalt  }
0x5e: {  	_ =	shalt  }
0x5f: {  	_ =	shalt  }
0x60: {  	_ =	shalt  }
0x61: {  	_ =	shalt  }
0x62: {  	_ =	shalt  }
0x63: {  	_ =	shalt  }
0x64: {  	_ =	shalt  }
0x65: {  	_ =	shalt  }
0x66: {  	_ =	shalt  }
0x67: {  	_ =	shalt  }
0x68: {  	_ =	shalt  }
0x69: {  	_ =	shalt  }
0x6a: {  	_ =	shalt  }
0x6b: {  	_ =	shalt  }
0x6c: {  	_ =	shalt  }
0x6d: {  	_ =	shalt  }
0x6e: {  	_ =	shalt  }
0x6f: {  	_ =	shalt  }
0x70: {  	_ =	shalt  }
0x71: {  	_ =	shalt  }
0x72: {  	_ =	shalt  }
0x73: {  	_ =	shalt  }
0x74: {  	_ =	shalt  }
0x75: {  	_ =	shalt  }
0x76: {  	_ =	shalt  }
0x77: {  	_ =	shalt  }
0x78: {  	_ =	shalt  }
0x79: {  	_ =	shalt  }
0x7a: {  	_ =	shalt  }
0x7b: {  	_ =	shalt  }
0x7c: {  	_ =	shalt  }
0x7d: {  	_ =	shalt  }
0x7e: {  	_ =	shalt  }
0x7f: {  	_ =	shalt  }
0x80: {  	_ =	shalt  }
0x81: {  	_ =	shalt  }
0x82: {  	_ =	shalt  }
0x83: {  	_ =	shalt  }
0x84: {  	_ =	shalt  }
0x85: {  	_ =	shalt  }
0x86: {  	_ =	shalt  }
0x87: {  	_ =	shalt  }
.Lfunc_end0:
.L_simem_size_0:
called_computation.2_lowered:
.L_overlay_start_0:
0x88: {  	s2 =	sld [smem:$0x3FD9]  }
0x89: {  	s3 =	sld [smem:$0x3FFE];
	_ =	sdelay $0x1  }
0x8a: {  	s1 =	srdreg.scid  }
0x8b: {  	s0 =	sand.u32 $0x1, s1  }
0x8c: {  	s16 =	sshll.u32 s0, $0xA;
	s2 =	sadd.s32 s3, s2  }
0x8d: {  	s2 =	sadd.s32 s2, s16  }
0x8e: {  	[smem:$0x3FC2] =	sst s2  }
0x8f: {  	_ = 	snop  }
0x90: {  	(tm) =	ssettm $0x1  }
0x91: {  	s17 =	sld [smem:$0x3FFB];
	_ =	sdelay $0x3  }
0x92: {  	_ =	strace s17  }
0x93: {  	s2 =	sld [smem:$0x3FFC];
	_ =	sdelay $0x3  }
0x94: {  	_ =	strace s2  }
0x95: {  	s2 =	sld [smem:$0x3FFD];
	_ =	sdelay $0x3  }
0x96: {  	_ =	strace s2  }
0x97: {  	_ =	strace $0x8FFFFFFF  }
0x98: {  	s18 =	sld [smem:$0x3FDB];
	_ =	sdelay $0x1  }
0x99: {  	s19 =	simm.s32 $_scs_section_size  }
0x9a: {  	s4 =	simm.s32 $_size__tile_overlayer_lowered;
	s5 =	simm.s32 $_tile_overlayer_lowered  }
0x9b: {  	s22 =	simm.s32 $0x1BFF;
	s21 =	sshll.u32 s5, $0x1;
	s2 =	sadd.s32 s19, s18  }
0x9c: {  	s6 =	simm.s32 $0x0;
	s20 =	sshll.u32 s4, $0x1;
	s4 =	sadd.s32 s21, s2  }
0x9d: {  	[timem:s6], [sflag:s22] =	dma.local [hbm:s4], s20  }
0x9e: {  	_ =	swait.ge [sflag:s22], s20  }
0x9f: {  	s3 =	ssub.s32 $0x0, s20;
	[sflag:s22] =	ssyncset.done $0x0  }
0xa0: {  	[sflag:s22] =	ssyncadd.s32 s3;
	_ =	sdelay $0x1  }
0xa1: {  	s23 =	simm.s32 $0x1B8B  }
0xa2: {  	_ =	swait.ge [sflag:s23], $0x1  }
0xa3: {  	[sflag:s23] =	ssyncset.done $0x0  }
0xa4: {  	s25 =	simm.s32 $0x1B8E;
	s24 =	sld [smem:$0x3FFE];
	[sflag:s23] =	ssyncadd.s32 $0xFFFFFFFF  }
0xa5: {  	s26 =	simm.s32 $execute0_lowered;
	[smem:$0x3FD2] =	sst s25  }
0xa6: {  	s4 =	sshll.u32 s26, $0x1;
	_ =	strace $0x8000004C;
	[dreg:$0x1] =	wrdreg $0xFFFFFFFF  }
0xa7: {  	s28 =	simm.s32 $_size_execute0_lowered;
	s2 =	sadd.s32 s2, s4;
	[dreg:$0x0] =	wrdreg $0x0  }
0xa8: {  	s4 =	sshll.u32 s28, $0x1;
	[dreg:$0x2] =	wrdreg s2  }
0xa9: {  	[dreg:$0x3] =	wrdreg s4  }
0xaa: {  	[dreg:$0x4] =	wrdreg $0xC0  }
0xab: {  	_ =	task [dreg:s6], $0x5FFFF  }
0xac: {  	[dreg:$0x1] =	wrdreg $0xFFFFFFFF  }
0xad: {  	[dreg:$0x0] =	wrdreg $0x60  }
0xae: {  	[dreg:$0x2] =	wrdreg s24  }
0xaf: {  	[dreg:$0x3] =	wrdreg $0x90000  }
0xb0: {  	[dreg:$0x4] =	wrdreg $0xB8000  }
0xb1: {  	[dreg:$0x5] =	wrdreg $0x9  }
0xb2: {  	_ =	task.clear_ibuf [dreg:s6], $0x6FFFF;
	_ =	strace $0x9000004C  }
0xb3: {  	s29 =	simm.s32 $0x9;
	_ =	strace $0x8000004E  }
0xb4: {  	_ =	swait.ge [sflag:s29], $0x1  }
0xb5: {  	[sflag:s29] =	ssyncadd.s32 $0xFFFFFFFF  }
0xb6: {  	_ =	strace $0x9000004E  }
0xb7: {  	_ =	sfence  }
0xb8: {  	s30 =	sld [smem:$0x0];
	_ =	sdelay $0x2  }
0xb9: {  	s31 =	sshll.u32 s1, $0xD;
	s1 =	sshrl.u32 s1, $0x2  }
0xba: {  	s3 =	sand.u32 $0x4000, s31;
	s1 =	sadd.s32 s1, s30  }
0xbb: {  	s0 =	sor.u32 s3, s0;
	s1 =	sshll.u32 s1, $0x11  }
0xbc: {  	s0 =	sor.u32 s1, s0  }
0xbd: {  	s0 =	sadd.s32 $0x8F2B, s0  }
0xbe: {  	[sflag:s0] =	ssyncadd.remote.s32 $0x1  }
0xbf: {  	_ =	sfence.sel $0xFFFF  }
0xc0: {  	[dreg:$0x0] =	wrdreg $0xFFFFFFFF;
	(pc) =	sbr.abs _section_cstart, $3  }
0xc1: {  	[dreg:$0x1] =	wrdreg $0xFFFFFFFF  }
0xc2: {  	_ =	task.clear_ibuf [dreg:s6], $0x2FFFF;
	_ =	strace $0x9FFFFFFF  }
0xc3: {  	(tm) =	ssettm $0x7FFFFFFF  }
tec
execute0_lowered:
.L_overlay_start_1:
0x0: {  	(tag) =	ssettag $0x1  }
0x1: {  	s0 =	rddreg [dreg:$0x0]  }
0x2: {  	s2 =	rddreg [dreg:$0x1]  }
0x3: {  	s3 =	rddreg [dreg:$0x2];
	s1 =	stileid.u32  }
0x4: {  	s5 =	srdreg.scid;
	s4 =	simm.s32 $0x0;
	s13 =	simm.s32 $0x3  }
0x5: {  	s15 =	simm.s32 $0x2800;
	s16 =	simm.s32 $0x80;
	s17 =	simm.s32 $0x5000  }
0x6: {  	s18 =	simm.s32 $0x5800;
	s19 =	simm.s32 $0x6000;
	s20 =	simm.s32 $0x6800  }
0x7: {  	s21 =	simm.s32 $0x7000;
	s22 =	simm.s32 $0x7800;
	s23 =	simm.s32 $0x8000  }
0x8: {  	s24 =	simm.s32 $0x8800;
	s25 =	simm.s32 $0x1;
	s26 =	simm.s32 $0x2  }
0x9: {  	s28 =	simm.s32 $0x0;
	s7 =	smul.u32 $0x2800, s1;
	s5 =	sand.u32 $0x1, s5  }
0xa: {  	[smem:$0x7FF] =	sst s4;
	s31 =	sshll.u32 s1, $0x6;
	s6 =	sshll.u32 s5, $0x4  }
0xb: {  	s8 =	smul.u32 $0x28000, s5;
	_ =	strace $0x8000004D;
	s5 =	ssub.s32 $0x2, s5  }
0xc: {  	s6 =	sor.u32 s1, s6;
	s9 =	sshrl.u32 s7, $0x3;
	s30 =	sshrl.u32 s5, $0x1  }
0xd: {  	s12 =	sadd.s32 s7, s2;
	s14 =	sadd.s32 s7, s3;
	s6 =	smul.u32 $0x500, s6  }
0xe: {  	s8 =	sadd.s32 s7, s8;
	s9 =	sadd.s32 s9, s0;
	s11 =	ssub.s32 s5, s30  }
0xf: {  	s12 =	sshrl.u32 s12, $0x3;
	s14 =	sshrl.u32 s14, $0x3;
	s8 =	sshrl.u32 s8, $0x3  }
0x10: {  	s5 =	sadd.s32 $0x6600, s9;
	s7 =	sadd.s32 $0x1600, s9;
	s11 =	smax.u32 s11, $0x1  }
0x11: {  	s10 =	sadd.s32 s6, s0;
	s0 =	sadd.s32 s8, s0;
	s6 =	sor.u32 $0x1C03, s31  }
0x12: {  	s8 =	sadd.s32 $0x15C00, s10;
	s9 =	sadd.s32 $0xBC00, s10;
	s10 =	sadd.s32 $0x1FC00, s0  }
.LBB2_1:
0x13: {  	[spmem:s12], [sflag:s6] =	dma.local [hbm:s5], $0x500  }
0x14: {  	_ =	swait.ge [sflag:s13], $0x500  }
0x15: {  	[sflag:s13] =	ssyncset.done $0x0  }
0x16: {  	[sflag:s13] =	ssyncadd.s32 $0xFFFFFB00  }
0x17: {  	[spmem:s14], [sflag:s6] =	dma.local [hbm:s7], $0x500  }
0x18: {  	_ =	swait.ge [sflag:s13], $0x500  }
0x19: {  	[sflag:s13] =	ssyncset.done $0x0  }
0x1a: {  	[sflag:s13] =	ssyncadd.s32 $0xFFFFFB00  }
0x1b: {  	[tilespmem:s4], [sflag:$0x3] =	stream.linear.gather [hbm4b:s8+s4], $0x2800, $0x38;
	[tilespmem:$0xE000] =	vst v63  }
0x1c: {  	_ =	swait.ge [sflag:s13], $0x2800  }
0x1d: {  	[sflag:s13] =	ssyncset.done $0x0  }
0x1e: {  	[sflag:s13] =	ssyncadd.s32 $0xFFFFD800  }
0x1f: {  	[tilespmem:s15], [sflag:$0x3] =	stream.linear.gather [hbm4b:s9+s4], $0x2800, $0x38;
	[tilespmem:$0xE000] =	vst v63  }
0x20: {  	_ =	swait.ge [sflag:s13], $0x2800  }
0x21: {  	[sflag:s13] =	ssyncset.done $0x0  }
0x22: {  	[sflag:s13] =	ssyncadd.s32 $0xFFFFD800  }
0x23: {  	s0 =	simm.s32 $0x0;
	[bflag:$0x0] =	sbarrier.arrive $0xFFFF  }
0x24: {  	[tilespmem:s17], [sflag:$0x1] =	stream.indirect.gather [spmem:s3], $0x10, s0, s16, $0xb8;
	[tilespmem:$0xE000] =	vst v63  }
0x25: {  	s31 =	simm.s32 $0x80  }
0x26: {  	[tilespmem:s18], [sflag:$0x1] =	stream.indirect.gather [spmem:s3], $0x10, s31, s16, $0xb8;
	[tilespmem:$0xE000] =	vst v63  }
0x27: {  	s31 =	simm.s32 $0x100  }
0x28: {  	[tilespmem:s19], [sflag:$0x1] =	stream.indirect.gather [spmem:s3], $0x10, s31, s16, $0xb8;
	[tilespmem:$0xE000] =	vst v63  }
0x29: {  	s31 =	simm.s32 $0x180  }
0x2a: {  	[tilespmem:s20], [sflag:$0x1] =	stream.indirect.gather [spmem:s3], $0x10, s31, s16, $0xb8;
	[tilespmem:$0xE000] =	vst v63  }
0x2b: {  	s31 =	simm.s32 $0x200  }
0x2c: {  	[tilespmem:s21], [sflag:$0x1] =	stream.indirect.gather [spmem:s3], $0x10, s31, s16, $0xb8;
	[tilespmem:$0xE000] =	vst v63  }
0x2d: {  	s31 =	simm.s32 $0x280  }
0x2e: {  	[tilespmem:s22], [sflag:$0x1] =	stream.indirect.gather [spmem:s3], $0x10, s31, s16, $0xb8;
	[tilespmem:$0xE000] =	vst v63  }
0x2f: {  	s31 =	simm.s32 $0x300  }
0x30: {  	[tilespmem:s23], [sflag:$0x1] =	stream.indirect.gather [spmem:s3], $0x10, s31, s16, $0xb8;
	[tilespmem:$0xE000] =	vst v63  }
0x31: {  	s31 =	simm.s32 $0x380  }
0x32: {  	[tilespmem:s24], [sflag:$0x1] =	stream.indirect.gather [spmem:s3], $0x10, s31, s16, $0xb8;
	[tilespmem:$0xE000] =	vst v63  }
0x33: {  	_ =	swait.ge [sflag:s25], $0x800  }
0x34: {  	[sflag:s25] =	ssyncset.done $0x0  }
0x35: {  	s31 =	simm.s32 $0x2800;
	[sflag:s25] =	ssyncadd.s32 $0xFFFFF800  }
0x36: {  	[spmem:s2] =	stream.indirect.scatter.add.f32 [tilespmem:s17], [sflag:$0x2], $0x10, s31, s16, $0xb8;
	[tilespmem:$0xE000] =	vst v63  }
0x37: {  	_ =	swait.ge [sflag:s25], $0x800  }
0x38: {  	[sflag:s25] =	ssyncset.done $0x0  }
0x39: {  	s31 =	simm.s32 $0x2880;
	[sflag:s25] =	ssyncadd.s32 $0xFFFFF800  }
0x3a: {  	[spmem:s2] =	stream.indirect.scatter.add.f32 [tilespmem:s18], [sflag:$0x2], $0x10, s31, s16, $0xb8;
	[tilespmem:$0xE000] =	vst v63  }
0x3b: {  	_ =	swait.ge [sflag:s25], $0x800  }
0x3c: {  	[sflag:s25] =	ssyncset.done $0x0  }
0x3d: {  	s31 =	simm.s32 $0x2900;
	[sflag:s25] =	ssyncadd.s32 $0xFFFFF800  }
0x3e: {  	[spmem:s2] =	stream.indirect.scatter.add.f32 [tilespmem:s19], [sflag:$0x2], $0x10, s31, s16, $0xb8;
	[tilespmem:$0xE000] =	vst v63  }
0x3f: {  	_ =	swait.ge [sflag:s25], $0x800  }
0x40: {  	[sflag:s25] =	ssyncset.done $0x0  }
0x41: {  	s31 =	simm.s32 $0x2980;
	[sflag:s25] =	ssyncadd.s32 $0xFFFFF800  }
0x42: {  	[spmem:s2] =	stream.indirect.scatter.add.f32 [tilespmem:s20], [sflag:$0x2], $0x10, s31, s16, $0xb8;
	[tilespmem:$0xE000] =	vst v63  }
0x43: {  	_ =	swait.ge [sflag:s25], $0x800  }
0x44: {  	[sflag:s25] =	ssyncset.done $0x0  }
0x45: {  	s31 =	simm.s32 $0x2A00;
	[sflag:s25] =	ssyncadd.s32 $0xFFFFF800  }
0x46: {  	[spmem:s2] =	stream.indirect.scatter.add.f32 [tilespmem:s21], [sflag:$0x2], $0x10, s31, s16, $0xb8;
	[tilespmem:$0xE000] =	vst v63  }
0x47: {  	_ =	swait.ge [sflag:s25], $0x800  }
0x48: {  	[sflag:s25] =	ssyncset.done $0x0  }
0x49: {  	s31 =	simm.s32 $0x2A80;
	[sflag:s25] =	ssyncadd.s32 $0xFFFFF800  }
0x4a: {  	[spmem:s2] =	stream.indirect.scatter.add.f32 [tilespmem:s22], [sflag:$0x2], $0x10, s31, s16, $0xb8;
	[tilespmem:$0xE000] =	vst v63  }
0x4b: {  	_ =	swait.ge [sflag:s25], $0x800  }
0x4c: {  	[sflag:s25] =	ssyncset.done $0x0  }
0x4d: {  	s31 =	simm.s32 $0x2B00;
	[sflag:s25] =	ssyncadd.s32 $0xFFFFF800  }
0x4e: {  	[spmem:s2] =	stream.indirect.scatter.add.f32 [tilespmem:s23], [sflag:$0x2], $0x10, s31, s16, $0xb8;
	[tilespmem:$0xE000] =	vst v63  }
0x4f: {  	_ =	swait.ge [sflag:s25], $0x800  }
0x50: {  	[sflag:s25] =	ssyncset.done $0x0  }
0x51: {  	s31 =	simm.s32 $0x2B80;
	[sflag:s25] =	ssyncadd.s32 $0xFFFFF800  }
0x52: {  	[spmem:s2] =	stream.indirect.scatter.add.f32 [tilespmem:s24], [sflag:$0x2], $0x10, s31, s16, $0xb8;
	[tilespmem:$0xE000] =	vst v63  }
0x53: {  	_ =	swait.ge [sflag:s26], $0x800  }
0x54: {  	[sflag:s26] =	ssyncset.done $0x0  }
0x55: {  	[sflag:s26] =	ssyncadd.s32 $0xFFFFF800  }
0x56: {  	_ =	swait.ge [sflag:s26], $0x800  }
0x57: {  	[sflag:s26] =	ssyncset.done $0x0  }
0x58: {  	[sflag:s26] =	ssyncadd.s32 $0xFFFFF800  }
0x59: {  	_ =	swait.ge [sflag:s26], $0x800  }
0x5a: {  	[sflag:s26] =	ssyncset.done $0x0  }
0x5b: {  	[sflag:s26] =	ssyncadd.s32 $0xFFFFF800  }
0x5c: {  	_ =	swait.ge [sflag:s26], $0x800  }
0x5d: {  	[sflag:s26] =	ssyncset.done $0x0  }
0x5e: {  	[sflag:s26] =	ssyncadd.s32 $0xFFFFF800  }
0x5f: {  	_ =	swait.ge [sflag:s26], $0x800  }
0x60: {  	[sflag:s26] =	ssyncset.done $0x0  }
0x61: {  	[sflag:s26] =	ssyncadd.s32 $0xFFFFF800  }
0x62: {  	_ =	swait.ge [sflag:s26], $0x800  }
0x63: {  	[sflag:s26] =	ssyncset.done $0x0  }
0x64: {  	[sflag:s26] =	ssyncadd.s32 $0xFFFFF800  }
0x65: {  	_ =	swait.ge [sflag:s26], $0x800  }
0x66: {  	[sflag:s26] =	ssyncset.done $0x0  }
0x67: {  	[sflag:s26] =	ssyncadd.s32 $0xFFFFF800  }
0x68: {  	_ =	swait.ge [sflag:s26], $0x800  }
0x69: {  	s29 =	simm.s32 $0x1000;
	s30 =	simm.s32 $0x2000;
	[sflag:s26] =	ssyncset.done $0x0  }
.LBB2_2:
0x6a: {  	s31 =	sshra.s32 s29, $0x2  }
0x6b: {  	[sflag:s26] =	ssyncadd.s32 $0xFFFFF800;
	s29 =	smov.u32 s30;
	s0 =	sadd.s32 $0x1000, s30  }
0x6c: {  	[tilespmem:s17], [sflag:$0x1] =	stream.indirect.gather [spmem:s3], $0x10, s31, s16, $0xb8;
	[tilespmem:$0xE000] =	vst v63  }
0x6d: {  	p0 =	sne.s32 s30, $0x9000;
	s30 =	sadd.s32 $0x80, s31  }
0x6e: {  	[tilespmem:s18], [sflag:$0x1] =	stream.indirect.gather [spmem:s3], $0x10, s30, s16, $0xb8;
	[tilespmem:$0xE000] =	vst v63  }
0x6f: {  	s30 =	sadd.s32 $0x100, s31  }
0x70: {  	[tilespmem:s19], [sflag:$0x1] =	stream.indirect.gather [spmem:s3], $0x10, s30, s16, $0xb8;
	[tilespmem:$0xE000] =	vst v63  }
0x71: {  	s30 =	sadd.s32 $0x180, s31  }
0x72: {  	[tilespmem:s20], [sflag:$0x1] =	stream.indirect.gather [spmem:s3], $0x10, s30, s16, $0xb8;
	[tilespmem:$0xE000] =	vst v63  }
0x73: {  	s30 =	sadd.s32 $0x200, s31  }
0x74: {  	[tilespmem:s21], [sflag:$0x1] =	stream.indirect.gather [spmem:s3], $0x10, s30, s16, $0xb8;
	[tilespmem:$0xE000] =	vst v63  }
0x75: {  	s30 =	sadd.s32 $0x280, s31  }
0x76: {  	[tilespmem:s22], [sflag:$0x1] =	stream.indirect.gather [spmem:s3], $0x10, s30, s16, $0xb8;
	[tilespmem:$0xE000] =	vst v63  }
0x77: {  	s30 =	sadd.s32 $0x300, s31  }
0x78: {  	[tilespmem:s23], [sflag:$0x1] =	stream.indirect.gather [spmem:s3], $0x10, s30, s16, $0xb8;
	[tilespmem:$0xE000] =	vst v63  }
0x79: {  	s30 =	sadd.s32 $0x380, s31  }
0x7a: {  	[tilespmem:s24], [sflag:$0x1] =	stream.indirect.gather [spmem:s3], $0x10, s30, s16, $0xb8;
	[tilespmem:$0xE000] =	vst v63  }
0x7b: {  	_ =	swait.ge [sflag:s25], $0x800  }
0x7c: {  	[sflag:s25] =	ssyncset.done $0x0  }
0x7d: {  	s30 =	sadd.s32 $0x2800, s31;
	[sflag:s25] =	ssyncadd.s32 $0xFFFFF800  }
0x7e: {  	[spmem:s2] =	stream.indirect.scatter.add.f32 [tilespmem:s17], [sflag:$0x2], $0x10, s30, s16, $0xb8;
	[tilespmem:$0xE000] =	vst v63  }
0x7f: {  	_ =	swait.ge [sflag:s25], $0x800  }
0x80: {  	[sflag:s25] =	ssyncset.done $0x0  }
0x81: {  	s30 =	sadd.s32 $0x2880, s31;
	[sflag:s25] =	ssyncadd.s32 $0xFFFFF800  }
0x82: {  	[spmem:s2] =	stream.indirect.scatter.add.f32 [tilespmem:s18], [sflag:$0x2], $0x10, s30, s16, $0xb8;
	[tilespmem:$0xE000] =	vst v63  }
0x83: {  	_ =	swait.ge [sflag:s25], $0x800  }
0x84: {  	[sflag:s25] =	ssyncset.done $0x0  }
0x85: {  	s30 =	sadd.s32 $0x2900, s31;
	[sflag:s25] =	ssyncadd.s32 $0xFFFFF800  }
0x86: {  	[spmem:s2] =	stream.indirect.scatter.add.f32 [tilespmem:s19], [sflag:$0x2], $0x10, s30, s16, $0xb8;
	[tilespmem:$0xE000] =	vst v63  }
0x87: {  	_ =	swait.ge [sflag:s25], $0x800  }
0x88: {  	[sflag:s25] =	ssyncset.done $0x0  }
0x89: {  	s30 =	sadd.s32 $0x2980, s31;
	[sflag:s25] =	ssyncadd.s32 $0xFFFFF800  }
0x8a: {  	[spmem:s2] =	stream.indirect.scatter.add.f32 [tilespmem:s20], [sflag:$0x2], $0x10, s30, s16, $0xb8;
	[tilespmem:$0xE000] =	vst v63  }
0x8b: {  	_ =	swait.ge [sflag:s25], $0x800  }
0x8c: {  	[sflag:s25] =	ssyncset.done $0x0  }
0x8d: {  	s30 =	sadd.s32 $0x2A00, s31;
	[sflag:s25] =	ssyncadd.s32 $0xFFFFF800  }
0x8e: {  	[spmem:s2] =	stream.indirect.scatter.add.f32 [tilespmem:s21], [sflag:$0x2], $0x10, s30, s16, $0xb8;
	[tilespmem:$0xE000] =	vst v63  }
0x8f: {  	_ =	swait.ge [sflag:s25], $0x800  }
0x90: {  	[sflag:s25] =	ssyncset.done $0x0  }
0x91: {  	s30 =	sadd.s32 $0x2A80, s31;
	[sflag:s25] =	ssyncadd.s32 $0xFFFFF800  }
0x92: {  	[spmem:s2] =	stream.indirect.scatter.add.f32 [tilespmem:s22], [sflag:$0x2], $0x10, s30, s16, $0xb8;
	[tilespmem:$0xE000] =	vst v63  }
0x93: {  	_ =	swait.ge [sflag:s25], $0x800  }
0x94: {  	[sflag:s25] =	ssyncset.done $0x0  }
0x95: {  	s30 =	sadd.s32 $0x2B00, s31;
	[sflag:s25] =	ssyncadd.s32 $0xFFFFF800  }
0x96: {  	[spmem:s2] =	stream.indirect.scatter.add.f32 [tilespmem:s23], [sflag:$0x2], $0x10, s30, s16, $0xb8;
	[tilespmem:$0xE000] =	vst v63  }
0x97: {  	_ =	swait.ge [sflag:s25], $0x800  }
0x98: {  	[sflag:s25] =	ssyncset.done $0x0  }
0x99: {  	s30 =	sadd.s32 $0x2B80, s31;
	[sflag:s25] =	ssyncadd.s32 $0xFFFFF800  }
0x9a: {  	[spmem:s2] =	stream.indirect.scatter.add.f32 [tilespmem:s24], [sflag:$0x2], $0x10, s30, s16, $0xb8;
	[tilespmem:$0xE000] =	vst v63  }
0x9b: {  	_ =	swait.ge [sflag:s26], $0x800  }
0x9c: {  	[sflag:s26] =	ssyncset.done $0x0  }
0x9d: {  	[sflag:s26] =	ssyncadd.s32 $0xFFFFF800  }
0x9e: {  	_ =	swait.ge [sflag:s26], $0x800  }
0x9f: {  	[sflag:s26] =	ssyncset.done $0x0  }
0xa0: {  	[sflag:s26] =	ssyncadd.s32 $0xFFFFF800  }
0xa1: {  	_ =	swait.ge [sflag:s26], $0x800  }
0xa2: {  	[sflag:s26] =	ssyncset.done $0x0  }
0xa3: {  	[sflag:s26] =	ssyncadd.s32 $0xFFFFF800  }
0xa4: {  	_ =	swait.ge [sflag:s26], $0x800  }
0xa5: {  	[sflag:s26] =	ssyncset.done $0x0  }
0xa6: {  	[sflag:s26] =	ssyncadd.s32 $0xFFFFF800  }
0xa7: {  	_ =	swait.ge [sflag:s26], $0x800  }
0xa8: {  	[sflag:s26] =	ssyncset.done $0x0  }
0xa9: {  	[sflag:s26] =	ssyncadd.s32 $0xFFFFF800  }
0xaa: {  	_ =	swait.ge [sflag:s26], $0x800  }
0xab: {  	[sflag:s26] =	ssyncset.done $0x0  }
0xac: {  	[sflag:s26] =	ssyncadd.s32 $0xFFFFF800  }
.Ltmp0:
0xad: {  	_ =	swait.ge [sflag:s26], $0x800;
	(pc) =	sbr.rel @p0 .LBB2_2-.Ltmp0, $4  }
0xae: {  	[sflag:s26] =	ssyncset.done $0x0  }
0xaf: {  	[sflag:s26] =	ssyncadd.s32 $0xFFFFF800  }
0xb0: {  	_ =	swait.ge [sflag:s26], $0x800  }
0xb1: {  	s30 =	smov.u32 s0;
	[sflag:s26] =	ssyncset.done $0x0  }
0xb2: {  	s0 =	sshra.s32 s29, $0x2;
	[sflag:s26] =	ssyncadd.s32 $0xFFFFF800  }
0xb3: {  	[tilespmem:s17], [sflag:$0x1] =	stream.indirect.gather [spmem:s3], $0x10, s0, s16, $0xb8;
	[tilespmem:$0xE000] =	vst v63  }
0xb4: {  	s29 =	sadd.s32 $0x80, s0  }
0xb5: {  	[tilespmem:s18], [sflag:$0x1] =	stream.indirect.gather [spmem:s3], $0x10, s29, s16, $0xb8;
	[tilespmem:$0xE000] =	vst v63  }
0xb6: {  	s31 =	sadd.s32 $0x100, s0  }
0xb7: {  	[tilespmem:s19], [sflag:$0x1] =	stream.indirect.gather [spmem:s3], $0x10, s31, s16, $0xb8;
	[tilespmem:$0xE000] =	vst v63  }
0xb8: {  	s30 =	sadd.s32 $0x180, s0  }
0xb9: {  	[tilespmem:s20], [sflag:$0x1] =	stream.indirect.gather [spmem:s3], $0x10, s30, s16, $0xb8;
	[tilespmem:$0xE000] =	vst v63  }
0xba: {  	s31 =	sadd.s32 $0x200, s0  }
0xbb: {  	[tilespmem:s21], [sflag:$0x1] =	stream.indirect.gather [spmem:s3], $0x10, s31, s16, $0xb8;
	[tilespmem:$0xE000] =	vst v63  }
0xbc: {  	s30 =	sadd.s32 $0x280, s0  }
0xbd: {  	[tilespmem:s22], [sflag:$0x1] =	stream.indirect.gather [spmem:s3], $0x10, s30, s16, $0xb8;
	[tilespmem:$0xE000] =	vst v63  }
0xbe: {  	s31 =	sadd.s32 $0x300, s0  }
0xbf: {  	[tilespmem:s23], [sflag:$0x1] =	stream.indirect.gather [spmem:s3], $0x10, s31, s16, $0xb8;
	[tilespmem:$0xE000] =	vst v63  }
0xc0: {  	s30 =	sadd.s32 $0x380, s0  }
0xc1: {  	[tilespmem:s24], [sflag:$0x1] =	stream.indirect.gather [spmem:s3], $0x10, s30, s16, $0xb8;
	[tilespmem:$0xE000] =	vst v63  }
0xc2: {  	_ =	swait.ge [sflag:s25], $0x800  }
0xc3: {  	[sflag:s25] =	ssyncset.done $0x0  }
0xc4: {  	s31 =	sadd.s32 $0x2800, s0;
	[sflag:s25] =	ssyncadd.s32 $0xFFFFF800  }
0xc5: {  	[spmem:s2] =	stream.indirect.scatter.add.f32 [tilespmem:s17], [sflag:$0x2], $0x10, s31, s16, $0xb8;
	[tilespmem:$0xE000] =	vst v63  }
0xc6: {  	_ =	swait.ge [sflag:s25], $0x800  }
0xc7: {  	[sflag:s25] =	ssyncset.done $0x0  }
0xc8: {  	s30 =	sadd.s32 $0x2880, s0;
	[sflag:s25] =	ssyncadd.s32 $0xFFFFF800  }
0xc9: {  	[spmem:s2] =	stream.indirect.scatter.add.f32 [tilespmem:s18], [sflag:$0x2], $0x10, s30, s16, $0xb8;
	[tilespmem:$0xE000] =	vst v63  }
0xca: {  	_ =	swait.ge [sflag:s25], $0x800  }
0xcb: {  	[sflag:s25] =	ssyncset.done $0x0  }
0xcc: {  	s31 =	sadd.s32 $0x2900, s0;
	[sflag:s25] =	ssyncadd.s32 $0xFFFFF800  }
0xcd: {  	[spmem:s2] =	stream.indirect.scatter.add.f32 [tilespmem:s19], [sflag:$0x2], $0x10, s31, s16, $0xb8;
	[tilespmem:$0xE000] =	vst v63  }
0xce: {  	_ =	swait.ge [sflag:s25], $0x800  }
0xcf: {  	[sflag:s25] =	ssyncset.done $0x0  }
0xd0: {  	s30 =	sadd.s32 $0x2980, s0;
	[sflag:s25] =	ssyncadd.s32 $0xFFFFF800  }
0xd1: {  	[spmem:s2] =	stream.indirect.scatter.add.f32 [tilespmem:s20], [sflag:$0x2], $0x10, s30, s16, $0xb8;
	[tilespmem:$0xE000] =	vst v63  }
0xd2: {  	_ =	swait.ge [sflag:s25], $0x800  }
0xd3: {  	[sflag:s25] =	ssyncset.done $0x0  }
0xd4: {  	s31 =	sadd.s32 $0x2A00, s0;
	[sflag:s25] =	ssyncadd.s32 $0xFFFFF800  }
0xd5: {  	[spmem:s2] =	stream.indirect.scatter.add.f32 [tilespmem:s21], [sflag:$0x2], $0x10, s31, s16, $0xb8;
	[tilespmem:$0xE000] =	vst v63  }
0xd6: {  	_ =	swait.ge [sflag:s25], $0x800  }
0xd7: {  	[sflag:s25] =	ssyncset.done $0x0  }
0xd8: {  	s30 =	sadd.s32 $0x2A80, s0;
	[sflag:s25] =	ssyncadd.s32 $0xFFFFF800  }
0xd9: {  	[spmem:s2] =	stream.indirect.scatter.add.f32 [tilespmem:s22], [sflag:$0x2], $0x10, s30, s16, $0xb8;
	[tilespmem:$0xE000] =	vst v63  }
0xda: {  	_ =	swait.ge [sflag:s25], $0x800  }
0xdb: {  	[sflag:s25] =	ssyncset.done $0x0  }
0xdc: {  	s31 =	sadd.s32 $0x2B00, s0;
	[sflag:s25] =	ssyncadd.s32 $0xFFFFF800  }
0xdd: {  	[spmem:s2] =	stream.indirect.scatter.add.f32 [tilespmem:s23], [sflag:$0x2], $0x10, s31, s16, $0xb8;
	[tilespmem:$0xE000] =	vst v63  }
0xde: {  	_ =	swait.ge [sflag:s25], $0x800  }
0xdf: {  	[sflag:s25] =	ssyncset.done $0x0  }
0xe0: {  	s0 =	sadd.s32 $0x2B80, s0;
	[sflag:s25] =	ssyncadd.s32 $0xFFFFF800  }
0xe1: {  	[spmem:s2] =	stream.indirect.scatter.add.f32 [tilespmem:s24], [sflag:$0x2], $0x10, s0, s16, $0xb8;
	[tilespmem:$0xE000] =	vst v63  }
0xe2: {  	_ =	swait.ge [sflag:s26], $0x800  }
0xe3: {  	[sflag:s26] =	ssyncset.done $0x0  }
0xe4: {  	[sflag:s26] =	ssyncadd.s32 $0xFFFFF800  }
0xe5: {  	_ =	swait.ge [sflag:s26], $0x800  }
0xe6: {  	[sflag:s26] =	ssyncset.done $0x0  }
0xe7: {  	[sflag:s26] =	ssyncadd.s32 $0xFFFFF800  }
0xe8: {  	_ =	swait.ge [sflag:s26], $0x800  }
0xe9: {  	[sflag:s26] =	ssyncset.done $0x0  }
0xea: {  	[sflag:s26] =	ssyncadd.s32 $0xFFFFF800  }
0xeb: {  	_ =	swait.ge [sflag:s26], $0x800  }
0xec: {  	[sflag:s26] =	ssyncset.done $0x0  }
0xed: {  	[sflag:s26] =	ssyncadd.s32 $0xFFFFF800  }
0xee: {  	_ =	swait.ge [sflag:s26], $0x800  }
0xef: {  	[sflag:s26] =	ssyncset.done $0x0  }
0xf0: {  	[sflag:s26] =	ssyncadd.s32 $0xFFFFF800  }
0xf1: {  	_ =	swait.ge [sflag:s26], $0x800  }
0xf2: {  	[sflag:s26] =	ssyncset.done $0x0  }
0xf3: {  	[sflag:s26] =	ssyncadd.s32 $0xFFFFF800  }
0xf4: {  	_ =	swait.ge [sflag:s26], $0x800  }
0xf5: {  	[sflag:s26] =	ssyncset.done $0x0  }
0xf6: {  	[sflag:s26] =	ssyncadd.s32 $0xFFFFF800  }
0xf7: {  	_ =	swait.ge [sflag:s26], $0x800  }
0xf8: {  	s28 =	sadd.s32 $0x1, s28;
	[sflag:s26] =	ssyncset.done $0x0  }
0xf9: {  	p0 =	sne.s32 s28, s11;
	[sflag:s26] =	ssyncadd.s32 $0xFFFFF800  }
.Ltmp1:
0xfa: {  	[bflag:$0x0] =	sbarrier.arrive $0xFFFF;
	(pc) =	sbr.rel @p0 .LBB2_1-.Ltmp1, $4  }
0xfb: {  	[hbm:s10], [sflag:s6] =	dma.local [spmem:s12], $0x500  }
0xfc: {  	_ =	swait.ge [sflag:s13], $0x500  }
0xfd: {  	[sflag:s13] =	ssyncset.done $0x0  }
0xfe: {  	[sflag:s13] =	ssyncadd.s32 $0xFFFFFB00  }
0xff: {  	_ =	sfence.sel $0x180000  }
0x100: {  	[bflag:$0x0] =	sbarrier.arrive $0xFFFF  }
0x101: {  	_ =	strace $0x9000004D  }
0x102: {  	[bflag:$0x2] =	sbarrier.arrive $0xFFFF  }
0x103: {  	p0 =	sne.s32 s1, $0x0;
	s0 =	rddreg [dreg:$0x3]  }
0x104: {  	s0 =	sadd.s32 @!p0 $0x100000, s0  }
0x105: {  	[sflag:s0] =	ssyncadd.tile.s32 @!p0 $0x1;
	_ =	shalt  }
.Lfunc_end2:
_tile_overlayer_lowered:
.L_overlay_start_2:
0x106: {  	(tag) =	ssettag $0x2  }
0x107: {  	s0 =	rddreg [dreg:$0x0];
	s2 =	stileid.u32  }
0x108: {  	s1 =	rddreg [dreg:$0x1];
	p0 =	sne.s32 s2, $0x0  }
0x109: {  	s3 =	rddreg [dreg:$0x2];
	[bflag:$0x3] =	sbarrier.arrive $0xFFFF;
	s2 =	simm.s32 @!p0 $0x1C03  }
0x10a: {  	[timem:s3], [sflag:s2] =	dma.local @!p0 [hbm:s0], s1  }
0x10b: {  	s0 =	simm.s32 @!p0 $0x3  }
0x10c: {  	_ =	swait.ge @!p0 [sflag:s0], s1  }
0x10d: {  	s1 =	ssub.s32 @!p0 $0x0, s1;
	[sflag:s0] =	ssyncset.done @!p0 $0x0  }
0x10e: {  	[sflag:s0] =	ssyncadd.s32 @!p0 s1  }
0x10f: {  	[bflag:$0x3] =	sbarrier.arrive $0xFFFF  }
0x110: {  	_ =	shalt  }

// kernel: kernel.9.cloned.1.call-start
scs
__scs_entry_jumppad:
0x0: {  	(pc) =	sbr.rel $0x88, $3  }
0x1: {  	(tag) =	ssettag $0x0;
	lr =	simm.s32 $0x1  }
0x2: {  	[smem:$0x3F9B] =	sst lr;
	_ =	strace $0xD0000000  }
0x3: {  	_ = 	snop  }
0x4: {  	_ = 	snop  }
0x5: {  	_ = 	snop  }
0x6: {  	_ = 	snop  }
0x7: {  	_ = 	snop  }
__scs_overlays_trampoline_lowered:
0x8: {  	[smem:$0x3FAA] =	sst s0  }
0x9: {  	[smem:$0x3FAB] =	sst s1  }
0xa: {  	[smem:$0x3FAC] =	sst s2  }
0xb: {  	[smem:$0x3FAD] =	sst s3  }
0xc: {  	[smem:$0x3FAE] =	sst s4  }
0xd: {  	[smem:$0x3FAF] =	sst s5  }
0xe: {  	[smem:$0x3FB0] =	sst s6  }
0xf: {  	[smem:$0x3FB1] =	sst s7  }
0x10: {  	[smem:$0x3FB2] =	sst s8  }
0x11: {  	[smem:$0x3FB3] =	sst s9;
	s0 =	simm.s32 @!p0 $0x0  }
0x12: {  	s1 =	sld [smem:$0x3F99];
	s0 =	simm.s32 @p0 $0x1  }
0x13: {  	[smem:$0x3FB4] =	sst s0;
	s0 =	simm.s32 @!p1 $0x0  }
0x14: {  	s2 =	sld [smem:$0x3F98];
	s0 =	simm.s32 @p1 $0x1  }
0x15: {  	[smem:$0x3FB5] =	sst s0;
	s0 =	simm.s32 @!p2 $0x0  }
0x16: {  	s3 =	sld [smem:$0x3FDB];
	s0 =	simm.s32 @p2 $0x1  }
0x17: {  	s4 =	simm.s32 $0x1BF5;
	[smem:$0x3FB7] =	sst s0  }
0x18: {  	s0 =	sld [smem:$0x3F9A];
	_ =	swait.ge [sflag:s4], $0x0  }
0x19: {  	s7 =	sld [smem:$0x3F9B]  }
0x1a: {  	s8 =	sadd.s32 $0xFFFFE003, lr  }
0x1b: {  	s9 =	sadd.s32 $0xFFFFFEF7, lr;
	s5 =	simm.s32 $0xFFFFFFFF;
	p2 =	slt.u32 s8, $0xFFFFF086  }
0x1c: {  	p1 =	slt.u32 s9, $0xF7A;
	s5 =	simm.s32 @!p2 $0x0  }
0x1d: {  	s5 =	simm.s32 @p1 $0x1;
	p0 =	seq.s32 s7, s2  }
0x1e: {  	s7 =	smul.u32 @!p0 $0xF7A, s2;
	p2 =	seq.s32 @!p0 s5, $0x0  }
0x1f: {  	s9 =	smul.u32 $0xF7A, s1;
	s8 =	simm.s32 @!p0 $0x1BF5;
	p2 =	por !p2, p0  }
0x20: {  	[sflag:s8] =	ssyncset.s32 @!p0 $0xFFFFF086;
	s6 =	sadd.s32 @!p0 s3, s7;
	s7 =	simm.s32 @!p0 $0x108  }
0x21: {  	s3 =	sadd.s32 s3, s9;
	s6 =	sadd.s32 @!p0 $0x88, s6;
	s7 =	simm.s32 @p2 $0x1082  }
0x22: {  	[simem:s7], [sflag:s8] =	dma.local @!p0 [hbm:s6], $0xF7A  }
0x23: {  	s9 =	sor.u32 $0xD0000000, s2;
	s6 =	simm.s32 $0x108;
	_ =	swait.ge @!p0 [sflag:s8], $0x0  }
0x24: {  	s3 =	sadd.s32 $0x88, s3;
	s6 =	simm.s32 @!p1 $0x1082;
	[sflag:s4] =	ssyncset.s32 $0xFFFFF086  }
0x25: {  	[simem:s6], [sflag:s4] =	dma.local [hbm:s3], $0xF7A  }
0x26: {  	[smem:$0x3F9B] =	sst s1;
	(tag) =	ssettag s2;
	_ =	strace s9  }
0x27: {  	s1 =	sld [smem:$0x3FAB]  }
0x28: {  	s2 =	sld [smem:$0x3FAC]  }
0x29: {  	s4 =	sld [smem:$0x3FAE]  }
0x2a: {  	p0 =	seq.s32 s5, $0x0;
	s5 =	sld [smem:$0x3FAF]  }
0x2b: {  	s6 =	sld [smem:$0x3FB0]  }
0x2c: {  	s7 =	sld [smem:$0x3FB1]  }
0x2d: {  	s3 =	simm.s32 $0x108;
	s8 =	sld [smem:$0x3FB2]  }
0x2e: {  	s3 =	simm.s32 @!p0 $0x1082;
	s9 =	sld [smem:$0x3FB3]  }
0x2f: {  	lr =	sadd.s32 s0, s3;
	s0 =	sld [smem:$0x3FAA]  }
0x30: {  	s3 =	sld [smem:$0x3FAD]  }
0x31: {  	[smem:$0x3FB6] =	sst s10  }
0x32: {  	s10 =	sld [smem:$0x3FB4];
	_ =	sdelay $0x3  }
0x33: {  	p0 =	seq.s32 s10, $0x1;
	s10 =	sld [smem:$0x3FB6];
	_ =	sdelay $0x3  }
0x34: {  	[smem:$0x3FB6] =	sst s10  }
0x35: {  	s10 =	sld [smem:$0x3FB5];
	_ =	sdelay $0x3  }
0x36: {  	p1 =	seq.s32 s10, $0x1;
	s10 =	sld [smem:$0x3FB6];
	_ =	sdelay $0x3  }
0x37: {  	[smem:$0x3FB6] =	sst s10  }
0x38: {  	s10 =	sld [smem:$0x3FB7]  }
0x39: {  	_ = 	snop;
	(pc) =	sbr.ind lr, $3  }
0x3a: {  	_ = 	snop  }
0x3b: {  	_ = 	snop  }
0x3c: {  	p2 =	seq.s32 s10, $0x1;
	s10 =	sld [smem:$0x3FB6]  }
0x3d: {  	_ =	shalt  }
0x3e: {  	_ =	shalt  }
0x3f: {  	_ =	shalt  }
0x40: {  	_ =	shalt  }
0x41: {  	_ =	shalt  }
0x42: {  	_ =	shalt  }
0x43: {  	_ =	shalt  }
0x44: {  	_ =	shalt  }
0x45: {  	_ =	shalt  }
0x46: {  	_ =	shalt  }
0x47: {  	_ =	shalt  }
0x48: {  	_ =	shalt  }
0x49: {  	_ =	shalt  }
0x4a: {  	_ =	shalt  }
0x4b: {  	_ =	shalt  }
0x4c: {  	_ =	shalt  }
0x4d: {  	_ =	shalt  }
0x4e: {  	_ =	shalt  }
0x4f: {  	_ =	shalt  }
0x50: {  	_ =	shalt  }
0x51: {  	_ =	shalt  }
0x52: {  	_ =	shalt  }
0x53: {  	_ =	shalt  }
0x54: {  	_ =	shalt  }
0x55: {  	_ =	shalt  }
0x56: {  	_ =	shalt  }
0x57: {  	_ =	shalt  }
0x58: {  	_ =	shalt  }
0x59: {  	_ =	shalt  }
0x5a: {  	_ =	shalt  }
0x5b: {  	_ =	shalt  }
0x5c: {  	_ =	shalt  }
0x5d: {  	_ =	shalt  }
0x5e: {  	_ =	shalt  }
0x5f: {  	_ =	shalt  }
0x60: {  	_ =	shalt  }
0x61: {  	_ =	shalt  }
0x62: {  	_ =	shalt  }
0x63: {  	_ =	shalt  }
0x64: {  	_ =	shalt  }
0x65: {  	_ =	shalt  }
0x66: {  	_ =	shalt  }
0x67: {  	_ =	shalt  }
0x68: {  	_ =	shalt  }
0x69: {  	_ =	shalt  }
0x6a: {  	_ =	shalt  }
0x6b: {  	_ =	shalt  }
0x6c: {  	_ =	shalt  }
0x6d: {  	_ =	shalt  }
0x6e: {  	_ =	shalt  }
0x6f: {  	_ =	shalt  }
0x70: {  	_ =	shalt  }
0x71: {  	_ =	shalt  }
0x72: {  	_ =	shalt  }
0x73: {  	_ =	shalt  }
0x74: {  	_ =	shalt  }
0x75: {  	_ =	shalt  }
0x76: {  	_ =	shalt  }
0x77: {  	_ =	shalt  }
0x78: {  	_ =	shalt  }
0x79: {  	_ =	shalt  }
0x7a: {  	_ =	shalt  }
0x7b: {  	_ =	shalt  }
0x7c: {  	_ =	shalt  }
0x7d: {  	_ =	shalt  }
0x7e: {  	_ =	shalt  }
0x7f: {  	_ =	shalt  }
0x80: {  	_ =	shalt  }
0x81: {  	_ =	shalt  }
0x82: {  	_ =	shalt  }
0x83: {  	_ =	shalt  }
0x84: {  	_ =	shalt  }
0x85: {  	_ =	shalt  }
0x86: {  	_ =	shalt  }
0x87: {  	_ =	shalt  }
.Lfunc_end0:
.L_simem_size_0:
called_computation_lowered:
.L_overlay_start_0:
0x88: {  	s2 =	sld [smem:$0x3FD9]  }
0x89: {  	s3 =	sld [smem:$0x3FFE];
	_ =	sdelay $0x1  }
0x8a: {  	s1 =	srdreg.scid  }
0x8b: {  	s0 =	sand.u32 $0x1, s1  }
0x8c: {  	s17 =	sshll.u32 s0, $0xA;
	s2 =	sadd.s32 s3, s2  }
0x8d: {  	s2 =	sadd.s32 s2, s17  }
0x8e: {  	[smem:$0x3FC2] =	sst s2  }
0x8f: {  	_ = 	snop  }
0x90: {  	s2 =	sld [smem:$0x3FD0];
	(tm) =	ssettm $0x1  }
0x91: {  	s18 =	sld [smem:$0x3FFB];
	_ =	sdelay $0x3  }
0x92: {  	_ =	strace s18  }
0x93: {  	s3 =	sld [smem:$0x3FFC];
	_ =	sdelay $0x3  }
0x94: {  	_ =	strace s3  }
0x95: {  	s3 =	sld [smem:$0x3FFD];
	_ =	sdelay $0x3  }
0x96: {  	_ =	strace s3  }
0x97: {  	_ =	strace $0x8FFFFFFF  }
0x98: {  	s19 =	sld [smem:$0x3FDB];
	_ =	sdelay $0x1  }
0x99: {  	s4 =	simm.s32 $_scs_section_size  }
0x9a: {  	s5 =	simm.s32 $_size__tile_overlayer_lowered;
	s6 =	simm.s32 $_tile_overlayer_lowered  }
0x9b: {  	s22 =	simm.s32 $0x1BFF;
	s21 =	sshll.u32 s6, $0x1;
	s3 =	sadd.s32 s4, s19  }
0x9c: {  	s7 =	simm.s32 $0x0;
	s20 =	sshll.u32 s5, $0x1;
	s5 =	sadd.s32 s21, s3  }
0x9d: {  	[timem:s7], [sflag:s22] =	dma.local [hbm:s5], s20  }
0x9e: {  	_ =	swait.ge [sflag:s22], s20  }
0x9f: {  	s4 =	ssub.s32 $0x0, s20;
	[sflag:s22] =	ssyncset.done $0x0  }
0xa0: {  	[sflag:s22] =	ssyncadd.s32 s4;
	_ =	sdelay $0x1  }
0xa1: {  	s23 =	simm.s32 $0x1B8B  }
0xa2: {  	_ =	swait.ge [sflag:s23], $0x1  }
0xa3: {  	[sflag:s23] =	ssyncset.done $0x0  }
0xa4: {  	s25 =	simm.s32 $0x1B8E;
	s24 =	sld [smem:$0x3FFE];
	[sflag:s23] =	ssyncadd.s32 $0xFFFFFFFF  }
0xa5: {  	s26 =	simm.s32 $execute0_lowered;
	[smem:$0x3FD2] =	sst s25  }
0xa6: {  	s5 =	sshll.u32 s26, $0x1;
	_ =	strace $0x80000046;
	[dreg:$0x1] =	wrdreg $0xFFFFFFFF  }
0xa7: {  	s28 =	simm.s32 $_size_execute0_lowered;
	s3 =	sadd.s32 s3, s5;
	[dreg:$0x0] =	wrdreg $0x0  }
0xa8: {  	s5 =	sshll.u32 s28, $0x1;
	[dreg:$0x2] =	wrdreg s3  }
0xa9: {  	[dreg:$0x3] =	wrdreg s5  }
0xaa: {  	[dreg:$0x4] =	wrdreg $0xC0  }
0xab: {  	_ =	task [dreg:s7], $0x5FFFF  }
0xac: {  	[dreg:$0x1] =	wrdreg $0xFFFFFFFF  }
0xad: {  	[dreg:$0x0] =	wrdreg $0x60  }
0xae: {  	[dreg:$0x2] =	wrdreg s24  }
0xaf: {  	[dreg:$0x3] =	wrdreg s2  }
0xb0: {  	[dreg:$0x4] =	wrdreg $0x28800  }
0xb1: {  	[dreg:$0x5] =	wrdreg $0x9  }
0xb2: {  	_ =	task.clear_ibuf [dreg:s7], $0x6FFFF;
	_ =	strace $0x90000046  }
0xb3: {  	s29 =	simm.s32 $0x9;
	_ =	strace $0x80000048  }
0xb4: {  	_ =	swait.ge [sflag:s29], $0x1  }
0xb5: {  	[sflag:s29] =	ssyncadd.s32 $0xFFFFFFFF  }
0xb6: {  	_ =	strace $0x90000048  }
0xb7: {  	_ =	sfence  }
0xb8: {  	s30 =	sld [smem:$0x0];
	_ =	sdelay $0x2  }
0xb9: {  	s31 =	sshll.u32 s1, $0xD;
	s1 =	sshrl.u32 s1, $0x2  }
0xba: {  	s3 =	sand.u32 $0x4000, s31;
	s1 =	sadd.s32 s1, s30  }
0xbb: {  	s0 =	sor.u32 s3, s0;
	s1 =	sshll.u32 s1, $0x11  }
0xbc: {  	s0 =	sor.u32 s1, s0  }
0xbd: {  	s0 =	sadd.s32 $0x8F2B, s0  }
0xbe: {  	[sflag:s0] =	ssyncadd.remote.s32 $0x1  }
0xbf: {  	_ =	sfence.sel $0xFFFF  }
0xc0: {  	[dreg:$0x0] =	wrdreg $0xFFFFFFFF;
	(pc) =	sbr.abs _section_cstart, $3  }
0xc1: {  	[dreg:$0x1] =	wrdreg $0xFFFFFFFF  }
0xc2: {  	_ =	task.clear_ibuf [dreg:s7], $0x2FFFF;
	_ =	strace $0x9FFFFFFF  }
0xc3: {  	(tm) =	ssettm $0x7FFFFFFF  }
tec
execute0_lowered:
.L_overlay_start_1:
0x0: {  	(tag) =	ssettag $0x1  }
0x1: {  	s4 =	rddreg [dreg:$0x0]  }
0x2: {  	s0 =	srdreg.scid;
	s7 =	rddreg [dreg:$0x1]  }
0x3: {  	s2 =	rddreg [dreg:$0x2];
	s3 =	simm.s32 $0x0;
	s12 =	simm.s32 $0x2800  }
0x4: {  	s13 =	simm.s32 $0x1;
	s14 =	simm.s32 $0x20;
	s15 =	simm.s32 $0x10  }
0x5: {  	s16 =	simm.s32 $0x0;
	s5 =	sand.u32 $0x1, s0;
	s0 =	stileid.u32  }
0x6: {  	[smem:$0x7FF] =	sst s3;
	s1 =	sshll.u32 s5, $0x4;
	s8 =	smul.u32 $0x280, s0  }
0x7: {  	s10 =	ssub.s32 $0x2, s5;
	s11 =	smul.u32 $0x500, s0;
	s5 =	sshll.u32 s5, $0x7  }
0x8: {  	s31 =	sshll.u32 s0, $0x6;
	s6 =	sor.u32 s0, s1;
	s1 =	rddreg [dreg:$0x3]  }
0x9: {  	_ =	strace $0x80000047;
	s29 =	sshrl.u32 s10, $0x1;
	s6 =	smul.u32 $0x500, s6  }
0xa: {  	s9 =	sshrl.u32 s8, $0x3;
	s30 =	sadd.s32 s8, s2;
	s5 =	sor.u32 s5, s11  }
0xb: {  	s11 =	sshrl.u32 s5, $0x3;
	s5 =	sor.u32 $0x1C02, s31;
	s6 =	sadd.s32 s6, s4  }
0xc: {  	s4 =	sadd.s32 s9, s4;
	s9 =	ssub.s32 s10, s29;
	s7 =	sadd.s32 s7, s11  }
0xd: {  	s10 =	simm.s32 $0x2;
	s11 =	simm.s32 $0x80;
	s4 =	sadd.s32 $0xB600, s4  }
0xe: {  	v0 =	vimm.f32 $1.000000000e+00;
	s6 =	sadd.s32 $0x1600, s6;
	s8 =	smax.u32 s9, $0x1;
	s9 =	sshrl.u32 s30, $0x3  }
.LBB2_1:
0xf: {  	[spmem:s9], [sflag:s5] =	dma.local [hbm:s4], $0x50  }
0x10: {  	_ =	swait.ge [sflag:s10], $0x50  }
0x11: {  	[sflag:s10] =	ssyncset.done $0x0  }
0x12: {  	[sflag:s10] =	ssyncadd.s32 $0xFFFFFFB0  }
0x13: {  	[tilespmem:s3], [sflag:$0x2] =	stream.linear.gather [hbm4b:s6+s3], $0x2800, $0x38;
	[tilespmem:$0x2B00] =	vst v63  }
0x14: {  	_ =	swait.ge [sflag:s10], $0x2800  }
0x15: {  	[sflag:s10] =	ssyncset.done $0x0  }
0x16: {  	[sflag:s10] =	ssyncadd.s32 $0xFFFFD800  }
0x17: {  	[tilespmem:$0x2800] =	vst v0  }
0x18: {  	[tilespmem:$0x2810] =	vst v0  }
0x19: {  	[tilespmem:$0x2820] =	vst v0  }
0x1a: {  	[tilespmem:$0x2830] =	vst v0  }
0x1b: {  	[tilespmem:$0x2840] =	vst v0  }
0x1c: {  	[tilespmem:$0x2850] =	vst v0  }
0x1d: {  	[tilespmem:$0x2860] =	vst v0  }
0x1e: {  	[tilespmem:$0x2870] =	vst v0  }
0x1f: {  	s17 =	simm.s32 $0x0;
	[bflag:$0x0] =	sbarrier.arrive $0xFFFF  }
0x20: {  	[spmem:s2] =	stream.indirect.scatter.add.f32 [tilespmem:s12], [sflag:$0x1], $0x1, s17, s11, $0xb8;
	[tilespmem:$0x2B00] =	vst v63  }
0x21: {  	s24 =	simm.s32 $0x80  }
0x22: {  	[spmem:s2] =	stream.indirect.scatter.add.f32 [tilespmem:s12], [sflag:$0x1], $0x1, s24, s11, $0xb8;
	[tilespmem:$0x2B00] =	vst v63  }
0x23: {  	s25 =	simm.s32 $0x100  }
0x24: {  	[spmem:s2] =	stream.indirect.scatter.add.f32 [tilespmem:s12], [sflag:$0x1], $0x1, s25, s11, $0xb8;
	[tilespmem:$0x2B00] =	vst v63  }
0x25: {  	s26 =	simm.s32 $0x180  }
0x26: {  	[spmem:s2] =	stream.indirect.scatter.add.f32 [tilespmem:s12], [sflag:$0x1], $0x1, s26, s11, $0xb8;
	[tilespmem:$0x2B00] =	vst v63  }
0x27: {  	s28 =	simm.s32 $0x200  }
0x28: {  	[spmem:s2] =	stream.indirect.scatter.add.f32 [tilespmem:s12], [sflag:$0x1], $0x1, s28, s11, $0xb8;
	[tilespmem:$0x2B00] =	vst v63  }
0x29: {  	s29 =	simm.s32 $0x280  }
0x2a: {  	[spmem:s2] =	stream.indirect.scatter.add.f32 [tilespmem:s12], [sflag:$0x1], $0x1, s29, s11, $0xb8;
	[tilespmem:$0x2B00] =	vst v63  }
0x2b: {  	s30 =	simm.s32 $0x300  }
0x2c: {  	[spmem:s2] =	stream.indirect.scatter.add.f32 [tilespmem:s12], [sflag:$0x1], $0x1, s30, s11, $0xb8;
	[tilespmem:$0x2B00] =	vst v63  }
0x2d: {  	s31 =	simm.s32 $0x380  }
0x2e: {  	[spmem:s2] =	stream.indirect.scatter.add.f32 [tilespmem:s12], [sflag:$0x1], $0x1, s31, s11, $0xb8;
	[tilespmem:$0x2B00] =	vst v63  }
0x2f: {  	_ =	swait.ge [sflag:s13], $0x80  }
0x30: {  	[sflag:s13] =	ssyncset.done $0x0  }
0x31: {  	[sflag:s13] =	ssyncadd.s32 $0xFFFFFF80  }
0x32: {  	_ =	swait.ge [sflag:s13], $0x80  }
0x33: {  	[sflag:s13] =	ssyncset.done $0x0  }
0x34: {  	[sflag:s13] =	ssyncadd.s32 $0xFFFFFF80  }
0x35: {  	_ =	swait.ge [sflag:s13], $0x80  }
0x36: {  	[sflag:s13] =	ssyncset.done $0x0  }
0x37: {  	[sflag:s13] =	ssyncadd.s32 $0xFFFFFF80  }
0x38: {  	_ =	swait.ge [sflag:s13], $0x80  }
0x39: {  	[sflag:s13] =	ssyncset.done $0x0  }
0x3a: {  	[sflag:s13] =	ssyncadd.s32 $0xFFFFFF80  }
0x3b: {  	_ =	swait.ge [sflag:s13], $0x80  }
0x3c: {  	[sflag:s13] =	ssyncset.done $0x0  }
0x3d: {  	[sflag:s13] =	ssyncadd.s32 $0xFFFFFF80  }
0x3e: {  	_ =	swait.ge [sflag:s13], $0x80  }
0x3f: {  	[sflag:s13] =	ssyncset.done $0x0  }
0x40: {  	[sflag:s13] =	ssyncadd.s32 $0xFFFFFF80  }
0x41: {  	_ =	swait.ge [sflag:s13], $0x80  }
0x42: {  	[sflag:s13] =	ssyncset.done $0x0  }
0x43: {  	[sflag:s13] =	ssyncadd.s32 $0xFFFFFF80  }
0x44: {  	_ =	swait.ge [sflag:s13], $0x80  }
0x45: {  	s19 =	simm.s32 $0x2000;
	s17 =	simm.s32 $0x1000;
	[sflag:s13] =	ssyncset.done $0x0  }
.LBB2_2:
0x46: {  	s20 =	sshra.s32 s17, $0x2  }
0x47: {  	[sflag:s13] =	ssyncadd.s32 $0xFFFFFF80;
	s17 =	smov.u32 s19;
	s18 =	sadd.s32 $0x1000, s19  }
0x48: {  	[spmem:s2] =	stream.indirect.scatter.add.f32 [tilespmem:s12], [sflag:$0x1], $0x1, s20, s11, $0xb8;
	[tilespmem:$0x2B00] =	vst v63  }
0x49: {  	p0 =	sne.s32 s19, $0x9000;
	s19 =	sadd.s32 $0x80, s20  }
0x4a: {  	[spmem:s2] =	stream.indirect.scatter.add.f32 [tilespmem:s12], [sflag:$0x1], $0x1, s19, s11, $0xb8;
	[tilespmem:$0x2B00] =	vst v63  }
0x4b: {  	s19 =	sadd.s32 $0x100, s20  }
0x4c: {  	[spmem:s2] =	stream.indirect.scatter.add.f32 [tilespmem:s12], [sflag:$0x1], $0x1, s19, s11, $0xb8;
	[tilespmem:$0x2B00] =	vst v63  }
0x4d: {  	s19 =	sadd.s32 $0x180, s20  }
0x4e: {  	[spmem:s2] =	stream.indirect.scatter.add.f32 [tilespmem:s12], [sflag:$0x1], $0x1, s19, s11, $0xb8;
	[tilespmem:$0x2B00] =	vst v63  }
0x4f: {  	s19 =	sadd.s32 $0x200, s20  }
0x50: {  	[spmem:s2] =	stream.indirect.scatter.add.f32 [tilespmem:s12], [sflag:$0x1], $0x1, s19, s11, $0xb8;
	[tilespmem:$0x2B00] =	vst v63  }
0x51: {  	s19 =	sadd.s32 $0x280, s20  }
0x52: {  	[spmem:s2] =	stream.indirect.scatter.add.f32 [tilespmem:s12], [sflag:$0x1], $0x1, s19, s11, $0xb8;
	[tilespmem:$0x2B00] =	vst v63  }
0x53: {  	s19 =	sadd.s32 $0x300, s20  }
0x54: {  	[spmem:s2] =	stream.indirect.scatter.add.f32 [tilespmem:s12], [sflag:$0x1], $0x1, s19, s11, $0xb8;
	[tilespmem:$0x2B00] =	vst v63  }
0x55: {  	s19 =	sadd.s32 $0x380, s20  }
0x56: {  	[spmem:s2] =	stream.indirect.scatter.add.f32 [tilespmem:s12], [sflag:$0x1], $0x1, s19, s11, $0xb8;
	[tilespmem:$0x2B00] =	vst v63  }
0x57: {  	_ =	swait.ge [sflag:s13], $0x80  }
0x58: {  	[sflag:s13] =	ssyncset.done $0x0  }
0x59: {  	[sflag:s13] =	ssyncadd.s32 $0xFFFFFF80  }
0x5a: {  	_ =	swait.ge [sflag:s13], $0x80  }
0x5b: {  	[sflag:s13] =	ssyncset.done $0x0  }
0x5c: {  	[sflag:s13] =	ssyncadd.s32 $0xFFFFFF80  }
0x5d: {  	_ =	swait.ge [sflag:s13], $0x80  }
0x5e: {  	[sflag:s13] =	ssyncset.done $0x0  }
0x5f: {  	[sflag:s13] =	ssyncadd.s32 $0xFFFFFF80  }
0x60: {  	_ =	swait.ge [sflag:s13], $0x80  }
0x61: {  	[sflag:s13] =	ssyncset.done $0x0  }
0x62: {  	[sflag:s13] =	ssyncadd.s32 $0xFFFFFF80  }
0x63: {  	_ =	swait.ge [sflag:s13], $0x80  }
0x64: {  	[sflag:s13] =	ssyncset.done $0x0  }
0x65: {  	[sflag:s13] =	ssyncadd.s32 $0xFFFFFF80  }
0x66: {  	_ =	swait.ge [sflag:s13], $0x80  }
0x67: {  	[sflag:s13] =	ssyncset.done $0x0  }
0x68: {  	[sflag:s13] =	ssyncadd.s32 $0xFFFFFF80  }
.Ltmp0:
0x69: {  	_ =	swait.ge [sflag:s13], $0x80;
	(pc) =	sbr.rel @p0 .LBB2_2-.Ltmp0, $4  }
0x6a: {  	[sflag:s13] =	ssyncset.done $0x0  }
0x6b: {  	[sflag:s13] =	ssyncadd.s32 $0xFFFFFF80  }
0x6c: {  	_ =	swait.ge [sflag:s13], $0x80  }
0x6d: {  	s19 =	smov.u32 s18;
	[sflag:s13] =	ssyncset.done $0x0  }
0x6e: {  	s17 =	sshra.s32 s17, $0x2;
	[sflag:s13] =	ssyncadd.s32 $0xFFFFFF80  }
0x6f: {  	[spmem:s2] =	stream.indirect.scatter.add.f32 [tilespmem:s12], [sflag:$0x1], $0x1, s17, s11, $0xb8;
	[tilespmem:$0x2B00] =	vst v63  }
0x70: {  	s18 =	sadd.s32 $0x80, s17  }
0x71: {  	[spmem:s2] =	stream.indirect.scatter.add.f32 [tilespmem:s12], [sflag:$0x1], $0x1, s18, s11, $0xb8;
	[tilespmem:$0x2B00] =	vst v63  }
0x72: {  	s26 =	sadd.s32 $0x100, s17  }
0x73: {  	[spmem:s2] =	stream.indirect.scatter.add.f32 [tilespmem:s12], [sflag:$0x1], $0x1, s26, s11, $0xb8;
	[tilespmem:$0x2B00] =	vst v63  }
0x74: {  	s28 =	sadd.s32 $0x180, s17  }
0x75: {  	[spmem:s2] =	stream.indirect.scatter.add.f32 [tilespmem:s12], [sflag:$0x1], $0x1, s28, s11, $0xb8;
	[tilespmem:$0x2B00] =	vst v63  }
0x76: {  	s29 =	sadd.s32 $0x200, s17  }
0x77: {  	[spmem:s2] =	stream.indirect.scatter.add.f32 [tilespmem:s12], [sflag:$0x1], $0x1, s29, s11, $0xb8;
	[tilespmem:$0x2B00] =	vst v63  }
0x78: {  	s30 =	sadd.s32 $0x280, s17  }
0x79: {  	[spmem:s2] =	stream.indirect.scatter.add.f32 [tilespmem:s12], [sflag:$0x1], $0x1, s30, s11, $0xb8;
	[tilespmem:$0x2B00] =	vst v63  }
0x7a: {  	s31 =	sadd.s32 $0x300, s17  }
0x7b: {  	[spmem:s2] =	stream.indirect.scatter.add.f32 [tilespmem:s12], [sflag:$0x1], $0x1, s31, s11, $0xb8;
	[tilespmem:$0x2B00] =	vst v63  }
0x7c: {  	s17 =	sadd.s32 $0x380, s17  }
0x7d: {  	[spmem:s2] =	stream.indirect.scatter.add.f32 [tilespmem:s12], [sflag:$0x1], $0x1, s17, s11, $0xb8;
	[tilespmem:$0x2B00] =	vst v63  }
0x7e: {  	_ =	swait.ge [sflag:s13], $0x80  }
0x7f: {  	[sflag:s13] =	ssyncset.done $0x0  }
0x80: {  	[sflag:s13] =	ssyncadd.s32 $0xFFFFFF80  }
0x81: {  	_ =	swait.ge [sflag:s13], $0x80  }
0x82: {  	[sflag:s13] =	ssyncset.done $0x0  }
0x83: {  	[sflag:s13] =	ssyncadd.s32 $0xFFFFFF80  }
0x84: {  	_ =	swait.ge [sflag:s13], $0x80  }
0x85: {  	[sflag:s13] =	ssyncset.done $0x0  }
0x86: {  	[sflag:s13] =	ssyncadd.s32 $0xFFFFFF80  }
0x87: {  	_ =	swait.ge [sflag:s13], $0x80  }
0x88: {  	[sflag:s13] =	ssyncset.done $0x0  }
0x89: {  	[sflag:s13] =	ssyncadd.s32 $0xFFFFFF80  }
0x8a: {  	_ =	swait.ge [sflag:s13], $0x80  }
0x8b: {  	[sflag:s13] =	ssyncset.done $0x0  }
0x8c: {  	[sflag:s13] =	ssyncadd.s32 $0xFFFFFF80  }
0x8d: {  	_ =	swait.ge [sflag:s13], $0x80  }
0x8e: {  	[sflag:s13] =	ssyncset.done $0x0  }
0x8f: {  	[sflag:s13] =	ssyncadd.s32 $0xFFFFFF80  }
0x90: {  	_ =	swait.ge [sflag:s13], $0x80  }
0x91: {  	[sflag:s13] =	ssyncset.done $0x0  }
0x92: {  	[sflag:s13] =	ssyncadd.s32 $0xFFFFFF80  }
0x93: {  	_ =	swait.ge [sflag:s13], $0x80  }
0x94: {  	s16 =	sadd.s32 $0x1, s16;
	[sflag:s13] =	ssyncset.done $0x0  }
0x95: {  	p0 =	sne.s32 s16, s8;
	[sflag:s13] =	ssyncadd.s32 $0xFFFFFF80  }
.Ltmp1:
0x96: {  	[bflag:$0x0] =	sbarrier.arrive $0xFFFF;
	(pc) =	sbr.rel @p0 .LBB2_1-.Ltmp1, $4  }
0x97: {  	[hbm:s7@s14], [sflag:s5] =	dma.strided [spmem:s9@s15], $0x50, s13, $0x10   }
0x98: {  	_ =	swait.ge [sflag:s10], $0x50  }
0x99: {  	[sflag:s10] =	ssyncset.done $0x0  }
0x9a: {  	[sflag:s10] =	ssyncadd.s32 $0xFFFFFFB0  }
0x9b: {  	_ =	sfence.sel $0x180000  }
0x9c: {  	[bflag:$0x0] =	sbarrier.arrive $0xFFFF  }
0x9d: {  	p0 =	sne.s32 s0, $0x0;
	_ =	strace $0x90000047  }
0x9e: {  	s0 =	sadd.s32 @!p0 $0x100000, s1;
	[bflag:$0x2] =	sbarrier.arrive $0xFFFF  }
0x9f: {  	[sflag:s0] =	ssyncadd.tile.s32 @!p0 $0x1;
	_ =	shalt  }
.Lfunc_end2:
_tile_overlayer_lowered:
.L_overlay_start_2:
0xa0: {  	(tag) =	ssettag $0x2  }
0xa1: {  	s0 =	rddreg [dreg:$0x0];
	s2 =	stileid.u32  }
0xa2: {  	s1 =	rddreg [dreg:$0x1];
	p0 =	sne.s32 s2, $0x0  }
0xa3: {  	s3 =	rddreg [dreg:$0x2];
	[bflag:$0x3] =	sbarrier.arrive $0xFFFF;
	s2 =	simm.s32 @!p0 $0x1C02  }
0xa4: {  	[timem:s3], [sflag:s2] =	dma.local @!p0 [hbm:s0], s1  }
0xa5: {  	s0 =	simm.s32 @!p0 $0x2  }
0xa6: {  	_ =	swait.ge @!p0 [sflag:s0], s1  }
0xa7: {  	s1 =	ssub.s32 @!p0 $0x0, s1;
	[sflag:s0] =	ssyncset.done @!p0 $0x0  }
0xa8: {  	[sflag:s0] =	ssyncadd.s32 @!p0 s1  }
0xa9: {  	[bflag:$0x3] =	sbarrier.arrive $0xFFFF  }
0xaa: {  	_ =	shalt  }

</sc_bundles>
